<compile_context>
chip_gen: v7x
topology: tpu7x:2x2x1
jax: 0.10.2.dev20260603
libtpu: 0.0.44.dev20260713+nightly
codegen_flags: <defaults>
</compile_context>

<pallas_src>
import functools

import jax
import jax.numpy as jnp
from jax import lax
from jax.experimental import pallas as pl
from jax.experimental.pallas import tpu as pltpu
from jax.experimental.pallas import tpu_sc as plsc

_D = 110
_VP = 384
_L = 128
_UNROLL = 5


@functools.lru_cache(maxsize=None)
def _build_gather(N: int, J: int, V: int):
    info = plsc.get_sparse_core_info()
    NC, NS = info.num_cores, info.num_subcores
    NW = NC * NS
    n_it = N // _L
    it_per_w = n_it // NW
    n_super = J * it_per_w
    mesh = plsc.VectorSubcoreMesh(core_axis_name="c", subcore_axis_name="s")

    @functools.partial(
        pl.kernel,
        out_type=jax.ShapeDtypeStruct((J, _D, N), jnp.float32),
        mesh=mesh,
        scratch_types=[
            pltpu.VMEM((it_per_w, J, _L), jnp.int32),
            pltpu.VMEM((_D * _VP,), jnp.float32),
            pltpu.VMEM((2, _D, _L), jnp.float32),
            pltpu.SemaphoreType.DMA,
            pltpu.SemaphoreType.DMA,
        ],
        compiler_params=pltpu.CompilerParams(needs_layout_passes=False),
    )
    def gather(steps_hbm, table_hbm, out_hbm, idx_v, tab_v, cmp_v, w0, w1):
        sem_w = (w0, w1)
        wid = lax.axis_index("s") * NC + lax.axis_index("c")
        it0 = wid * it_per_w
        pltpu.sync_copy(table_hbm, tab_v)
        pltpu.sync_copy(steps_hbm.at[pl.ds(it0, it_per_w)], idx_v)
        lane = jax.lax.iota(jnp.int32, 16)
        kzero = lane * 0

        def write_desc(t, b):
            j = t // it_per_w
            itl = lax.rem(t, it_per_w)
            return pltpu.make_async_copy(
                cmp_v.at[b],
                out_hbm.at[j].at[:, pl.ds((it0 + itl) * _L, _L)],
                sem_w[b],
            )

        def transpose_gather(t, b):
            j = t // it_per_w
            itl = lax.rem(t, it_per_w)
            idx_row = idx_v.at[itl, j]
            ivs = [idx_row[pl.ds(g * 16, 16)] for g in range(_L // 16)]
            dst = cmp_v.at[b]

            def col_body(u2, kofs):
                k0 = u2 * _UNROLL
                for d in range(_UNROLL):
                    drow = dst.at[k0 + d]
                    ko = kofs + d * _VP
                    for g in range(_L // 16):
                        v = plsc.load_gather(tab_v, [ko + ivs[g]])
                        drow[pl.ds(g * 16, 16)] = v
                return kofs + _UNROLL * _VP

            lax.fori_loop(0, _D // _UNROLL, col_body, kzero)

        def pair_body(u, carry):
            for b in (0, 1):
                t = 2 * u + b

                @pl.when(t >= 2)
                def _():
                    write_desc(t - 2, b).wait()

                transpose_gather(t, b)
                write_desc(t, b).start()
            return carry

        lax.fori_loop(0, n_super // 2, pair_body, 0)
        for b in (0, 1):
            write_desc(n_super - 2 + b, b).wait()

    return gather


def kernel(steps, embedding):
    N, J = steps.shape
    V, D = embedding.shape
    steps3 = steps.reshape(N // _L, _L, J).transpose(0, 2, 1)
    tab_t = jnp.pad(embedding.T, ((0, 0), (0, _VP - V))).reshape(-1)
    out_t = _build_gather(N, J, V)(steps3, tab_t)
    return jnp.transpose(out_t, (2, 0, 1))

# --- scband reference (transcript-rebuilt; emitter-appended) ---
"""Pipeline reference for scband-temporal-embedding-model-2207613190459 (READ-ONLY COPY).

The authoritative reference and input builder live on the scoring server;
editing this copy changes nothing except your own understanding.
"""

import jax, jax.numpy as jnp
import numpy as np


def _build_embedding():
    noise_scales = np.arange(0.001, 0.0301, 0.0001)
    L = len(noise_scales)  # 291
    s_vals = np.arange(L // 8, L // 2 + 1).astype(np.float32)  # [36, 146) -> 110 cols
    idx = np.arange(L).astype(np.float32)
    emb = np.stack([np.sin(idx * (1.0 / s)) for s in s_vals], axis=1)  # [291, 110]
    return jnp.asarray(emb, dtype=jnp.float32)


def setup_inputs(seed: int = 0) -> dict:
    key = jax.random.key(seed)
    embedding = _build_embedding()
    L = embedding.shape[0]
    steps = jax.random.randint(key, (16384, 20), 0, L, dtype=jnp.int32)
    return {"steps": steps, "embedding": embedding}


def reference(steps, embedding):
    # Faithful translation of TemporalEmbeddingModel.forward: embedding[steps]
    return jnp.take(embedding, steps, axis=0)

if __name__ == "__main__":
    import jax
    _d = setup_inputs()
    print(jax.jit(kernel)(*tuple(_d.values())))

</pallas_src>

<mosaic_0001>
#map = affine_map<(d0, d1) -> (0, 0, 0)>
#map1 = affine_map<(d0, d1) -> (0)>
module attributes {stable_mosaic.version = 14 : i64} {
  func.func @gather(%arg0: i32, %arg1: i32, %arg2: memref<128x20x128xi32, #tpu.memory_space<hbm>>, %arg3: memref<42240xf32, #tpu.memory_space<hbm>>, %arg4: memref<20x110x16384xf32, #tpu.memory_space<hbm>>, %arg5: memref<4x20x128xi32, #tpu.memory_space<vmem>>, %arg6: memref<42240xf32, #tpu.memory_space<vmem>>, %arg7: memref<2x110x128xf32, #tpu.memory_space<vmem>>, %arg8: memref<!tpu.dma_semaphore, #tpu.memory_space<semaphore_mem>>, %arg9: memref<!tpu.dma_semaphore, #tpu.memory_space<semaphore_mem>>) attributes {dimension_semantics = [#tpu.dimension_semantics<core_parallel>, #tpu.dimension_semantics<subcore_parallel>], iteration_bounds = array<i64: 2, 16>, scalar_prefetch = 0 : i64, scratch_operands = 5 : i64, tpu.core_type = #tpu.core_type<sc_vector_subcore>, window_params = [{transform_indices = #map}, {transform_indices = #map1}, {transform_indices = #map}]} {
    %mul3A = arith.constant 2 : i32
    %mul3A_0 = arith.muli %arg1, %mul3A : i32
    %add3A = arith.addi %mul3A_0, %arg0 : i32
    %mul3A_1 = arith.constant 4 : i32
    %mul3A_2 = arith.muli %add3A, %mul3A_1 : i32
    "tpu.region"() ({
      %run_scoped3A = tpu.sem_alloc : memref<!tpu.dma_semaphore, #tpu.memory_space<semaphore_mem>>
      tpu.enqueue_dma source(%arg3 : memref<42240xf32, #tpu.memory_space<hbm>>) target(%arg6 : memref<42240xf32, #tpu.memory_space<vmem>>) target_semaphore(%run_scoped3A : memref<!tpu.dma_semaphore, #tpu.memory_space<semaphore_mem>>)
      tpu.wait_dma2 semaphore(%run_scoped3A : memref<!tpu.dma_semaphore, #tpu.memory_space<semaphore_mem>>) src(%arg3 : memref<42240xf32, #tpu.memory_space<hbm>>) dst(%arg6 : memref<42240xf32, #tpu.memory_space<vmem>>)
      tpu.yield
    }) : () -> ()
    "tpu.region"() ({
      %run_scoped3A = tpu.sem_alloc : memref<!tpu.dma_semaphore, #tpu.memory_space<semaphore_mem>>
      %dma_start3A = arith.constant 0 : i32
      %dma_start3A_65 = arith.constant 0 : i32
      %dma_start3A_66 = tpu.memref_slice %arg2[%mul3A_2, %dma_start3A, %dma_start3A_65] : memref<128x20x128xi32, #tpu.memory_space<hbm>> -> memref<4x20x128xi32, #tpu.memory_space<hbm>>
      %dma_start3A_67 = arith.constant 0 : i32
      %dma_start3A_68 = arith.constant 0 : i32
      %dma_start3A_69 = tpu.memref_slice %arg2[%mul3A_2, %dma_start3A_67, %dma_start3A_68] : memref<128x20x128xi32, #tpu.memory_space<hbm>> -> memref<4x20x128xi32, #tpu.memory_space<hbm>>
      tpu.enqueue_dma source(%dma_start3A_69 : memref<4x20x128xi32, #tpu.memory_space<hbm>>) target(%arg5 : memref<4x20x128xi32, #tpu.memory_space<vmem>>) target_semaphore(%run_scoped3A : memref<!tpu.dma_semaphore, #tpu.memory_space<semaphore_mem>>)
      %dma_wait3A_70 = arith.constant 0 : i32
      %dma_wait3A_71 = arith.constant 0 : i32
      %dma_wait3A_72 = tpu.memref_slice %arg2[%mul3A_2, %dma_wait3A_70, %dma_wait3A_71] : memref<128x20x128xi32, #tpu.memory_space<hbm>> -> memref<4x20x128xi32, #tpu.memory_space<hbm>>
      %dma_wait3A_73 = arith.constant 0 : i32
      %dma_wait3A_74 = arith.constant 0 : i32
      %dma_wait3A_75 = tpu.memref_slice %arg2[%mul3A_2, %dma_wait3A_73, %dma_wait3A_74] : memref<128x20x128xi32, #tpu.memory_space<hbm>> -> memref<4x20x128xi32, #tpu.memory_space<hbm>>
      tpu.wait_dma2 semaphore(%run_scoped3A : memref<!tpu.dma_semaphore, #tpu.memory_space<semaphore_mem>>) src(%dma_wait3A_75 : memref<4x20x128xi32, #tpu.memory_space<hbm>>) dst(%arg5 : memref<4x20x128xi32, #tpu.memory_space<vmem>>)
      tpu.yield
    }) : () -> ()
    %iota3A = tpu.iota {dimensions = array<i32: 0>} : vector<16xi32>
    %mul3A_3 = arith.constant 0 : i32
    %mul3A_4 = vector.broadcast %mul3A_3 : i32 to vector<16xi32>
    %mul3A_5 = arith.muli %iota3A, %mul3A_4 : vector<16xi32>
    %scan3A = arith.constant 0 : i32
    %scan3A_6 = arith.constant 0 : i32
    %scan3A_7 = arith.constant 40 : i32
    %scan3A_8 = arith.addi %scan3A_6, %scan3A_7 : i32
    %scan3A_9 = arith.constant 1 : i32
    scf.for %scan3A_65 = %scan3A_6 to %scan3A_8 step %scan3A_9  : i32 {
      %mul3A_66 = arith.constant 2 : i32
      %mul3A_67 = arith.muli %mul3A_66, %scan3A_65 : i32
      %add3A_68 = arith.constant 0 : i32
      %add3A_69 = arith.addi %mul3A_67, %add3A_68 : i32
      %ge3A = arith.constant 2 : i32
      %ge3A_70 = arith.cmpi sge, %add3A_69, %ge3A : i32
      %convert_element_type3A = arith.extui %ge3A_70 : i1 to i32
      %cond3A = arith.constant 0 : i32
      %cond3A_71 = arith.cmpi ne, %convert_element_type3A, %cond3A : i32
      scf.if %cond3A_71 {
        %sub3A_318 = arith.constant 2 : i32
        %sub3A_319 = arith.subi %add3A_69, %sub3A_318 : i32
        %jit3A_320 = arith.constant 4 : i32
        %div3A_321 = arith.divsi %sub3A_319, %jit3A_320 : i32
        %sign3A_322 = arith.constant 0 : i32
        %sign3A_323 = arith.cmpi sgt, %sub3A_319, %sign3A_322 : i32
        %sign3A_324 = arith.extui %sign3A_323 : i1 to i32
        %sign3A_325 = arith.constant 0 : i32
        %sign3A_326 = arith.cmpi slt, %sub3A_319, %sign3A_325 : i32
        %sign3A_327 = arith.extui %sign3A_326 : i1 to i32
        %sign3A_328 = arith.subi %sign3A_324, %sign3A_327 : i32
        %sign3A_329 = arith.constant 0 : i32
        %sign3A_330 = arith.cmpi sgt, %jit3A_320, %sign3A_329 : i32
        %sign3A_331 = arith.extui %sign3A_330 : i1 to i32
        %sign3A_332 = arith.constant 0 : i32
        %sign3A_333 = arith.cmpi slt, %jit3A_320, %sign3A_332 : i32
        %sign3A_334 = arith.extui %sign3A_333 : i1 to i32
        %sign3A_335 = arith.subi %sign3A_331, %sign3A_334 : i32
        %ne3A_336 = arith.cmpi ne, %sign3A_328, %sign3A_335 : i32
        %rem3A_337 = arith.remsi %sub3A_319, %jit3A_320 : i32
        %ne3A_338 = arith.constant 0 : i32
        %ne3A_339 = arith.cmpi ne, %rem3A_337, %ne3A_338 : i32
        %and3A_340 = arith.andi %ne3A_336, %ne3A_339 : i1
        %sub3A_341 = arith.constant 1 : i32
        %sub3A_342 = arith.subi %div3A_321, %sub3A_341 : i32
        %select_n3A_343 = arith.select %and3A_340, %sub3A_342, %div3A_321 : i32
        %rem3A_344 = arith.constant 4 : i32
        %rem3A_345 = arith.remsi %sub3A_319, %rem3A_344 : i32
        %add3A_346 = arith.addi %mul3A_2, %rem3A_345 : i32
        %mul3A_347 = arith.constant 128 : i32
        %mul3A_348 = arith.muli %add3A_346, %mul3A_347 : i32
        %dma_wait3A_349 = arith.constant 0 : i32
        %dma_wait3A_350 = arith.constant 0 : i32
        %dma_wait3A_351 = arith.constant 0 : i32
        %dma_wait3A_352 = tpu.memref_slice %arg7[%dma_wait3A_349, %dma_wait3A_350, %dma_wait3A_351] : memref<2x110x128xf32, #tpu.memory_space<vmem>> -> memref<1x110x128xf32, #tpu.memory_space<vmem>>
        %dma_wait3A_353 = tpu.memref_squeeze %dma_wait3A_352 : memref<1x110x128xf32, #tpu.memory_space<vmem>> -> memref<110x128xf32, #tpu.memory_space<vmem>>
        %dma_wait3A_354 = arith.constant 0 : i32
        %dma_wait3A_355 = arith.constant 0 : i32
        %dma_wait3A_356 = tpu.memref_slice %arg4[%select_n3A_343, %dma_wait3A_354, %dma_wait3A_355] : memref<20x110x16384xf32, #tpu.memory_space<hbm>> -> memref<1x110x16384xf32, #tpu.memory_space<hbm>>
        %dma_wait3A_357 = tpu.memref_squeeze %dma_wait3A_356 : memref<1x110x16384xf32, #tpu.memory_space<hbm>> -> memref<110x16384xf32, #tpu.memory_space<hbm>>
        %dma_wait3A_358 = arith.constant 0 : i32
        %dma_wait3A_359 = tpu.memref_slice %dma_wait3A_357[%dma_wait3A_358, %mul3A_348] : memref<110x16384xf32, #tpu.memory_space<hbm>> -> memref<110x128xf32, #tpu.memory_space<hbm>>
        %dma_wait3A_360 = arith.constant 0 : i32
        %dma_wait3A_361 = arith.constant 0 : i32
        %dma_wait3A_362 = tpu.memref_slice %arg4[%select_n3A_343, %dma_wait3A_360, %dma_wait3A_361] : memref<20x110x16384xf32, #tpu.memory_space<hbm>> -> memref<1x110x16384xf32, #tpu.memory_space<hbm>>
        %dma_wait3A_363 = tpu.memref_squeeze %dma_wait3A_362 : memref<1x110x16384xf32, #tpu.memory_space<hbm>> -> memref<110x16384xf32, #tpu.memory_space<hbm>>
        %dma_wait3A_364 = arith.constant 0 : i32
        %dma_wait3A_365 = tpu.memref_slice %dma_wait3A_363[%dma_wait3A_364, %mul3A_348] : memref<110x16384xf32, #tpu.memory_space<hbm>> -> memref<110x128xf32, #tpu.memory_space<hbm>>
        %dma_wait3A_366 = arith.constant 0 : i32
        %dma_wait3A_367 = arith.constant 0 : i32
        %dma_wait3A_368 = tpu.memref_slice %arg7[%dma_wait3A_349, %dma_wait3A_366, %dma_wait3A_367] : memref<2x110x128xf32, #tpu.memory_space<vmem>> -> memref<1x110x128xf32, #tpu.memory_space<vmem>>
        %dma_wait3A_369 = tpu.memref_squeeze %dma_wait3A_368 : memref<1x110x128xf32, #tpu.memory_space<vmem>> -> memref<110x128xf32, #tpu.memory_space<vmem>>
        tpu.wait_dma2 semaphore(%arg8 : memref<!tpu.dma_semaphore, #tpu.memory_space<semaphore_mem>>) src(%dma_wait3A_369 : memref<110x128xf32, #tpu.memory_space<vmem>>) dst(%dma_wait3A_365 : memref<110x128xf32, #tpu.memory_space<hbm>>)
      } else {
      }
      %jit3A = arith.constant 4 : i32
      %div3A = arith.divsi %add3A_69, %jit3A : i32
      %sign3A = arith.constant 0 : i32
      %sign3A_72 = arith.cmpi sgt, %add3A_69, %sign3A : i32
      %sign3A_73 = arith.extui %sign3A_72 : i1 to i32
      %sign3A_74 = arith.constant 0 : i32
      %sign3A_75 = arith.cmpi slt, %add3A_69, %sign3A_74 : i32
      %sign3A_76 = arith.extui %sign3A_75 : i1 to i32
      %sign3A_77 = arith.subi %sign3A_73, %sign3A_76 : i32
      %sign3A_78 = arith.constant 0 : i32
      %sign3A_79 = arith.cmpi sgt, %jit3A, %sign3A_78 : i32
      %sign3A_80 = arith.extui %sign3A_79 : i1 to i32
      %sign3A_81 = arith.constant 0 : i32
      %sign3A_82 = arith.cmpi slt, %jit3A, %sign3A_81 : i32
      %sign3A_83 = arith.extui %sign3A_82 : i1 to i32
      %sign3A_84 = arith.subi %sign3A_80, %sign3A_83 : i32
      %ne3A = arith.cmpi ne, %sign3A_77, %sign3A_84 : i32
      %rem3A_85 = arith.remsi %add3A_69, %jit3A : i32
      %ne3A_86 = arith.constant 0 : i32
      %ne3A_87 = arith.cmpi ne, %rem3A_85, %ne3A_86 : i32
      %and3A = arith.andi %ne3A, %ne3A_87 : i1
      %sub3A = arith.constant 1 : i32
      %sub3A_88 = arith.subi %div3A, %sub3A : i32
      %select_n3A = arith.select %and3A, %sub3A_88, %div3A : i32
      %rem3A_89 = arith.constant 4 : i32
      %rem3A_90 = arith.remsi %add3A_69, %rem3A_89 : i32
      %get3A = arith.constant 0 : i32
      %get3A_91 = tpu.memref_slice %arg5[%rem3A_90, %select_n3A, %get3A] : memref<4x20x128xi32, #tpu.memory_space<vmem>> -> memref<1x1x128xi32, #tpu.memory_space<vmem>>
      %get3A_92 = tpu.memref_squeeze %get3A_91 : memref<1x1x128xi32, #tpu.memory_space<vmem>> -> memref<128xi32, #tpu.memory_space<vmem>>
      %get3A_93 = arith.constant 0 : index
      %get3A_94 = tpu.vector_load %get3A_92[%get3A_93] {strides = array<i32>} : memref<128xi32, #tpu.memory_space<vmem>>, vector<16xi32>,
      %get3A_95 = arith.constant 0 : i32
      %get3A_96 = tpu.memref_slice %arg5[%rem3A_90, %select_n3A, %get3A_95] : memref<4x20x128xi32, #tpu.memory_space<vmem>> -> memref<1x1x128xi32, #tpu.memory_space<vmem>>
      %get3A_97 = tpu.memref_squeeze %get3A_96 : memref<1x1x128xi32, #tpu.memory_space<vmem>> -> memref<128xi32, #tpu.memory_space<vmem>>
      %get3A_98 = arith.constant 16 : index
      %get3A_99 = tpu.vector_load %get3A_97[%get3A_98] {strides = array<i32>} : memref<128xi32, #tpu.memory_space<vmem>>, vector<16xi32>,
      %get3A_100 = arith.constant 0 : i32
      %get3A_101 = tpu.memref_slice %arg5[%rem3A_90, %select_n3A, %get3A_100] : memref<4x20x128xi32, #tpu.memory_space<vmem>> -> memref<1x1x128xi32, #tpu.memory_space<vmem>>
      %get3A_102 = tpu.memref_squeeze %get3A_101 : memref<1x1x128xi32, #tpu.memory_space<vmem>> -> memref<128xi32, #tpu.memory_space<vmem>>
      %get3A_103 = arith.constant 32 : index
      %get3A_104 = tpu.vector_load %get3A_102[%get3A_103] {strides = array<i32>} : memref<128xi32, #tpu.memory_space<vmem>>, vector<16xi32>,
      %get3A_105 = arith.constant 0 : i32
      %get3A_106 = tpu.memref_slice %arg5[%rem3A_90, %select_n3A, %get3A_105] : memref<4x20x128xi32, #tpu.memory_space<vmem>> -> memref<1x1x128xi32, #tpu.memory_space<vmem>>
      %get3A_107 = tpu.memref_squeeze %get3A_106 : memref<1x1x128xi32, #tpu.memory_space<vmem>> -> memref<128xi32, #tpu.memory_space<vmem>>
      %get3A_108 = arith.constant 48 : index
      %get3A_109 = tpu.vector_load %get3A_107[%get3A_108] {strides = array<i32>} : memref<128xi32, #tpu.memory_space<vmem>>, vector<16xi32>,
      %get3A_110 = arith.constant 0 : i32
      %get3A_111 = tpu.memref_slice %arg5[%rem3A_90, %select_n3A, %get3A_110] : memref<4x20x128xi32, #tpu.memory_space<vmem>> -> memref<1x1x128xi32, #tpu.memory_space<vmem>>
      %get3A_112 = tpu.memref_squeeze %get3A_111 : memref<1x1x128xi32, #tpu.memory_space<vmem>> -> memref<128xi32, #tpu.memory_space<vmem>>
      %get3A_113 = arith.constant 64 : index
      %get3A_114 = tpu.vector_load %get3A_112[%get3A_113] {strides = array<i32>} : memref<128xi32, #tpu.memory_space<vmem>>, vector<16xi32>,
      %get3A_115 = arith.constant 0 : i32
      %get3A_116 = tpu.memref_slice %arg5[%rem3A_90, %select_n3A, %get3A_115] : memref<4x20x128xi32, #tpu.memory_space<vmem>> -> memref<1x1x128xi32, #tpu.memory_space<vmem>>
      %get3A_117 = tpu.memref_squeeze %get3A_116 : memref<1x1x128xi32, #tpu.memory_space<vmem>> -> memref<128xi32, #tpu.memory_space<vmem>>
      %get3A_118 = arith.constant 80 : index
      %get3A_119 = tpu.vector_load %get3A_117[%get3A_118] {strides = array<i32>} : memref<128xi32, #tpu.memory_space<vmem>>, vector<16xi32>,
      %get3A_120 = arith.constant 0 : i32
      %get3A_121 = tpu.memref_slice %arg5[%rem3A_90, %select_n3A, %get3A_120] : memref<4x20x128xi32, #tpu.memory_space<vmem>> -> memref<1x1x128xi32, #tpu.memory_space<vmem>>
      %get3A_122 = tpu.memref_squeeze %get3A_121 : memref<1x1x128xi32, #tpu.memory_space<vmem>> -> memref<128xi32, #tpu.memory_space<vmem>>
      %get3A_123 = arith.constant 96 : index
      %get3A_124 = tpu.vector_load %get3A_122[%get3A_123] {strides = array<i32>} : memref<128xi32, #tpu.memory_space<vmem>>, vector<16xi32>,
      %get3A_125 = arith.constant 0 : i32
      %get3A_126 = tpu.memref_slice %arg5[%rem3A_90, %select_n3A, %get3A_125] : memref<4x20x128xi32, #tpu.memory_space<vmem>> -> memref<1x1x128xi32, #tpu.memory_space<vmem>>
      %get3A_127 = tpu.memref_squeeze %get3A_126 : memref<1x1x128xi32, #tpu.memory_space<vmem>> -> memref<128xi32, #tpu.memory_space<vmem>>
      %get3A_128 = arith.constant 112 : index
      %get3A_129 = tpu.vector_load %get3A_127[%get3A_128] {strides = array<i32>} : memref<128xi32, #tpu.memory_space<vmem>>, vector<16xi32>,
      %scan3A_130 = arith.constant 0 : i32
      %scan3A_131 = arith.constant 0 : i32
      %scan3A_132 = arith.constant 22 : i32
      %scan3A_133 = arith.addi %scan3A_131, %scan3A_132 : i32
      %scan3A_134 = arith.constant 1 : i32
      %scan3A_135 = scf.for %scan3A_318 = %scan3A_131 to %scan3A_133 step %scan3A_134 iter_args(%scan3A_319 = %mul3A_5) -> (vector<16xi32>)  : i32 {
        %mul3A_320 = arith.constant 5 : i32
        %mul3A_321 = arith.muli %scan3A_318, %mul3A_320 : i32
        %add3A_322 = arith.constant 0 : i32
        %add3A_323 = arith.addi %mul3A_321, %add3A_322 : i32
        %add3A_324 = arith.constant 0 : i32
        %add3A_325 = vector.broadcast %add3A_324 : i32 to vector<16xi32>
        %add3A_326 = arith.addi %scan3A_319, %add3A_325 : vector<16xi32>
        %add3A_327 = arith.addi %add3A_326, %get3A_94 : vector<16xi32>
        %gather3A = tpu.vector_load_idx %arg6[%add3A_327] : memref<42240xf32, #tpu.memory_space<vmem>>[vector<16xi32>], vector<16xf32>,
        %swap3A = arith.constant 0 : i32
        %swap3A_328 = arith.constant 0 : i32
        %swap3A_329 = tpu.memref_slice %arg7[%scan3A_130, %swap3A, %swap3A_328] : memref<2x110x128xf32, #tpu.memory_space<vmem>> -> memref<1x110x128xf32, #tpu.memory_space<vmem>>
        %swap3A_330 = tpu.memref_squeeze %swap3A_329 : memref<1x110x128xf32, #tpu.memory_space<vmem>> -> memref<110x128xf32, #tpu.memory_space<vmem>>
        %swap3A_331 = arith.constant 0 : i32
        %swap3A_332 = tpu.memref_slice %swap3A_330[%add3A_323, %swap3A_331] : memref<110x128xf32, #tpu.memory_space<vmem>> -> memref<1x128xf32, #tpu.memory_space<vmem>>
        %swap3A_333 = tpu.memref_squeeze %swap3A_332 : memref<1x128xf32, #tpu.memory_space<vmem>> -> memref<128xf32, #tpu.memory_space<vmem>>
        %swap3A_334 = arith.constant 0 : index
        %swap3A_335 = tpu.vector_load %swap3A_333[%swap3A_334] {strides = array<i32>} : memref<128xf32, #tpu.memory_space<vmem>>, vector<16xf32>,
        tpu.vector_store %swap3A_333[%swap3A_334], %gather3A {strides = array<i32>} : memref<128xf32, #tpu.memory_space<vmem>>, vector<16xf32>,
        %add3A_336 = arith.addi %add3A_326, %get3A_99 : vector<16xi32>
        %gather3A_337 = tpu.vector_load_idx %arg6[%add3A_336] : memref<42240xf32, #tpu.memory_space<vmem>>[vector<16xi32>], vector<16xf32>,
        %swap3A_338 = arith.constant 0 : i32
        %swap3A_339 = arith.constant 0 : i32
        %swap3A_340 = tpu.memref_slice %arg7[%scan3A_130, %swap3A_338, %swap3A_339] : memref<2x110x128xf32, #tpu.memory_space<vmem>> -> memref<1x110x128xf32, #tpu.memory_space<vmem>>
        %swap3A_341 = tpu.memref_squeeze %swap3A_340 : memref<1x110x128xf32, #tpu.memory_space<vmem>> -> memref<110x128xf32, #tpu.memory_space<vmem>>
        %swap3A_342 = arith.constant 0 : i32
        %swap3A_343 = tpu.memref_slice %swap3A_341[%add3A_323, %swap3A_342] : memref<110x128xf32, #tpu.memory_space<vmem>> -> memref<1x128xf32, #tpu.memory_space<vmem>>
        %swap3A_344 = tpu.memref_squeeze %swap3A_343 : memref<1x128xf32, #tpu.memory_space<vmem>> -> memref<128xf32, #tpu.memory_space<vmem>>
        %swap3A_345 = arith.constant 16 : index
        %swap3A_346 = tpu.vector_load %swap3A_344[%swap3A_345] {strides = array<i32>} : memref<128xf32, #tpu.memory_space<vmem>>, vector<16xf32>,
        tpu.vector_store %swap3A_344[%swap3A_345], %gather3A_337 {strides = array<i32>} : memref<128xf32, #tpu.memory_space<vmem>>, vector<16xf32>,
        %add3A_347 = arith.addi %add3A_326, %get3A_104 : vector<16xi32>
        %gather3A_348 = tpu.vector_load_idx %arg6[%add3A_347] : memref<42240xf32, #tpu.memory_space<vmem>>[vector<16xi32>], vector<16xf32>,
        %swap3A_349 = arith.constant 0 : i32
        %swap3A_350 = arith.constant 0 : i32
        %swap3A_351 = tpu.memref_slice %arg7[%scan3A_130, %swap3A_349, %swap3A_350] : memref<2x110x128xf32, #tpu.memory_space<vmem>> -> memref<1x110x128xf32, #tpu.memory_space<vmem>>
        %swap3A_352 = tpu.memref_squeeze %swap3A_351 : memref<1x110x128xf32, #tpu.memory_space<vmem>> -> memref<110x128xf32, #tpu.memory_space<vmem>>
        %swap3A_353 = arith.constant 0 : i32
        %swap3A_354 = tpu.memref_slice %swap3A_352[%add3A_323, %swap3A_353] : memref<110x128xf32, #tpu.memory_space<vmem>> -> memref<1x128xf32, #tpu.memory_space<vmem>>
        %swap3A_355 = tpu.memref_squeeze %swap3A_354 : memref<1x128xf32, #tpu.memory_space<vmem>> -> memref<128xf32, #tpu.memory_space<vmem>>
        %swap3A_356 = arith.constant 32 : index
        %swap3A_357 = tpu.vector_load %swap3A_355[%swap3A_356] {strides = array<i32>} : memref<128xf32, #tpu.memory_space<vmem>>, vector<16xf32>,
        tpu.vector_store %swap3A_355[%swap3A_356], %gather3A_348 {strides = array<i32>} : memref<128xf32, #tpu.memory_space<vmem>>, vector<16xf32>,
        %add3A_358 = arith.addi %add3A_326, %get3A_109 : vector<16xi32>
        %gather3A_359 = tpu.vector_load_idx %arg6[%add3A_358] : memref<42240xf32, #tpu.memory_space<vmem>>[vector<16xi32>], vector<16xf32>,
        %swap3A_360 = arith.constant 0 : i32
        %swap3A_361 = arith.constant 0 : i32
        %swap3A_362 = tpu.memref_slice %arg7[%scan3A_130, %swap3A_360, %swap3A_361] : memref<2x110x128xf32, #tpu.memory_space<vmem>> -> memref<1x110x128xf32, #tpu.memory_space<vmem>>
        %swap3A_363 = tpu.memref_squeeze %swap3A_362 : memref<1x110x128xf32, #tpu.memory_space<vmem>> -> memref<110x128xf32, #tpu.memory_space<vmem>>
        %swap3A_364 = arith.constant 0 : i32
        %swap3A_365 = tpu.memref_slice %swap3A_363[%add3A_323, %swap3A_364] : memref<110x128xf32, #tpu.memory_space<vmem>> -> memref<1x128xf32, #tpu.memory_space<vmem>>
        %swap3A_366 = tpu.memref_squeeze %swap3A_365 : memref<1x128xf32, #tpu.memory_space<vmem>> -> memref<128xf32, #tpu.memory_space<vmem>>
        %swap3A_367 = arith.constant 48 : index
        %swap3A_368 = tpu.vector_load %swap3A_366[%swap3A_367] {strides = array<i32>} : memref<128xf32, #tpu.memory_space<vmem>>, vector<16xf32>,
        tpu.vector_store %swap3A_366[%swap3A_367], %gather3A_359 {strides = array<i32>} : memref<128xf32, #tpu.memory_space<vmem>>, vector<16xf32>,
        %add3A_369 = arith.addi %add3A_326, %get3A_114 : vector<16xi32>
        %gather3A_370 = tpu.vector_load_idx %arg6[%add3A_369] : memref<42240xf32, #tpu.memory_space<vmem>>[vector<16xi32>], vector<16xf32>,
        %swap3A_371 = arith.constant 0 : i32
        %swap3A_372 = arith.constant 0 : i32
        %swap3A_373 = tpu.memref_slice %arg7[%scan3A_130, %swap3A_371, %swap3A_372] : memref<2x110x128xf32, #tpu.memory_space<vmem>> -> memref<1x110x128xf32, #tpu.memory_space<vmem>>
        %swap3A_374 = tpu.memref_squeeze %swap3A_373 : memref<1x110x128xf32, #tpu.memory_space<vmem>> -> memref<110x128xf32, #tpu.memory_space<vmem>>
        %swap3A_375 = arith.constant 0 : i32
        %swap3A_376 = tpu.memref_slice %swap3A_374[%add3A_323, %swap3A_375] : memref<110x128xf32, #tpu.memory_space<vmem>> -> memref<1x128xf32, #tpu.memory_space<vmem>>
        %swap3A_377 = tpu.memref_squeeze %swap3A_376 : memref<1x128xf32, #tpu.memory_space<vmem>> -> memref<128xf32, #tpu.memory_space<vmem>>
        %swap3A_378 = arith.constant 64 : index
        %swap3A_379 = tpu.vector_load %swap3A_377[%swap3A_378] {strides = array<i32>} : memref<128xf32, #tpu.memory_space<vmem>>, vector<16xf32>,
        tpu.vector_store %swap3A_377[%swap3A_378], %gather3A_370 {strides = array<i32>} : memref<128xf32, #tpu.memory_space<vmem>>, vector<16xf32>,
        %add3A_380 = arith.addi %add3A_326, %get3A_119 : vector<16xi32>
        %gather3A_381 = tpu.vector_load_idx %arg6[%add3A_380] : memref<42240xf32, #tpu.memory_space<vmem>>[vector<16xi32>], vector<16xf32>,
        %swap3A_382 = arith.constant 0 : i32
        %swap3A_383 = arith.constant 0 : i32
        %swap3A_384 = tpu.memref_slice %arg7[%scan3A_130, %swap3A_382, %swap3A_383] : memref<2x110x128xf32, #tpu.memory_space<vmem>> -> memref<1x110x128xf32, #tpu.memory_space<vmem>>
        %swap3A_385 = tpu.memref_squeeze %swap3A_384 : memref<1x110x128xf32, #tpu.memory_space<vmem>> -> memref<110x128xf32, #tpu.memory_space<vmem>>
        %swap3A_386 = arith.constant 0 : i32
        %swap3A_387 = tpu.memref_slice %swap3A_385[%add3A_323, %swap3A_386] : memref<110x128xf32, #tpu.memory_space<vmem>> -> memref<1x128xf32, #tpu.memory_space<vmem>>
        %swap3A_388 = tpu.memref_squeeze %swap3A_387 : memref<1x128xf32, #tpu.memory_space<vmem>> -> memref<128xf32, #tpu.memory_space<vmem>>
        %swap3A_389 = arith.constant 80 : index
        %swap3A_390 = tpu.vector_load %swap3A_388[%swap3A_389] {strides = array<i32>} : memref<128xf32, #tpu.memory_space<vmem>>, vector<16xf32>,
        tpu.vector_store %swap3A_388[%swap3A_389], %gather3A_381 {strides = array<i32>} : memref<128xf32, #tpu.memory_space<vmem>>, vector<16xf32>,
        %add3A_391 = arith.addi %add3A_326, %get3A_124 : vector<16xi32>
        %gather3A_392 = tpu.vector_load_idx %arg6[%add3A_391] : memref<42240xf32, #tpu.memory_space<vmem>>[vector<16xi32>], vector<16xf32>,
        %swap3A_393 = arith.constant 0 : i32
        %swap3A_394 = arith.constant 0 : i32
        %swap3A_395 = tpu.memref_slice %arg7[%scan3A_130, %swap3A_393, %swap3A_394] : memref<2x110x128xf32, #tpu.memory_space<vmem>> -> memref<1x110x128xf32, #tpu.memory_space<vmem>>
        %swap3A_396 = tpu.memref_squeeze %swap3A_395 : memref<1x110x128xf32, #tpu.memory_space<vmem>> -> memref<110x128xf32, #tpu.memory_space<vmem>>
        %swap3A_397 = arith.constant 0 : i32
        %swap3A_398 = tpu.memref_slice %swap3A_396[%add3A_323, %swap3A_397] : memref<110x128xf32, #tpu.memory_space<vmem>> -> memref<1x128xf32, #tpu.memory_space<vmem>>
        %swap3A_399 = tpu.memref_squeeze %swap3A_398 : memref<1x128xf32, #tpu.memory_space<vmem>> -> memref<128xf32, #tpu.memory_space<vmem>>
        %swap3A_400 = arith.constant 96 : index
        %swap3A_401 = tpu.vector_load %swap3A_399[%swap3A_400] {strides = array<i32>} : memref<128xf32, #tpu.memory_space<vmem>>, vector<16xf32>,
        tpu.vector_store %swap3A_399[%swap3A_400], %gather3A_392 {strides = array<i32>} : memref<128xf32, #tpu.memory_space<vmem>>, vector<16xf32>,
        %add3A_402 = arith.addi %add3A_326, %get3A_129 : vector<16xi32>
        %gather3A_403 = tpu.vector_load_idx %arg6[%add3A_402] : memref<42240xf32, #tpu.memory_space<vmem>>[vector<16xi32>], vector<16xf32>,
        %swap3A_404 = arith.constant 0 : i32
        %swap3A_405 = arith.constant 0 : i32
        %swap3A_406 = tpu.memref_slice %arg7[%scan3A_130, %swap3A_404, %swap3A_405] : memref<2x110x128xf32, #tpu.memory_space<vmem>> -> memref<1x110x128xf32, #tpu.memory_space<vmem>>
        %swap3A_407 = tpu.memref_squeeze %swap3A_406 : memref<1x110x128xf32, #tpu.memory_space<vmem>> -> memref<110x128xf32, #tpu.memory_space<vmem>>
        %swap3A_408 = arith.constant 0 : i32
        %swap3A_409 = tpu.memref_slice %swap3A_407[%add3A_323, %swap3A_408] : memref<110x128xf32, #tpu.memory_space<vmem>> -> memref<1x128xf32, #tpu.memory_space<vmem>>
        %swap3A_410 = tpu.memref_squeeze %swap3A_409 : memref<1x128xf32, #tpu.memory_space<vmem>> -> memref<128xf32, #tpu.memory_space<vmem>>
        %swap3A_411 = arith.constant 112 : index
        %swap3A_412 = tpu.vector_load %swap3A_410[%swap3A_411] {strides = array<i32>} : memref<128xf32, #tpu.memory_space<vmem>>, vector<16xf32>,
        tpu.vector_store %swap3A_410[%swap3A_411], %gather3A_403 {strides = array<i32>} : memref<128xf32, #tpu.memory_space<vmem>>, vector<16xf32>,
        %add3A_413 = arith.constant 1 : i32
        %add3A_414 = arith.addi %mul3A_321, %add3A_413 : i32
        %add3A_415 = arith.constant 384 : i32
        %add3A_416 = vector.broadcast %add3A_415 : i32 to vector<16xi32>
        %add3A_417 = arith.addi %scan3A_319, %add3A_416 : vector<16xi32>
        %add3A_418 = arith.addi %add3A_417, %get3A_94 : vector<16xi32>
        %gather3A_419 = tpu.vector_load_idx %arg6[%add3A_418] : memref<42240xf32, #tpu.memory_space<vmem>>[vector<16xi32>], vector<16xf32>,
        %swap3A_420 = arith.constant 0 : i32
        %swap3A_421 = arith.constant 0 : i32
        %swap3A_422 = tpu.memref_slice %arg7[%scan3A_130, %swap3A_420, %swap3A_421] : memref<2x110x128xf32, #tpu.memory_space<vmem>> -> memref<1x110x128xf32, #tpu.memory_space<vmem>>
        %swap3A_423 = tpu.memref_squeeze %swap3A_422 : memref<1x110x128xf32, #tpu.memory_space<vmem>> -> memref<110x128xf32, #tpu.memory_space<vmem>>
        %swap3A_424 = arith.constant 0 : i32
        %swap3A_425 = tpu.memref_slice %swap3A_423[%add3A_414, %swap3A_424] : memref<110x128xf32, #tpu.memory_space<vmem>> -> memref<1x128xf32, #tpu.memory_space<vmem>>
        %swap3A_426 = tpu.memref_squeeze %swap3A_425 : memref<1x128xf32, #tpu.memory_space<vmem>> -> memref<128xf32, #tpu.memory_space<vmem>>
        %swap3A_427 = arith.constant 0 : index
        %swap3A_428 = tpu.vector_load %swap3A_426[%swap3A_427] {strides = array<i32>} : memref<128xf32, #tpu.memory_space<vmem>>, vector<16xf32>,
        tpu.vector_store %swap3A_426[%swap3A_427], %gather3A_419 {strides = array<i32>} : memref<128xf32, #tpu.memory_space<vmem>>, vector<16xf32>,
        %add3A_429 = arith.addi %add3A_417, %get3A_99 : vector<16xi32>
        %gather3A_430 = tpu.vector_load_idx %arg6[%add3A_429] : memref<42240xf32, #tpu.memory_space<vmem>>[vector<16xi32>], vector<16xf32>,
        %swap3A_431 = arith.constant 0 : i32
        %swap3A_432 = arith.constant 0 : i32
        %swap3A_433 = tpu.memref_slice %arg7[%scan3A_130, %swap3A_431, %swap3A_432] : memref<2x110x128xf32, #tpu.memory_space<vmem>> -> memref<1x110x128xf32, #tpu.memory_space<vmem>>
        %swap3A_434 = tpu.memref_squeeze %swap3A_433 : memref<1x110x128xf32, #tpu.memory_space<vmem>> -> memref<110x128xf32, #tpu.memory_space<vmem>>
        %swap3A_435 = arith.constant 0 : i32
        %swap3A_436 = tpu.memref_slice %swap3A_434[%add3A_414, %swap3A_435] : memref<110x128xf32, #tpu.memory_space<vmem>> -> memref<1x128xf32, #tpu.memory_space<vmem>>
        %swap3A_437 = tpu.memref_squeeze %swap3A_436 : memref<1x128xf32, #tpu.memory_space<vmem>> -> memref<128xf32, #tpu.memory_space<vmem>>
        %swap3A_438 = arith.constant 16 : index
        %swap3A_439 = tpu.vector_load %swap3A_437[%swap3A_438] {strides = array<i32>} : memref<128xf32, #tpu.memory_space<vmem>>, vector<16xf32>,
        tpu.vector_store %swap3A_437[%swap3A_438], %gather3A_430 {strides = array<i32>} : memref<128xf32, #tpu.memory_space<vmem>>, vector<16xf32>,
        %add3A_440 = arith.addi %add3A_417, %get3A_104 : vector<16xi32>
        %gather3A_441 = tpu.vector_load_idx %arg6[%add3A_440] : memref<42240xf32, #tpu.memory_space<vmem>>[vector<16xi32>], vector<16xf32>,
        %swap3A_442 = arith.constant 0 : i32
        %swap3A_443 = arith.constant 0 : i32
        %swap3A_444 = tpu.memref_slice %arg7[%scan3A_130, %swap3A_442, %swap3A_443] : memref<2x110x128xf32, #tpu.memory_space<vmem>> -> memref<1x110x128xf32, #tpu.memory_space<vmem>>
        %swap3A_445 = tpu.memref_squeeze %swap3A_444 : memref<1x110x128xf32, #tpu.memory_space<vmem>> -> memref<110x128xf32, #tpu.memory_space<vmem>>
        %swap3A_446 = arith.constant 0 : i32
        %swap3A_447 = tpu.memref_slice %swap3A_445[%add3A_414, %swap3A_446] : memref<110x128xf32, #tpu.memory_space<vmem>> -> memref<1x128xf32, #tpu.memory_space<vmem>>
        %swap3A_448 = tpu.memref_squeeze %swap3A_447 : memref<1x128xf32, #tpu.memory_space<vmem>> -> memref<128xf32, #tpu.memory_space<vmem>>
        %swap3A_449 = arith.constant 32 : index
        %swap3A_450 = tpu.vector_load %swap3A_448[%swap3A_449] {strides = array<i32>} : memref<128xf32, #tpu.memory_space<vmem>>, vector<16xf32>,
        tpu.vector_store %swap3A_448[%swap3A_449], %gather3A_441 {strides = array<i32>} : memref<128xf32, #tpu.memory_space<vmem>>, vector<16xf32>,
        %add3A_451 = arith.addi %add3A_417, %get3A_109 : vector<16xi32>
        %gather3A_452 = tpu.vector_load_idx %arg6[%add3A_451] : memref<42240xf32, #tpu.memory_space<vmem>>[vector<16xi32>], vector<16xf32>,
        %swap3A_453 = arith.constant 0 : i32
        %swap3A_454 = arith.constant 0 : i32
        %swap3A_455 = tpu.memref_slice %arg7[%scan3A_130, %swap3A_453, %swap3A_454] : memref<2x110x128xf32, #tpu.memory_space<vmem>> -> memref<1x110x128xf32, #tpu.memory_space<vmem>>
        %swap3A_456 = tpu.memref_squeeze %swap3A_455 : memref<1x110x128xf32, #tpu.memory_space<vmem>> -> memref<110x128xf32, #tpu.memory_space<vmem>>
        %swap3A_457 = arith.constant 0 : i32
        %swap3A_458 = tpu.memref_slice %swap3A_456[%add3A_414, %swap3A_457] : memref<110x128xf32, #tpu.memory_space<vmem>> -> memref<1x128xf32, #tpu.memory_space<vmem>>
        %swap3A_459 = tpu.memref_squeeze %swap3A_458 : memref<1x128xf32, #tpu.memory_space<vmem>> -> memref<128xf32, #tpu.memory_space<vmem>>
        %swap3A_460 = arith.constant 48 : index
        %swap3A_461 = tpu.vector_load %swap3A_459[%swap3A_460] {strides = array<i32>} : memref<128xf32, #tpu.memory_space<vmem>>, vector<16xf32>,
        tpu.vector_store %swap3A_459[%swap3A_460], %gather3A_452 {strides = array<i32>} : memref<128xf32, #tpu.memory_space<vmem>>, vector<16xf32>,
        %add3A_462 = arith.addi %add3A_417, %get3A_114 : vector<16xi32>
        %gather3A_463 = tpu.vector_load_idx %arg6[%add3A_462] : memref<42240xf32, #tpu.memory_space<vmem>>[vector<16xi32>], vector<16xf32>,
        %swap3A_464 = arith.constant 0 : i32
        %swap3A_465 = arith.constant 0 : i32
        %swap3A_466 = tpu.memref_slice %arg7[%scan3A_130, %swap3A_464, %swap3A_465] : memref<2x110x128xf32, #tpu.memory_space<vmem>> -> memref<1x110x128xf32, #tpu.memory_space<vmem>>
        %swap3A_467 = tpu.memref_squeeze %swap3A_466 : memref<1x110x128xf32, #tpu.memory_space<vmem>> -> memref<110x128xf32, #tpu.memory_space<vmem>>
        %swap3A_468 = arith.constant 0 : i32
        %swap3A_469 = tpu.memref_slice %swap3A_467[%add3A_414, %swap3A_468] : memref<110x128xf32, #tpu.memory_space<vmem>> -> memref<1x128xf32, #tpu.memory_space<vmem>>
        %swap3A_470 = tpu.memref_squeeze %swap3A_469 : memref<1x128xf32, #tpu.memory_space<vmem>> -> memref<128xf32, #tpu.memory_space<vmem>>
        %swap3A_471 = arith.constant 64 : index
        %swap3A_472 = tpu.vector_load %swap3A_470[%swap3A_471] {strides = array<i32>} : memref<128xf32, #tpu.memory_space<vmem>>, vector<16xf32>,
        tpu.vector_store %swap3A_470[%swap3A_471], %gather3A_463 {strides = array<i32>} : memref<128xf32, #tpu.memory_space<vmem>>, vector<16xf32>,
        %add3A_473 = arith.addi %add3A_417, %get3A_119 : vector<16xi32>
        %gather3A_474 = tpu.vector_load_idx %arg6[%add3A_473] : memref<42240xf32, #tpu.memory_space<vmem>>[vector<16xi32>], vector<16xf32>,
        %swap3A_475 = arith.constant 0 : i32
        %swap3A_476 = arith.constant 0 : i32
        %swap3A_477 = tpu.memref_slice %arg7[%scan3A_130, %swap3A_475, %swap3A_476] : memref<2x110x128xf32, #tpu.memory_space<vmem>> -> memref<1x110x128xf32, #tpu.memory_space<vmem>>
        %swap3A_478 = tpu.memref_squeeze %swap3A_477 : memref<1x110x128xf32, #tpu.memory_space<vmem>> -> memref<110x128xf32, #tpu.memory_space<vmem>>
        %swap3A_479 = arith.constant 0 : i32
        %swap3A_480 = tpu.memref_slice %swap3A_478[%add3A_414, %swap3A_479] : memref<110x128xf32, #tpu.memory_space<vmem>> -> memref<1x128xf32, #tpu.memory_space<vmem>>
        %swap3A_481 = tpu.memref_squeeze %swap3A_480 : memref<1x128xf32, #tpu.memory_space<vmem>> -> memref<128xf32, #tpu.memory_space<vmem>>
        %swap3A_482 = arith.constant 80 : index
        %swap3A_483 = tpu.vector_load %swap3A_481[%swap3A_482] {strides = array<i32>} : memref<128xf32, #tpu.memory_space<vmem>>, vector<16xf32>,
        tpu.vector_store %swap3A_481[%swap3A_482], %gather3A_474 {strides = array<i32>} : memref<128xf32, #tpu.memory_space<vmem>>, vector<16xf32>,
        %add3A_484 = arith.addi %add3A_417, %get3A_124 : vector<16xi32>
        %gather3A_485 = tpu.vector_load_idx %arg6[%add3A_484] : memref<42240xf32, #tpu.memory_space<vmem>>[vector<16xi32>], vector<16xf32>,
        %swap3A_486 = arith.constant 0 : i32
        %swap3A_487 = arith.constant 0 : i32
        %swap3A_488 = tpu.memref_slice %arg7[%scan3A_130, %swap3A_486, %swap3A_487] : memref<2x110x128xf32, #tpu.memory_space<vmem>> -> memref<1x110x128xf32, #tpu.memory_space<vmem>>
        %swap3A_489 = tpu.memref_squeeze %swap3A_488 : memref<1x110x128xf32, #tpu.memory_space<vmem>> -> memref<110x128xf32, #tpu.memory_space<vmem>>
        %swap3A_490 = arith.constant 0 : i32
        %swap3A_491 = tpu.memref_slice %swap3A_489[%add3A_414, %swap3A_490] : memref<110x128xf32, #tpu.memory_space<vmem>> -> memref<1x128xf32, #tpu.memory_space<vmem>>
        %swap3A_492 = tpu.memref_squeeze %swap3A_491 : memref<1x128xf32, #tpu.memory_space<vmem>> -> memref<128xf32, #tpu.memory_space<vmem>>
        %swap3A_493 = arith.constant 96 : index
        %swap3A_494 = tpu.vector_load %swap3A_492[%swap3A_493] {strides = array<i32>} : memref<128xf32, #tpu.memory_space<vmem>>, vector<16xf32>,
        tpu.vector_store %swap3A_492[%swap3A_493], %gather3A_485 {strides = array<i32>} : memref<128xf32, #tpu.memory_space<vmem>>, vector<16xf32>,
        %add3A_495 = arith.addi %add3A_417, %get3A_129 : vector<16xi32>
        %gather3A_496 = tpu.vector_load_idx %arg6[%add3A_495] : memref<42240xf32, #tpu.memory_space<vmem>>[vector<16xi32>], vector<16xf32>,
        %swap3A_497 = arith.constant 0 : i32
        %swap3A_498 = arith.constant 0 : i32
        %swap3A_499 = tpu.memref_slice %arg7[%scan3A_130, %swap3A_497, %swap3A_498] : memref<2x110x128xf32, #tpu.memory_space<vmem>> -> memref<1x110x128xf32, #tpu.memory_space<vmem>>
        %swap3A_500 = tpu.memref_squeeze %swap3A_499 : memref<1x110x128xf32, #tpu.memory_space<vmem>> -> memref<110x128xf32, #tpu.memory_space<vmem>>
        %swap3A_501 = arith.constant 0 : i32
        %swap3A_502 = tpu.memref_slice %swap3A_500[%add3A_414, %swap3A_501] : memref<110x128xf32, #tpu.memory_space<vmem>> -> memref<1x128xf32, #tpu.memory_space<vmem>>
        %swap3A_503 = tpu.memref_squeeze %swap3A_502 : memref<1x128xf32, #tpu.memory_space<vmem>> -> memref<128xf32, #tpu.memory_space<vmem>>
        %swap3A_504 = arith.constant 112 : index
        %swap3A_505 = tpu.vector_load %swap3A_503[%swap3A_504] {strides = array<i32>} : memref<128xf32, #tpu.memory_space<vmem>>, vector<16xf32>,
        tpu.vector_store %swap3A_503[%swap3A_504], %gather3A_496 {strides = array<i32>} : memref<128xf32, #tpu.memory_space<vmem>>, vector<16xf32>,
        %add3A_506 = arith.constant 2 : i32
        %add3A_507 = arith.addi %mul3A_321, %add3A_506 : i32
        %add3A_508 = arith.constant 768 : i32
        %add3A_509 = vector.broadcast %add3A_508 : i32 to vector<16xi32>
        %add3A_510 = arith.addi %scan3A_319, %add3A_509 : vector<16xi32>
        %add3A_511 = arith.addi %add3A_510, %get3A_94 : vector<16xi32>
        %gather3A_512 = tpu.vector_load_idx %arg6[%add3A_511] : memref<42240xf32, #tpu.memory_space<vmem>>[vector<16xi32>], vector<16xf32>,
        %swap3A_513 = arith.constant 0 : i32
        %swap3A_514 = arith.constant 0 : i32
        %swap3A_515 = tpu.memref_slice %arg7[%scan3A_130, %swap3A_513, %swap3A_514] : memref<2x110x128xf32, #tpu.memory_space<vmem>> -> memref<1x110x128xf32, #tpu.memory_space<vmem>>
        %swap3A_516 = tpu.memref_squeeze %swap3A_515 : memref<1x110x128xf32, #tpu.memory_space<vmem>> -> memref<110x128xf32, #tpu.memory_space<vmem>>
        %swap3A_517 = arith.constant 0 : i32
        %swap3A_518 = tpu.memref_slice %swap3A_516[%add3A_507, %swap3A_517] : memref<110x128xf32, #tpu.memory_space<vmem>> -> memref<1x128xf32, #tpu.memory_space<vmem>>
        %swap3A_519 = tpu.memref_squeeze %swap3A_518 : memref<1x128xf32, #tpu.memory_space<vmem>> -> memref<128xf32, #tpu.memory_space<vmem>>
        %swap3A_520 = arith.constant 0 : index
        %swap3A_521 = tpu.vector_load %swap3A_519[%swap3A_520] {strides = array<i32>} : memref<128xf32, #tpu.memory_space<vmem>>, vector<16xf32>,
        tpu.vector_store %swap3A_519[%swap3A_520], %gather3A_512 {strides = array<i32>} : memref<128xf32, #tpu.memory_space<vmem>>, vector<16xf32>,
        %add3A_522 = arith.addi %add3A_510, %get3A_99 : vector<16xi32>
        %gather3A_523 = tpu.vector_load_idx %arg6[%add3A_522] : memref<42240xf32, #tpu.memory_space<vmem>>[vector<16xi32>], vector<16xf32>,
        %swap3A_524 = arith.constant 0 : i32
        %swap3A_525 = arith.constant 0 : i32
        %swap3A_526 = tpu.memref_slice %arg7[%scan3A_130, %swap3A_524, %swap3A_525] : memref<2x110x128xf32, #tpu.memory_space<vmem>> -> memref<1x110x128xf32, #tpu.memory_space<vmem>>
        %swap3A_527 = tpu.memref_squeeze %swap3A_526 : memref<1x110x128xf32, #tpu.memory_space<vmem>> -> memref<110x128xf32, #tpu.memory_space<vmem>>
        %swap3A_528 = arith.constant 0 : i32
        %swap3A_529 = tpu.memref_slice %swap3A_527[%add3A_507, %swap3A_528] : memref<110x128xf32, #tpu.memory_space<vmem>> -> memref<1x128xf32, #tpu.memory_space<vmem>>
        %swap3A_530 = tpu.memref_squeeze %swap3A_529 : memref<1x128xf32, #tpu.memory_space<vmem>> -> memref<128xf32, #tpu.memory_space<vmem>>
        %swap3A_531 = arith.constant 16 : index
        %swap3A_532 = tpu.vector_load %swap3A_530[%swap3A_531] {strides = array<i32>} : memref<128xf32, #tpu.memory_space<vmem>>, vector<16xf32>,
        tpu.vector_store %swap3A_530[%swap3A_531], %gather3A_523 {strides = array<i32>} : memref<128xf32, #tpu.memory_space<vmem>>, vector<16xf32>,
        %add3A_533 = arith.addi %add3A_510, %get3A_104 : vector<16xi32>
        %gather3A_534 = tpu.vector_load_idx %arg6[%add3A_533] : memref<42240xf32, #tpu.memory_space<vmem>>[vector<16xi32>], vector<16xf32>,
        %swap3A_535 = arith.constant 0 : i32
        %swap3A_536 = arith.constant 0 : i32
        %swap3A_537 = tpu.memref_slice %arg7[%scan3A_130, %swap3A_535, %swap3A_536] : memref<2x110x128xf32, #tpu.memory_space<vmem>> -> memref<1x110x128xf32, #tpu.memory_space<vmem>>
        %swap3A_538 = tpu.memref_squeeze %swap3A_537 : memref<1x110x128xf32, #tpu.memory_space<vmem>> -> memref<110x128xf32, #tpu.memory_space<vmem>>
        %swap3A_539 = arith.constant 0 : i32
        %swap3A_540 = tpu.memref_slice %swap3A_538[%add3A_507, %swap3A_539] : memref<110x128xf32, #tpu.memory_space<vmem>> -> memref<1x128xf32, #tpu.memory_space<vmem>>
        %swap3A_541 = tpu.memref_squeeze %swap3A_540 : memref<1x128xf32, #tpu.memory_space<vmem>> -> memref<128xf32, #tpu.memory_space<vmem>>
        %swap3A_542 = arith.constant 32 : index
        %swap3A_543 = tpu.vector_load %swap3A_541[%swap3A_542] {strides = array<i32>} : memref<128xf32, #tpu.memory_space<vmem>>, vector<16xf32>,
        tpu.vector_store %swap3A_541[%swap3A_542], %gather3A_534 {strides = array<i32>} : memref<128xf32, #tpu.memory_space<vmem>>, vector<16xf32>,
        %add3A_544 = arith.addi %add3A_510, %get3A_109 : vector<16xi32>
        %gather3A_545 = tpu.vector_load_idx %arg6[%add3A_544] : memref<42240xf32, #tpu.memory_space<vmem>>[vector<16xi32>], vector<16xf32>,
        %swap3A_546 = arith.constant 0 : i32
        %swap3A_547 = arith.constant 0 : i32
        %swap3A_548 = tpu.memref_slice %arg7[%scan3A_130, %swap3A_546, %swap3A_547] : memref<2x110x128xf32, #tpu.memory_space<vmem>> -> memref<1x110x128xf32, #tpu.memory_space<vmem>>
        %swap3A_549 = tpu.memref_squeeze %swap3A_548 : memref<1x110x128xf32, #tpu.memory_space<vmem>> -> memref<110x128xf32, #tpu.memory_space<vmem>>
        %swap3A_550 = arith.constant 0 : i32
        %swap3A_551 = tpu.memref_slice %swap3A_549[%add3A_507, %swap3A_550] : memref<110x128xf32, #tpu.memory_space<vmem>> -> memref<1x128xf32, #tpu.memory_space<vmem>>
        %swap3A_552 = tpu.memref_squeeze %swap3A_551 : memref<1x128xf32, #tpu.memory_space<vmem>> -> memref<128xf32, #tpu.memory_space<vmem>>
        %swap3A_553 = arith.constant 48 : index
        %swap3A_554 = tpu.vector_load %swap3A_552[%swap3A_553] {strides = array<i32>} : memref<128xf32, #tpu.memory_space<vmem>>, vector<16xf32>,
        tpu.vector_store %swap3A_552[%swap3A_553], %gather3A_545 {strides = array<i32>} : memref<128xf32, #tpu.memory_space<vmem>>, vector<16xf32>,
        %add3A_555 = arith.addi %add3A_510, %get3A_114 : vector<16xi32>
        %gather3A_556 = tpu.vector_load_idx %arg6[%add3A_555] : memref<42240xf32, #tpu.memory_space<vmem>>[vector<16xi32>], vector<16xf32>,
        %swap3A_557 = arith.constant 0 : i32
        %swap3A_558 = arith.constant 0 : i32
        %swap3A_559 = tpu.memref_slice %arg7[%scan3A_130, %swap3A_557, %swap3A_558] : memref<2x110x128xf32, #tpu.memory_space<vmem>> -> memref<1x110x128xf32, #tpu.memory_space<vmem>>
        %swap3A_560 = tpu.memref_squeeze %swap3A_559 : memref<1x110x128xf32, #tpu.memory_space<vmem>> -> memref<110x128xf32, #tpu.memory_space<vmem>>
        %swap3A_561 = arith.constant 0 : i32
        %swap3A_562 = tpu.memref_slice %swap3A_560[%add3A_507, %swap3A_561] : memref<110x128xf32, #tpu.memory_space<vmem>> -> memref<1x128xf32, #tpu.memory_space<vmem>>
        %swap3A_563 = tpu.memref_squeeze %swap3A_562 : memref<1x128xf32, #tpu.memory_space<vmem>> -> memref<128xf32, #tpu.memory_space<vmem>>
        %swap3A_564 = arith.constant 64 : index
        %swap3A_565 = tpu.vector_load %swap3A_563[%swap3A_564] {strides = array<i32>} : memref<128xf32, #tpu.memory_space<vmem>>, vector<16xf32>,
        tpu.vector_store %swap3A_563[%swap3A_564], %gather3A_556 {strides = array<i32>} : memref<128xf32, #tpu.memory_space<vmem>>, vector<16xf32>,
        %add3A_566 = arith.addi %add3A_510, %get3A_119 : vector<16xi32>
        %gather3A_567 = tpu.vector_load_idx %arg6[%add3A_566] : memref<42240xf32, #tpu.memory_space<vmem>>[vector<16xi32>], vector<16xf32>,
        %swap3A_568 = arith.constant 0 : i32
        %swap3A_569 = arith.constant 0 : i32
        %swap3A_570 = tpu.memref_slice %arg7[%scan3A_130, %swap3A_568, %swap3A_569] : memref<2x110x128xf32, #tpu.memory_space<vmem>> -> memref<1x110x128xf32, #tpu.memory_space<vmem>>
        %swap3A_571 = tpu.memref_squeeze %swap3A_570 : memref<1x110x128xf32, #tpu.memory_space<vmem>> -> memref<110x128xf32, #tpu.memory_space<vmem>>
        %swap3A_572 = arith.constant 0 : i32
        %swap3A_573 = tpu.memref_slice %swap3A_571[%add3A_507, %swap3A_572] : memref<110x128xf32, #tpu.memory_space<vmem>> -> memref<1x128xf32, #tpu.memory_space<vmem>>
        %swap3A_574 = tpu.memref_squeeze %swap3A_573 : memref<1x128xf32, #tpu.memory_space<vmem>> -> memref<128xf32, #tpu.memory_space<vmem>>
        %swap3A_575 = arith.constant 80 : index
        %swap3A_576 = tpu.vector_load %swap3A_574[%swap3A_575] {strides = array<i32>} : memref<128xf32, #tpu.memory_space<vmem>>, vector<16xf32>,
        tpu.vector_store %swap3A_574[%swap3A_575], %gather3A_567 {strides = array<i32>} : memref<128xf32, #tpu.memory_space<vmem>>, vector<16xf32>,
        %add3A_577 = arith.addi %add3A_510, %get3A_124 : vector<16xi32>
        %gather3A_578 = tpu.vector_load_idx %arg6[%add3A_577] : memref<42240xf32, #tpu.memory_space<vmem>>[vector<16xi32>], vector<16xf32>,
        %swap3A_579 = arith.constant 0 : i32
        %swap3A_580 = arith.constant 0 : i32
        %swap3A_581 = tpu.memref_slice %arg7[%scan3A_130, %swap3A_579, %swap3A_580] : memref<2x110x128xf32, #tpu.memory_space<vmem>> -> memref<1x110x128xf32, #tpu.memory_space<vmem>>
        %swap3A_582 = tpu.memref_squeeze %swap3A_581 : memref<1x110x128xf32, #tpu.memory_space<vmem>> -> memref<110x128xf32, #tpu.memory_space<vmem>>
        %swap3A_583 = arith.constant 0 : i32
        %swap3A_584 = tpu.memref_slice %swap3A_582[%add3A_507, %swap3A_583] : memref<110x128xf32, #tpu.memory_space<vmem>> -> memref<1x128xf32, #tpu.memory_space<vmem>>
        %swap3A_585 = tpu.memref_squeeze %swap3A_584 : memref<1x128xf32, #tpu.memory_space<vmem>> -> memref<128xf32, #tpu.memory_space<vmem>>
        %swap3A_586 = arith.constant 96 : index
        %swap3A_587 = tpu.vector_load %swap3A_585[%swap3A_586] {strides = array<i32>} : memref<128xf32, #tpu.memory_space<vmem>>, vector<16xf32>,
        tpu.vector_store %swap3A_585[%swap3A_586], %gather3A_578 {strides = array<i32>} : memref<128xf32, #tpu.memory_space<vmem>>, vector<16xf32>,
        %add3A_588 = arith.addi %add3A_510, %get3A_129 : vector<16xi32>
        %gather3A_589 = tpu.vector_load_idx %arg6[%add3A_588] : memref<42240xf32, #tpu.memory_space<vmem>>[vector<16xi32>], vector<16xf32>,
        %swap3A_590 = arith.constant 0 : i32
        %swap3A_591 = arith.constant 0 : i32
        %swap3A_592 = tpu.memref_slice %arg7[%scan3A_130, %swap3A_590, %swap3A_591] : memref<2x110x128xf32, #tpu.memory_space<vmem>> -> memref<1x110x128xf32, #tpu.memory_space<vmem>>
        %swap3A_593 = tpu.memref_squeeze %swap3A_592 : memref<1x110x128xf32, #tpu.memory_space<vmem>> -> memref<110x128xf32, #tpu.memory_space<vmem>>
        %swap3A_594 = arith.constant 0 : i32
        %swap3A_595 = tpu.memref_slice %swap3A_593[%add3A_507, %swap3A_594] : memref<110x128xf32, #tpu.memory_space<vmem>> -> memref<1x128xf32, #tpu.memory_space<vmem>>
        %swap3A_596 = tpu.memref_squeeze %swap3A_595 : memref<1x128xf32, #tpu.memory_space<vmem>> -> memref<128xf32, #tpu.memory_space<vmem>>
        %swap3A_597 = arith.constant 112 : index
        %swap3A_598 = tpu.vector_load %swap3A_596[%swap3A_597] {strides = array<i32>} : memref<128xf32, #tpu.memory_space<vmem>>, vector<16xf32>,
        tpu.vector_store %swap3A_596[%swap3A_597], %gather3A_589 {strides = array<i32>} : memref<128xf32, #tpu.memory_space<vmem>>, vector<16xf32>,
        %add3A_599 = arith.constant 3 : i32
        %add3A_600 = arith.addi %mul3A_321, %add3A_599 : i32
        %add3A_601 = arith.constant 1152 : i32
        %add3A_602 = vector.broadcast %add3A_601 : i32 to vector<16xi32>
        %add3A_603 = arith.addi %scan3A_319, %add3A_602 : vector<16xi32>
        %add3A_604 = arith.addi %add3A_603, %get3A_94 : vector<16xi32>
        %gather3A_605 = tpu.vector_load_idx %arg6[%add3A_604] : memref<42240xf32, #tpu.memory_space<vmem>>[vector<16xi32>], vector<16xf32>,
        %swap3A_606 = arith.constant 0 : i32
        %swap3A_607 = arith.constant 0 : i32
        %swap3A_608 = tpu.memref_slice %arg7[%scan3A_130, %swap3A_606, %swap3A_607] : memref<2x110x128xf32, #tpu.memory_space<vmem>> -> memref<1x110x128xf32, #tpu.memory_space<vmem>>
        %swap3A_609 = tpu.memref_squeeze %swap3A_608 : memref<1x110x128xf32, #tpu.memory_space<vmem>> -> memref<110x128xf32, #tpu.memory_space<vmem>>
        %swap3A_610 = arith.constant 0 : i32
        %swap3A_611 = tpu.memref_slice %swap3A_609[%add3A_600, %swap3A_610] : memref<110x128xf32, #tpu.memory_space<vmem>> -> memref<1x128xf32, #tpu.memory_space<vmem>>
        %swap3A_612 = tpu.memref_squeeze %swap3A_611 : memref<1x128xf32, #tpu.memory_space<vmem>> -> memref<128xf32, #tpu.memory_space<vmem>>
        %swap3A_613 = arith.constant 0 : index
        %swap3A_614 = tpu.vector_load %swap3A_612[%swap3A_613] {strides = array<i32>} : memref<128xf32, #tpu.memory_space<vmem>>, vector<16xf32>,
        tpu.vector_store %swap3A_612[%swap3A_613], %gather3A_605 {strides = array<i32>} : memref<128xf32, #tpu.memory_space<vmem>>, vector<16xf32>,
        %add3A_615 = arith.addi %add3A_603, %get3A_99 : vector<16xi32>
        %gather3A_616 = tpu.vector_load_idx %arg6[%add3A_615] : memref<42240xf32, #tpu.memory_space<vmem>>[vector<16xi32>], vector<16xf32>,
        %swap3A_617 = arith.constant 0 : i32
        %swap3A_618 = arith.constant 0 : i32
        %swap3A_619 = tpu.memref_slice %arg7[%scan3A_130, %swap3A_617, %swap3A_618] : memref<2x110x128xf32, #tpu.memory_space<vmem>> -> memref<1x110x128xf32, #tpu.memory_space<vmem>>
        %swap3A_620 = tpu.memref_squeeze %swap3A_619 : memref<1x110x128xf32, #tpu.memory_space<vmem>> -> memref<110x128xf32, #tpu.memory_space<vmem>>
        %swap3A_621 = arith.constant 0 : i32
        %swap3A_622 = tpu.memref_slice %swap3A_620[%add3A_600, %swap3A_621] : memref<110x128xf32, #tpu.memory_space<vmem>> -> memref<1x128xf32, #tpu.memory_space<vmem>>
        %swap3A_623 = tpu.memref_squeeze %swap3A_622 : memref<1x128xf32, #tpu.memory_space<vmem>> -> memref<128xf32, #tpu.memory_space<vmem>>
        %swap3A_624 = arith.constant 16 : index
        %swap3A_625 = tpu.vector_load %swap3A_623[%swap3A_624] {strides = array<i32>} : memref<128xf32, #tpu.memory_space<vmem>>, vector<16xf32>,
        tpu.vector_store %swap3A_623[%swap3A_624], %gather3A_616 {strides = array<i32>} : memref<128xf32, #tpu.memory_space<vmem>>, vector<16xf32>,
        %add3A_626 = arith.addi %add3A_603, %get3A_104 : vector<16xi32>
        %gather3A_627 = tpu.vector_load_idx %arg6[%add3A_626] : memref<42240xf32, #tpu.memory_space<vmem>>[vector<16xi32>], vector<16xf32>,
        %swap3A_628 = arith.constant 0 : i32
        %swap3A_629 = arith.constant 0 : i32
        %swap3A_630 = tpu.memref_slice %arg7[%scan3A_130, %swap3A_628, %swap3A_629] : memref<2x110x128xf32, #tpu.memory_space<vmem>> -> memref<1x110x128xf32, #tpu.memory_space<vmem>>
        %swap3A_631 = tpu.memref_squeeze %swap3A_630 : memref<1x110x128xf32, #tpu.memory_space<vmem>> -> memref<110x128xf32, #tpu.memory_space<vmem>>
        %swap3A_632 = arith.constant 0 : i32
        %swap3A_633 = tpu.memref_slice %swap3A_631[%add3A_600, %swap3A_632] : memref<110x128xf32, #tpu.memory_space<vmem>> -> memref<1x128xf32, #tpu.memory_space<vmem>>
        %swap3A_634 = tpu.memref_squeeze %swap3A_633 : memref<1x128xf32, #tpu.memory_space<vmem>> -> memref<128xf32, #tpu.memory_space<vmem>>
        %swap3A_635 = arith.constant 32 : index
        %swap3A_636 = tpu.vector_load %swap3A_634[%swap3A_635] {strides = array<i32>} : memref<128xf32, #tpu.memory_space<vmem>>, vector<16xf32>,
        tpu.vector_store %swap3A_634[%swap3A_635], %gather3A_627 {strides = array<i32>} : memref<128xf32, #tpu.memory_space<vmem>>, vector<16xf32>,
        %add3A_637 = arith.addi %add3A_603, %get3A_109 : vector<16xi32>
        %gather3A_638 = tpu.vector_load_idx %arg6[%add3A_637] : memref<42240xf32, #tpu.memory_space<vmem>>[vector<16xi32>], vector<16xf32>,
        %swap3A_639 = arith.constant 0 : i32
        %swap3A_640 = arith.constant 0 : i32
        %swap3A_641 = tpu.memref_slice %arg7[%scan3A_130, %swap3A_639, %swap3A_640] : memref<2x110x128xf32, #tpu.memory_space<vmem>> -> memref<1x110x128xf32, #tpu.memory_space<vmem>>
        %swap3A_642 = tpu.memref_squeeze %swap3A_641 : memref<1x110x128xf32, #tpu.memory_space<vmem>> -> memref<110x128xf32, #tpu.memory_space<vmem>>
        %swap3A_643 = arith.constant 0 : i32
        %swap3A_644 = tpu.memref_slice %swap3A_642[%add3A_600, %swap3A_643] : memref<110x128xf32, #tpu.memory_space<vmem>> -> memref<1x128xf32, #tpu.memory_space<vmem>>
        %swap3A_645 = tpu.memref_squeeze %swap3A_644 : memref<1x128xf32, #tpu.memory_space<vmem>> -> memref<128xf32, #tpu.memory_space<vmem>>
        %swap3A_646 = arith.constant 48 : index
        %swap3A_647 = tpu.vector_load %swap3A_645[%swap3A_646] {strides = array<i32>} : memref<128xf32, #tpu.memory_space<vmem>>, vector<16xf32>,
        tpu.vector_store %swap3A_645[%swap3A_646], %gather3A_638 {strides = array<i32>} : memref<128xf32, #tpu.memory_space<vmem>>, vector<16xf32>,
        %add3A_648 = arith.addi %add3A_603, %get3A_114 : vector<16xi32>
        %gather3A_649 = tpu.vector_load_idx %arg6[%add3A_648] : memref<42240xf32, #tpu.memory_space<vmem>>[vector<16xi32>], vector<16xf32>,
        %swap3A_650 = arith.constant 0 : i32
        %swap3A_651 = arith.constant 0 : i32
        %swap3A_652 = tpu.memref_slice %arg7[%scan3A_130, %swap3A_650, %swap3A_651] : memref<2x110x128xf32, #tpu.memory_space<vmem>> -> memref<1x110x128xf32, #tpu.memory_space<vmem>>
        %swap3A_653 = tpu.memref_squeeze %swap3A_652 : memref<1x110x128xf32, #tpu.memory_space<vmem>> -> memref<110x128xf32, #tpu.memory_space<vmem>>
        %swap3A_654 = arith.constant 0 : i32
        %swap3A_655 = tpu.memref_slice %swap3A_653[%add3A_600, %swap3A_654] : memref<110x128xf32, #tpu.memory_space<vmem>> -> memref<1x128xf32, #tpu.memory_space<vmem>>
        %swap3A_656 = tpu.memref_squeeze %swap3A_655 : memref<1x128xf32, #tpu.memory_space<vmem>> -> memref<128xf32, #tpu.memory_space<vmem>>
        %swap3A_657 = arith.constant 64 : index
        %swap3A_658 = tpu.vector_load %swap3A_656[%swap3A_657] {strides = array<i32>} : memref<128xf32, #tpu.memory_space<vmem>>, vector<16xf32>,
        tpu.vector_store %swap3A_656[%swap3A_657], %gather3A_649 {strides = array<i32>} : memref<128xf32, #tpu.memory_space<vmem>>, vector<16xf32>,
        %add3A_659 = arith.addi %add3A_603, %get3A_119 : vector<16xi32>
        %gather3A_660 = tpu.vector_load_idx %arg6[%add3A_659] : memref<42240xf32, #tpu.memory_space<vmem>>[vector<16xi32>], vector<16xf32>,
        %swap3A_661 = arith.constant 0 : i32
        %swap3A_662 = arith.constant 0 : i32
        %swap3A_663 = tpu.memref_slice %arg7[%scan3A_130, %swap3A_661, %swap3A_662] : memref<2x110x128xf32, #tpu.memory_space<vmem>> -> memref<1x110x128xf32, #tpu.memory_space<vmem>>
        %swap3A_664 = tpu.memref_squeeze %swap3A_663 : memref<1x110x128xf32, #tpu.memory_space<vmem>> -> memref<110x128xf32, #tpu.memory_space<vmem>>
        %swap3A_665 = arith.constant 0 : i32
        %swap3A_666 = tpu.memref_slice %swap3A_664[%add3A_600, %swap3A_665] : memref<110x128xf32, #tpu.memory_space<vmem>> -> memref<1x128xf32, #tpu.memory_space<vmem>>
        %swap3A_667 = tpu.memref_squeeze %swap3A_666 : memref<1x128xf32, #tpu.memory_space<vmem>> -> memref<128xf32, #tpu.memory_space<vmem>>
        %swap3A_668 = arith.constant 80 : index
        %swap3A_669 = tpu.vector_load %swap3A_667[%swap3A_668] {strides = array<i32>} : memref<128xf32, #tpu.memory_space<vmem>>, vector<16xf32>,
        tpu.vector_store %swap3A_667[%swap3A_668], %gather3A_660 {strides = array<i32>} : memref<128xf32, #tpu.memory_space<vmem>>, vector<16xf32>,
        %add3A_670 = arith.addi %add3A_603, %get3A_124 : vector<16xi32>
        %gather3A_671 = tpu.vector_load_idx %arg6[%add3A_670] : memref<42240xf32, #tpu.memory_space<vmem>>[vector<16xi32>], vector<16xf32>,
        %swap3A_672 = arith.constant 0 : i32
        %swap3A_673 = arith.constant 0 : i32
        %swap3A_674 = tpu.memref_slice %arg7[%scan3A_130, %swap3A_672, %swap3A_673] : memref<2x110x128xf32, #tpu.memory_space<vmem>> -> memref<1x110x128xf32, #tpu.memory_space<vmem>>
        %swap3A_675 = tpu.memref_squeeze %swap3A_674 : memref<1x110x128xf32, #tpu.memory_space<vmem>> -> memref<110x128xf32, #tpu.memory_space<vmem>>
        %swap3A_676 = arith.constant 0 : i32
        %swap3A_677 = tpu.memref_slice %swap3A_675[%add3A_600, %swap3A_676] : memref<110x128xf32, #tpu.memory_space<vmem>> -> memref<1x128xf32, #tpu.memory_space<vmem>>
        %swap3A_678 = tpu.memref_squeeze %swap3A_677 : memref<1x128xf32, #tpu.memory_space<vmem>> -> memref<128xf32, #tpu.memory_space<vmem>>
        %swap3A_679 = arith.constant 96 : index
        %swap3A_680 = tpu.vector_load %swap3A_678[%swap3A_679] {strides = array<i32>} : memref<128xf32, #tpu.memory_space<vmem>>, vector<16xf32>,
        tpu.vector_store %swap3A_678[%swap3A_679], %gather3A_671 {strides = array<i32>} : memref<128xf32, #tpu.memory_space<vmem>>, vector<16xf32>,
        %add3A_681 = arith.addi %add3A_603, %get3A_129 : vector<16xi32>
        %gather3A_682 = tpu.vector_load_idx %arg6[%add3A_681] : memref<42240xf32, #tpu.memory_space<vmem>>[vector<16xi32>], vector<16xf32>,
        %swap3A_683 = arith.constant 0 : i32
        %swap3A_684 = arith.constant 0 : i32
        %swap3A_685 = tpu.memref_slice %arg7[%scan3A_130, %swap3A_683, %swap3A_684] : memref<2x110x128xf32, #tpu.memory_space<vmem>> -> memref<1x110x128xf32, #tpu.memory_space<vmem>>
        %swap3A_686 = tpu.memref_squeeze %swap3A_685 : memref<1x110x128xf32, #tpu.memory_space<vmem>> -> memref<110x128xf32, #tpu.memory_space<vmem>>
        %swap3A_687 = arith.constant 0 : i32
        %swap3A_688 = tpu.memref_slice %swap3A_686[%add3A_600, %swap3A_687] : memref<110x128xf32, #tpu.memory_space<vmem>> -> memref<1x128xf32, #tpu.memory_space<vmem>>
        %swap3A_689 = tpu.memref_squeeze %swap3A_688 : memref<1x128xf32, #tpu.memory_space<vmem>> -> memref<128xf32, #tpu.memory_space<vmem>>
        %swap3A_690 = arith.constant 112 : index
        %swap3A_691 = tpu.vector_load %swap3A_689[%swap3A_690] {strides = array<i32>} : memref<128xf32, #tpu.memory_space<vmem>>, vector<16xf32>,
        tpu.vector_store %swap3A_689[%swap3A_690], %gather3A_682 {strides = array<i32>} : memref<128xf32, #tpu.memory_space<vmem>>, vector<16xf32>,
        %add3A_692 = arith.constant 4 : i32
        %add3A_693 = arith.addi %mul3A_321, %add3A_692 : i32
        %add3A_694 = arith.constant 1536 : i32
        %add3A_695 = vector.broadcast %add3A_694 : i32 to vector<16xi32>
        %add3A_696 = arith.addi %scan3A_319, %add3A_695 : vector<16xi32>
        %add3A_697 = arith.addi %add3A_696, %get3A_94 : vector<16xi32>
        %gather3A_698 = tpu.vector_load_idx %arg6[%add3A_697] : memref<42240xf32, #tpu.memory_space<vmem>>[vector<16xi32>], vector<16xf32>,
        %swap3A_699 = arith.constant 0 : i32
        %swap3A_700 = arith.constant 0 : i32
        %swap3A_701 = tpu.memref_slice %arg7[%scan3A_130, %swap3A_699, %swap3A_700] : memref<2x110x128xf32, #tpu.memory_space<vmem>> -> memref<1x110x128xf32, #tpu.memory_space<vmem>>
        %swap3A_702 = tpu.memref_squeeze %swap3A_701 : memref<1x110x128xf32, #tpu.memory_space<vmem>> -> memref<110x128xf32, #tpu.memory_space<vmem>>
        %swap3A_703 = arith.constant 0 : i32
        %swap3A_704 = tpu.memref_slice %swap3A_702[%add3A_693, %swap3A_703] : memref<110x128xf32, #tpu.memory_space<vmem>> -> memref<1x128xf32, #tpu.memory_space<vmem>>
        %swap3A_705 = tpu.memref_squeeze %swap3A_704 : memref<1x128xf32, #tpu.memory_space<vmem>> -> memref<128xf32, #tpu.memory_space<vmem>>
        %swap3A_706 = arith.constant 0 : index
        %swap3A_707 = tpu.vector_load %swap3A_705[%swap3A_706] {strides = array<i32>} : memref<128xf32, #tpu.memory_space<vmem>>, vector<16xf32>,
        tpu.vector_store %swap3A_705[%swap3A_706], %gather3A_698 {strides = array<i32>} : memref<128xf32, #tpu.memory_space<vmem>>, vector<16xf32>,
        %add3A_708 = arith.addi %add3A_696, %get3A_99 : vector<16xi32>
        %gather3A_709 = tpu.vector_load_idx %arg6[%add3A_708] : memref<42240xf32, #tpu.memory_space<vmem>>[vector<16xi32>], vector<16xf32>,
        %swap3A_710 = arith.constant 0 : i32
        %swap3A_711 = arith.constant 0 : i32
        %swap3A_712 = tpu.memref_slice %arg7[%scan3A_130, %swap3A_710, %swap3A_711] : memref<2x110x128xf32, #tpu.memory_space<vmem>> -> memref<1x110x128xf32, #tpu.memory_space<vmem>>
        %swap3A_713 = tpu.memref_squeeze %swap3A_712 : memref<1x110x128xf32, #tpu.memory_space<vmem>> -> memref<110x128xf32, #tpu.memory_space<vmem>>
        %swap3A_714 = arith.constant 0 : i32
        %swap3A_715 = tpu.memref_slice %swap3A_713[%add3A_693, %swap3A_714] : memref<110x128xf32, #tpu.memory_space<vmem>> -> memref<1x128xf32, #tpu.memory_space<vmem>>
        %swap3A_716 = tpu.memref_squeeze %swap3A_715 : memref<1x128xf32, #tpu.memory_space<vmem>> -> memref<128xf32, #tpu.memory_space<vmem>>
        %swap3A_717 = arith.constant 16 : index
        %swap3A_718 = tpu.vector_load %swap3A_716[%swap3A_717] {strides = array<i32>} : memref<128xf32, #tpu.memory_space<vmem>>, vector<16xf32>,
        tpu.vector_store %swap3A_716[%swap3A_717], %gather3A_709 {strides = array<i32>} : memref<128xf32, #tpu.memory_space<vmem>>, vector<16xf32>,
        %add3A_719 = arith.addi %add3A_696, %get3A_104 : vector<16xi32>
        %gather3A_720 = tpu.vector_load_idx %arg6[%add3A_719] : memref<42240xf32, #tpu.memory_space<vmem>>[vector<16xi32>], vector<16xf32>,
        %swap3A_721 = arith.constant 0 : i32
        %swap3A_722 = arith.constant 0 : i32
        %swap3A_723 = tpu.memref_slice %arg7[%scan3A_130, %swap3A_721, %swap3A_722] : memref<2x110x128xf32, #tpu.memory_space<vmem>> -> memref<1x110x128xf32, #tpu.memory_space<vmem>>
        %swap3A_724 = tpu.memref_squeeze %swap3A_723 : memref<1x110x128xf32, #tpu.memory_space<vmem>> -> memref<110x128xf32, #tpu.memory_space<vmem>>
        %swap3A_725 = arith.constant 0 : i32
        %swap3A_726 = tpu.memref_slice %swap3A_724[%add3A_693, %swap3A_725] : memref<110x128xf32, #tpu.memory_space<vmem>> -> memref<1x128xf32, #tpu.memory_space<vmem>>
        %swap3A_727 = tpu.memref_squeeze %swap3A_726 : memref<1x128xf32, #tpu.memory_space<vmem>> -> memref<128xf32, #tpu.memory_space<vmem>>
        %swap3A_728 = arith.constant 32 : index
        %swap3A_729 = tpu.vector_load %swap3A_727[%swap3A_728] {strides = array<i32>} : memref<128xf32, #tpu.memory_space<vmem>>, vector<16xf32>,
        tpu.vector_store %swap3A_727[%swap3A_728], %gather3A_720 {strides = array<i32>} : memref<128xf32, #tpu.memory_space<vmem>>, vector<16xf32>,
        %add3A_730 = arith.addi %add3A_696, %get3A_109 : vector<16xi32>
        %gather3A_731 = tpu.vector_load_idx %arg6[%add3A_730] : memref<42240xf32, #tpu.memory_space<vmem>>[vector<16xi32>], vector<16xf32>,
        %swap3A_732 = arith.constant 0 : i32
        %swap3A_733 = arith.constant 0 : i32
        %swap3A_734 = tpu.memref_slice %arg7[%scan3A_130, %swap3A_732, %swap3A_733] : memref<2x110x128xf32, #tpu.memory_space<vmem>> -> memref<1x110x128xf32, #tpu.memory_space<vmem>>
        %swap3A_735 = tpu.memref_squeeze %swap3A_734 : memref<1x110x128xf32, #tpu.memory_space<vmem>> -> memref<110x128xf32, #tpu.memory_space<vmem>>
        %swap3A_736 = arith.constant 0 : i32
        %swap3A_737 = tpu.memref_slice %swap3A_735[%add3A_693, %swap3A_736] : memref<110x128xf32, #tpu.memory_space<vmem>> -> memref<1x128xf32, #tpu.memory_space<vmem>>
        %swap3A_738 = tpu.memref_squeeze %swap3A_737 : memref<1x128xf32, #tpu.memory_space<vmem>> -> memref<128xf32, #tpu.memory_space<vmem>>
        %swap3A_739 = arith.constant 48 : index
        %swap3A_740 = tpu.vector_load %swap3A_738[%swap3A_739] {strides = array<i32>} : memref<128xf32, #tpu.memory_space<vmem>>, vector<16xf32>,
        tpu.vector_store %swap3A_738[%swap3A_739], %gather3A_731 {strides = array<i32>} : memref<128xf32, #tpu.memory_space<vmem>>, vector<16xf32>,
        %add3A_741 = arith.addi %add3A_696, %get3A_114 : vector<16xi32>
        %gather3A_742 = tpu.vector_load_idx %arg6[%add3A_741] : memref<42240xf32, #tpu.memory_space<vmem>>[vector<16xi32>], vector<16xf32>,
        %swap3A_743 = arith.constant 0 : i32
        %swap3A_744 = arith.constant 0 : i32
        %swap3A_745 = tpu.memref_slice %arg7[%scan3A_130, %swap3A_743, %swap3A_744] : memref<2x110x128xf32, #tpu.memory_space<vmem>> -> memref<1x110x128xf32, #tpu.memory_space<vmem>>
        %swap3A_746 = tpu.memref_squeeze %swap3A_745 : memref<1x110x128xf32, #tpu.memory_space<vmem>> -> memref<110x128xf32, #tpu.memory_space<vmem>>
        %swap3A_747 = arith.constant 0 : i32
        %swap3A_748 = tpu.memref_slice %swap3A_746[%add3A_693, %swap3A_747] : memref<110x128xf32, #tpu.memory_space<vmem>> -> memref<1x128xf32, #tpu.memory_space<vmem>>
        %swap3A_749 = tpu.memref_squeeze %swap3A_748 : memref<1x128xf32, #tpu.memory_space<vmem>> -> memref<128xf32, #tpu.memory_space<vmem>>
        %swap3A_750 = arith.constant 64 : index
        %swap3A_751 = tpu.vector_load %swap3A_749[%swap3A_750] {strides = array<i32>} : memref<128xf32, #tpu.memory_space<vmem>>, vector<16xf32>,
        tpu.vector_store %swap3A_749[%swap3A_750], %gather3A_742 {strides = array<i32>} : memref<128xf32, #tpu.memory_space<vmem>>, vector<16xf32>,
        %add3A_752 = arith.addi %add3A_696, %get3A_119 : vector<16xi32>
        %gather3A_753 = tpu.vector_load_idx %arg6[%add3A_752] : memref<42240xf32, #tpu.memory_space<vmem>>[vector<16xi32>], vector<16xf32>,
        %swap3A_754 = arith.constant 0 : i32
        %swap3A_755 = arith.constant 0 : i32
        %swap3A_756 = tpu.memref_slice %arg7[%scan3A_130, %swap3A_754, %swap3A_755] : memref<2x110x128xf32, #tpu.memory_space<vmem>> -> memref<1x110x128xf32, #tpu.memory_space<vmem>>
        %swap3A_757 = tpu.memref_squeeze %swap3A_756 : memref<1x110x128xf32, #tpu.memory_space<vmem>> -> memref<110x128xf32, #tpu.memory_space<vmem>>
        %swap3A_758 = arith.constant 0 : i32
        %swap3A_759 = tpu.memref_slice %swap3A_757[%add3A_693, %swap3A_758] : memref<110x128xf32, #tpu.memory_space<vmem>> -> memref<1x128xf32, #tpu.memory_space<vmem>>
        %swap3A_760 = tpu.memref_squeeze %swap3A_759 : memref<1x128xf32, #tpu.memory_space<vmem>> -> memref<128xf32, #tpu.memory_space<vmem>>
        %swap3A_761 = arith.constant 80 : index
        %swap3A_762 = tpu.vector_load %swap3A_760[%swap3A_761] {strides = array<i32>} : memref<128xf32, #tpu.memory_space<vmem>>, vector<16xf32>,
        tpu.vector_store %swap3A_760[%swap3A_761], %gather3A_753 {strides = array<i32>} : memref<128xf32, #tpu.memory_space<vmem>>, vector<16xf32>,
        %add3A_763 = arith.addi %add3A_696, %get3A_124 : vector<16xi32>
        %gather3A_764 = tpu.vector_load_idx %arg6[%add3A_763] : memref<42240xf32, #tpu.memory_space<vmem>>[vector<16xi32>], vector<16xf32>,
        %swap3A_765 = arith.constant 0 : i32
        %swap3A_766 = arith.constant 0 : i32
        %swap3A_767 = tpu.memref_slice %arg7[%scan3A_130, %swap3A_765, %swap3A_766] : memref<2x110x128xf32, #tpu.memory_space<vmem>> -> memref<1x110x128xf32, #tpu.memory_space<vmem>>
        %swap3A_768 = tpu.memref_squeeze %swap3A_767 : memref<1x110x128xf32, #tpu.memory_space<vmem>> -> memref<110x128xf32, #tpu.memory_space<vmem>>
        %swap3A_769 = arith.constant 0 : i32
        %swap3A_770 = tpu.memref_slice %swap3A_768[%add3A_693, %swap3A_769] : memref<110x128xf32, #tpu.memory_space<vmem>> -> memref<1x128xf32, #tpu.memory_space<vmem>>
        %swap3A_771 = tpu.memref_squeeze %swap3A_770 : memref<1x128xf32, #tpu.memory_space<vmem>> -> memref<128xf32, #tpu.memory_space<vmem>>
        %swap3A_772 = arith.constant 96 : index
        %swap3A_773 = tpu.vector_load %swap3A_771[%swap3A_772] {strides = array<i32>} : memref<128xf32, #tpu.memory_space<vmem>>, vector<16xf32>,
        tpu.vector_store %swap3A_771[%swap3A_772], %gather3A_764 {strides = array<i32>} : memref<128xf32, #tpu.memory_space<vmem>>, vector<16xf32>,
        %add3A_774 = arith.addi %add3A_696, %get3A_129 : vector<16xi32>
        %gather3A_775 = tpu.vector_load_idx %arg6[%add3A_774] : memref<42240xf32, #tpu.memory_space<vmem>>[vector<16xi32>], vector<16xf32>,
        %swap3A_776 = arith.constant 0 : i32
        %swap3A_777 = arith.constant 0 : i32
        %swap3A_778 = tpu.memref_slice %arg7[%scan3A_130, %swap3A_776, %swap3A_777] : memref<2x110x128xf32, #tpu.memory_space<vmem>> -> memref<1x110x128xf32, #tpu.memory_space<vmem>>
        %swap3A_779 = tpu.memref_squeeze %swap3A_778 : memref<1x110x128xf32, #tpu.memory_space<vmem>> -> memref<110x128xf32, #tpu.memory_space<vmem>>
        %swap3A_780 = arith.constant 0 : i32
        %swap3A_781 = tpu.memref_slice %swap3A_779[%add3A_693, %swap3A_780] : memref<110x128xf32, #tpu.memory_space<vmem>> -> memref<1x128xf32, #tpu.memory_space<vmem>>
        %swap3A_782 = tpu.memref_squeeze %swap3A_781 : memref<1x128xf32, #tpu.memory_space<vmem>> -> memref<128xf32, #tpu.memory_space<vmem>>
        %swap3A_783 = arith.constant 112 : index
        %swap3A_784 = tpu.vector_load %swap3A_782[%swap3A_783] {strides = array<i32>} : memref<128xf32, #tpu.memory_space<vmem>>, vector<16xf32>,
        tpu.vector_store %swap3A_782[%swap3A_783], %gather3A_775 {strides = array<i32>} : memref<128xf32, #tpu.memory_space<vmem>>, vector<16xf32>,
        %add3A_785 = arith.constant 1920 : i32
        %add3A_786 = vector.broadcast %add3A_785 : i32 to vector<16xi32>
        %add3A_787 = arith.addi %scan3A_319, %add3A_786 : vector<16xi32>
        scf.yield %add3A_787 : vector<16xi32>
      }
      %scan3A_136 = arith.constant 22 : i32
      %jit3A_137 = arith.constant 4 : i32
      %div3A_138 = arith.divsi %add3A_69, %jit3A_137 : i32
      %sign3A_139 = arith.constant 0 : i32
      %sign3A_140 = arith.cmpi sgt, %add3A_69, %sign3A_139 : i32
      %sign3A_141 = arith.extui %sign3A_140 : i1 to i32
      %sign3A_142 = arith.constant 0 : i32
      %sign3A_143 = arith.cmpi slt, %add3A_69, %sign3A_142 : i32
      %sign3A_144 = arith.extui %sign3A_143 : i1 to i32
      %sign3A_145 = arith.subi %sign3A_141, %sign3A_144 : i32
      %sign3A_146 = arith.constant 0 : i32
      %sign3A_147 = arith.cmpi sgt, %jit3A_137, %sign3A_146 : i32
      %sign3A_148 = arith.extui %sign3A_147 : i1 to i32
      %sign3A_149 = arith.constant 0 : i32
      %sign3A_150 = arith.cmpi slt, %jit3A_137, %sign3A_149 : i32
      %sign3A_151 = arith.extui %sign3A_150 : i1 to i32
      %sign3A_152 = arith.subi %sign3A_148, %sign3A_151 : i32
      %ne3A_153 = arith.cmpi ne, %sign3A_145, %sign3A_152 : i32
      %rem3A_154 = arith.remsi %add3A_69, %jit3A_137 : i32
      %ne3A_155 = arith.constant 0 : i32
      %ne3A_156 = arith.cmpi ne, %rem3A_154, %ne3A_155 : i32
      %and3A_157 = arith.andi %ne3A_153, %ne3A_156 : i1
      %sub3A_158 = arith.constant 1 : i32
      %sub3A_159 = arith.subi %div3A_138, %sub3A_158 : i32
      %select_n3A_160 = arith.select %and3A_157, %sub3A_159, %div3A_138 : i32
      %rem3A_161 = arith.constant 4 : i32
      %rem3A_162 = arith.remsi %add3A_69, %rem3A_161 : i32
      %add3A_163 = arith.addi %mul3A_2, %rem3A_162 : i32
      %mul3A_164 = arith.constant 128 : i32
      %mul3A_165 = arith.muli %add3A_163, %mul3A_164 : i32
      %dma_start3A = arith.constant 0 : i32
      %dma_start3A_166 = arith.constant 0 : i32
      %dma_start3A_167 = arith.constant 0 : i32
      %dma_start3A_168 = tpu.memref_slice %arg7[%dma_start3A, %dma_start3A_166, %dma_start3A_167] : memref<2x110x128xf32, #tpu.memory_space<vmem>> -> memref<1x110x128xf32, #tpu.memory_space<vmem>>
      %dma_start3A_169 = tpu.memref_squeeze %dma_start3A_168 : memref<1x110x128xf32, #tpu.memory_space<vmem>> -> memref<110x128xf32, #tpu.memory_space<vmem>>
      %dma_start3A_170 = arith.constant 0 : i32
      %dma_start3A_171 = arith.constant 0 : i32
      %dma_start3A_172 = tpu.memref_slice %arg4[%select_n3A_160, %dma_start3A_170, %dma_start3A_171] : memref<20x110x16384xf32, #tpu.memory_space<hbm>> -> memref<1x110x16384xf32, #tpu.memory_space<hbm>>
      %dma_start3A_173 = tpu.memref_squeeze %dma_start3A_172 : memref<1x110x16384xf32, #tpu.memory_space<hbm>> -> memref<110x16384xf32, #tpu.memory_space<hbm>>
      %dma_start3A_174 = arith.constant 0 : i32
      %dma_start3A_175 = tpu.memref_slice %dma_start3A_173[%dma_start3A_174, %mul3A_165] : memref<110x16384xf32, #tpu.memory_space<hbm>> -> memref<110x128xf32, #tpu.memory_space<hbm>>
      %dma_start3A_176 = arith.constant 0 : i32
      %dma_start3A_177 = arith.constant 0 : i32
      %dma_start3A_178 = tpu.memref_slice %arg4[%select_n3A_160, %dma_start3A_176, %dma_start3A_177] : memref<20x110x16384xf32, #tpu.memory_space<hbm>> -> memref<1x110x16384xf32, #tpu.memory_space<hbm>>
      %dma_start3A_179 = tpu.memref_squeeze %dma_start3A_178 : memref<1x110x16384xf32, #tpu.memory_space<hbm>> -> memref<110x16384xf32, #tpu.memory_space<hbm>>
      %dma_start3A_180 = arith.constant 0 : i32
      %dma_start3A_181 = tpu.memref_slice %dma_start3A_179[%dma_start3A_180, %mul3A_165] : memref<110x16384xf32, #tpu.memory_space<hbm>> -> memref<110x128xf32, #tpu.memory_space<hbm>>
      %dma_start3A_182 = arith.constant 0 : i32
      %dma_start3A_183 = arith.constant 0 : i32
      %dma_start3A_184 = tpu.memref_slice %arg7[%dma_start3A, %dma_start3A_182, %dma_start3A_183] : memref<2x110x128xf32, #tpu.memory_space<vmem>> -> memref<1x110x128xf32, #tpu.memory_space<vmem>>
      %dma_start3A_185 = tpu.memref_squeeze %dma_start3A_184 : memref<1x110x128xf32, #tpu.memory_space<vmem>> -> memref<110x128xf32, #tpu.memory_space<vmem>>
      tpu.enqueue_dma source(%dma_start3A_185 : memref<110x128xf32, #tpu.memory_space<vmem>>) target(%dma_start3A_181 : memref<110x128xf32, #tpu.memory_space<hbm>>) target_semaphore(%arg8 : memref<!tpu.dma_semaphore, #tpu.memory_space<semaphore_mem>>)
      %mul3A_186 = arith.constant 2 : i32
      %mul3A_187 = arith.muli %mul3A_186, %scan3A_65 : i32
      %add3A_188 = arith.constant 1 : i32
      %add3A_189 = arith.addi %mul3A_187, %add3A_188 : i32
      %ge3A_190 = arith.constant 2 : i32
      %ge3A_191 = arith.cmpi sge, %add3A_189, %ge3A_190 : i32
      %convert_element_type3A_192 = arith.extui %ge3A_191 : i1 to i32
      %cond3A_193 = arith.constant 0 : i32
      %cond3A_194 = arith.cmpi ne, %convert_element_type3A_192, %cond3A_193 : i32
      scf.if %cond3A_194 {
        %sub3A_318 = arith.constant 2 : i32
        %sub3A_319 = arith.subi %add3A_189, %sub3A_318 : i32
        %jit3A_320 = arith.constant 4 : i32
        %div3A_321 = arith.divsi %sub3A_319, %jit3A_320 : i32
        %sign3A_322 = arith.constant 0 : i32
        %sign3A_323 = arith.cmpi sgt, %sub3A_319, %sign3A_322 : i32
        %sign3A_324 = arith.extui %sign3A_323 : i1 to i32
        %sign3A_325 = arith.constant 0 : i32
        %sign3A_326 = arith.cmpi slt, %sub3A_319, %sign3A_325 : i32
        %sign3A_327 = arith.extui %sign3A_326 : i1 to i32
        %sign3A_328 = arith.subi %sign3A_324, %sign3A_327 : i32
        %sign3A_329 = arith.constant 0 : i32
        %sign3A_330 = arith.cmpi sgt, %jit3A_320, %sign3A_329 : i32
        %sign3A_331 = arith.extui %sign3A_330 : i1 to i32
        %sign3A_332 = arith.constant 0 : i32
        %sign3A_333 = arith.cmpi slt, %jit3A_320, %sign3A_332 : i32
        %sign3A_334 = arith.extui %sign3A_333 : i1 to i32
        %sign3A_335 = arith.subi %sign3A_331, %sign3A_334 : i32
        %ne3A_336 = arith.cmpi ne, %sign3A_328, %sign3A_335 : i32
        %rem3A_337 = arith.remsi %sub3A_319, %jit3A_320 : i32
        %ne3A_338 = arith.constant 0 : i32
        %ne3A_339 = arith.cmpi ne, %rem3A_337, %ne3A_338 : i32
        %and3A_340 = arith.andi %ne3A_336, %ne3A_339 : i1
        %sub3A_341 = arith.constant 1 : i32
        %sub3A_342 = arith.subi %div3A_321, %sub3A_341 : i32
        %select_n3A_343 = arith.select %and3A_340, %sub3A_342, %div3A_321 : i32
        %rem3A_344 = arith.constant 4 : i32
        %rem3A_345 = arith.remsi %sub3A_319, %rem3A_344 : i32
        %add3A_346 = arith.addi %mul3A_2, %rem3A_345 : i32
        %mul3A_347 = arith.constant 128 : i32
        %mul3A_348 = arith.muli %add3A_346, %mul3A_347 : i32
        %dma_wait3A_349 = arith.constant 1 : i32
        %dma_wait3A_350 = arith.constant 0 : i32
        %dma_wait3A_351 = arith.constant 0 : i32
        %dma_wait3A_352 = tpu.memref_slice %arg7[%dma_wait3A_349, %dma_wait3A_350, %dma_wait3A_351] : memref<2x110x128xf32, #tpu.memory_space<vmem>> -> memref<1x110x128xf32, #tpu.memory_space<vmem>>
        %dma_wait3A_353 = tpu.memref_squeeze %dma_wait3A_352 : memref<1x110x128xf32, #tpu.memory_space<vmem>> -> memref<110x128xf32, #tpu.memory_space<vmem>>
        %dma_wait3A_354 = arith.constant 0 : i32
        %dma_wait3A_355 = arith.constant 0 : i32
        %dma_wait3A_356 = tpu.memref_slice %arg4[%select_n3A_343, %dma_wait3A_354, %dma_wait3A_355] : memref<20x110x16384xf32, #tpu.memory_space<hbm>> -> memref<1x110x16384xf32, #tpu.memory_space<hbm>>
        %dma_wait3A_357 = tpu.memref_squeeze %dma_wait3A_356 : memref<1x110x16384xf32, #tpu.memory_space<hbm>> -> memref<110x16384xf32, #tpu.memory_space<hbm>>
        %dma_wait3A_358 = arith.constant 0 : i32
        %dma_wait3A_359 = tpu.memref_slice %dma_wait3A_357[%dma_wait3A_358, %mul3A_348] : memref<110x16384xf32, #tpu.memory_space<hbm>> -> memref<110x128xf32, #tpu.memory_space<hbm>>
        %dma_wait3A_360 = arith.constant 0 : i32
        %dma_wait3A_361 = arith.constant 0 : i32
        %dma_wait3A_362 = tpu.memref_slice %arg4[%select_n3A_343, %dma_wait3A_360, %dma_wait3A_361] : memref<20x110x16384xf32, #tpu.memory_space<hbm>> -> memref<1x110x16384xf32, #tpu.memory_space<hbm>>
        %dma_wait3A_363 = tpu.memref_squeeze %dma_wait3A_362 : memref<1x110x16384xf32, #tpu.memory_space<hbm>> -> memref<110x16384xf32, #tpu.memory_space<hbm>>
        %dma_wait3A_364 = arith.constant 0 : i32
        %dma_wait3A_365 = tpu.memref_slice %dma_wait3A_363[%dma_wait3A_364, %mul3A_348] : memref<110x16384xf32, #tpu.memory_space<hbm>> -> memref<110x128xf32, #tpu.memory_space<hbm>>
        %dma_wait3A_366 = arith.constant 0 : i32
        %dma_wait3A_367 = arith.constant 0 : i32
        %dma_wait3A_368 = tpu.memref_slice %arg7[%dma_wait3A_349, %dma_wait3A_366, %dma_wait3A_367] : memref<2x110x128xf32, #tpu.memory_space<vmem>> -> memref<1x110x128xf32, #tpu.memory_space<vmem>>
        %dma_wait3A_369 = tpu.memref_squeeze %dma_wait3A_368 : memref<1x110x128xf32, #tpu.memory_space<vmem>> -> memref<110x128xf32, #tpu.memory_space<vmem>>
        tpu.wait_dma2 semaphore(%arg9 : memref<!tpu.dma_semaphore, #tpu.memory_space<semaphore_mem>>) src(%dma_wait3A_369 : memref<110x128xf32, #tpu.memory_space<vmem>>) dst(%dma_wait3A_365 : memref<110x128xf32, #tpu.memory_space<hbm>>)
      } else {
      }
      %jit3A_195 = arith.constant 4 : i32
      %div3A_196 = arith.divsi %add3A_189, %jit3A_195 : i32
      %sign3A_197 = arith.constant 0 : i32
      %sign3A_198 = arith.cmpi sgt, %add3A_189, %sign3A_197 : i32
      %sign3A_199 = arith.extui %sign3A_198 : i1 to i32
      %sign3A_200 = arith.constant 0 : i32
      %sign3A_201 = arith.cmpi slt, %add3A_189, %sign3A_200 : i32
      %sign3A_202 = arith.extui %sign3A_201 : i1 to i32
      %sign3A_203 = arith.subi %sign3A_199, %sign3A_202 : i32
      %sign3A_204 = arith.constant 0 : i32
      %sign3A_205 = arith.cmpi sgt, %jit3A_195, %sign3A_204 : i32
      %sign3A_206 = arith.extui %sign3A_205 : i1 to i32
      %sign3A_207 = arith.constant 0 : i32
      %sign3A_208 = arith.cmpi slt, %jit3A_195, %sign3A_207 : i32
      %sign3A_209 = arith.extui %sign3A_208 : i1 to i32
      %sign3A_210 = arith.subi %sign3A_206, %sign3A_209 : i32
      %ne3A_211 = arith.cmpi ne, %sign3A_203, %sign3A_210 : i32
      %rem3A_212 = arith.remsi %add3A_189, %jit3A_195 : i32
      %ne3A_213 = arith.constant 0 : i32
      %ne3A_214 = arith.cmpi ne, %rem3A_212, %ne3A_213 : i32
      %and3A_215 = arith.andi %ne3A_211, %ne3A_214 : i1
      %sub3A_216 = arith.constant 1 : i32
      %sub3A_217 = arith.subi %div3A_196, %sub3A_216 : i32
      %select_n3A_218 = arith.select %and3A_215, %sub3A_217, %div3A_196 : i32
      %rem3A_219 = arith.constant 4 : i32
      %rem3A_220 = arith.remsi %add3A_189, %rem3A_219 : i32
      %get3A_221 = arith.constant 0 : i32
      %get3A_222 = tpu.memref_slice %arg5[%rem3A_220, %select_n3A_218, %get3A_221] : memref<4x20x128xi32, #tpu.memory_space<vmem>> -> memref<1x1x128xi32, #tpu.memory_space<vmem>>
      %get3A_223 = tpu.memref_squeeze %get3A_222 : memref<1x1x128xi32, #tpu.memory_space<vmem>> -> memref<128xi32, #tpu.memory_space<vmem>>
      %get3A_224 = arith.constant 0 : index
      %get3A_225 = tpu.vector_load %get3A_223[%get3A_224] {strides = array<i32>} : memref<128xi32, #tpu.memory_space<vmem>>, vector<16xi32>,
      %get3A_226 = arith.constant 0 : i32
      %get3A_227 = tpu.memref_slice %arg5[%rem3A_220, %select_n3A_218, %get3A_226] : memref<4x20x128xi32, #tpu.memory_space<vmem>> -> memref<1x1x128xi32, #tpu.memory_space<vmem>>
      %get3A_228 = tpu.memref_squeeze %get3A_227 : memref<1x1x128xi32, #tpu.memory_space<vmem>> -> memref<128xi32, #tpu.memory_space<vmem>>
      %get3A_229 = arith.constant 16 : index
      %get3A_230 = tpu.vector_load %get3A_228[%get3A_229] {strides = array<i32>} : memref<128xi32, #tpu.memory_space<vmem>>, vector<16xi32>,
      %get3A_231 = arith.constant 0 : i32
      %get3A_232 = tpu.memref_slice %arg5[%rem3A_220, %select_n3A_218, %get3A_231] : memref<4x20x128xi32, #tpu.memory_space<vmem>> -> memref<1x1x128xi32, #tpu.memory_space<vmem>>
      %get3A_233 = tpu.memref_squeeze %get3A_232 : memref<1x1x128xi32, #tpu.memory_space<vmem>> -> memref<128xi32, #tpu.memory_space<vmem>>
      %get3A_234 = arith.constant 32 : index
      %get3A_235 = tpu.vector_load %get3A_233[%get3A_234] {strides = array<i32>} : memref<128xi32, #tpu.memory_space<vmem>>, vector<16xi32>,
      %get3A_236 = arith.constant 0 : i32
      %get3A_237 = tpu.memref_slice %arg5[%rem3A_220, %select_n3A_218, %get3A_236] : memref<4x20x128xi32, #tpu.memory_space<vmem>> -> memref<1x1x128xi32, #tpu.memory_space<vmem>>
      %get3A_238 = tpu.memref_squeeze %get3A_237 : memref<1x1x128xi32, #tpu.memory_space<vmem>> -> memref<128xi32, #tpu.memory_space<vmem>>
      %get3A_239 = arith.constant 48 : index
      %get3A_240 = tpu.vector_load %get3A_238[%get3A_239] {strides = array<i32>} : memref<128xi32, #tpu.memory_space<vmem>>, vector<16xi32>,
      %get3A_241 = arith.constant 0 : i32
      %get3A_242 = tpu.memref_slice %arg5[%rem3A_220, %select_n3A_218, %get3A_241] : memref<4x20x128xi32, #tpu.memory_space<vmem>> -> memref<1x1x128xi32, #tpu.memory_space<vmem>>
      %get3A_243 = tpu.memref_squeeze %get3A_242 : memref<1x1x128xi32, #tpu.memory_space<vmem>> -> memref<128xi32, #tpu.memory_space<vmem>>
      %get3A_244 = arith.constant 64 : index
      %get3A_245 = tpu.vector_load %get3A_243[%get3A_244] {strides = array<i32>} : memref<128xi32, #tpu.memory_space<vmem>>, vector<16xi32>,
      %get3A_246 = arith.constant 0 : i32
      %get3A_247 = tpu.memref_slice %arg5[%rem3A_220, %select_n3A_218, %get3A_246] : memref<4x20x128xi32, #tpu.memory_space<vmem>> -> memref<1x1x128xi32, #tpu.memory_space<vmem>>
      %get3A_248 = tpu.memref_squeeze %get3A_247 : memref<1x1x128xi32, #tpu.memory_space<vmem>> -> memref<128xi32, #tpu.memory_space<vmem>>
      %get3A_249 = arith.constant 80 : index
      %get3A_250 = tpu.vector_load %get3A_248[%get3A_249] {strides = array<i32>} : memref<128xi32, #tpu.memory_space<vmem>>, vector<16xi32>,
      %get3A_251 = arith.constant 0 : i32
      %get3A_252 = tpu.memref_slice %arg5[%rem3A_220, %select_n3A_218, %get3A_251] : memref<4x20x128xi32, #tpu.memory_space<vmem>> -> memref<1x1x128xi32, #tpu.memory_space<vmem>>
      %get3A_253 = tpu.memref_squeeze %get3A_252 : memref<1x1x128xi32, #tpu.memory_space<vmem>> -> memref<128xi32, #tpu.memory_space<vmem>>
      %get3A_254 = arith.constant 96 : index
      %get3A_255 = tpu.vector_load %get3A_253[%get3A_254] {strides = array<i32>} : memref<128xi32, #tpu.memory_space<vmem>>, vector<16xi32>,
      %get3A_256 = arith.constant 0 : i32
      %get3A_257 = tpu.memref_slice %arg5[%rem3A_220, %select_n3A_218, %get3A_256] : memref<4x20x128xi32, #tpu.memory_space<vmem>> -> memref<1x1x128xi32, #tpu.memory_space<vmem>>
      %get3A_258 = tpu.memref_squeeze %get3A_257 : memref<1x1x128xi32, #tpu.memory_space<vmem>> -> memref<128xi32, #tpu.memory_space<vmem>>
      %get3A_259 = arith.constant 112 : index
      %get3A_260 = tpu.vector_load %get3A_258[%get3A_259] {strides = array<i32>} : memref<128xi32, #tpu.memory_space<vmem>>, vector<16xi32>,
      %scan3A_261 = arith.constant 1 : i32
      %scan3A_262 = arith.constant 0 : i32
      %scan3A_263 = arith.constant 22 : i32
      %scan3A_264 = arith.addi %scan3A_262, %scan3A_263 : i32
      %scan3A_265 = arith.constant 1 : i32
      %scan3A_266 = scf.for %scan3A_318 = %scan3A_262 to %scan3A_264 step %scan3A_265 iter_args(%scan3A_319 = %mul3A_5) -> (vector<16xi32>)  : i32 {
        %mul3A_320 = arith.constant 5 : i32
        %mul3A_321 = arith.muli %scan3A_318, %mul3A_320 : i32
        %add3A_322 = arith.constant 0 : i32
        %add3A_323 = arith.addi %mul3A_321, %add3A_322 : i32
        %add3A_324 = arith.constant 0 : i32
        %add3A_325 = vector.broadcast %add3A_324 : i32 to vector<16xi32>
        %add3A_326 = arith.addi %scan3A_319, %add3A_325 : vector<16xi32>
        %add3A_327 = arith.addi %add3A_326, %get3A_225 : vector<16xi32>
        %gather3A = tpu.vector_load_idx %arg6[%add3A_327] : memref<42240xf32, #tpu.memory_space<vmem>>[vector<16xi32>], vector<16xf32>,
        %swap3A = arith.constant 0 : i32
        %swap3A_328 = arith.constant 0 : i32
        %swap3A_329 = tpu.memref_slice %arg7[%scan3A_261, %swap3A, %swap3A_328] : memref<2x110x128xf32, #tpu.memory_space<vmem>> -> memref<1x110x128xf32, #tpu.memory_space<vmem>>
        %swap3A_330 = tpu.memref_squeeze %swap3A_329 : memref<1x110x128xf32, #tpu.memory_space<vmem>> -> memref<110x128xf32, #tpu.memory_space<vmem>>
        %swap3A_331 = arith.constant 0 : i32
        %swap3A_332 = tpu.memref_slice %swap3A_330[%add3A_323, %swap3A_331] : memref<110x128xf32, #tpu.memory_space<vmem>> -> memref<1x128xf32, #tpu.memory_space<vmem>>
        %swap3A_333 = tpu.memref_squeeze %swap3A_332 : memref<1x128xf32, #tpu.memory_space<vmem>> -> memref<128xf32, #tpu.memory_space<vmem>>
        %swap3A_334 = arith.constant 0 : index
        %swap3A_335 = tpu.vector_load %swap3A_333[%swap3A_334] {strides = array<i32>} : memref<128xf32, #tpu.memory_space<vmem>>, vector<16xf32>,
        tpu.vector_store %swap3A_333[%swap3A_334], %gather3A {strides = array<i32>} : memref<128xf32, #tpu.memory_space<vmem>>, vector<16xf32>,
        %add3A_336 = arith.addi %add3A_326, %get3A_230 : vector<16xi32>
        %gather3A_337 = tpu.vector_load_idx %arg6[%add3A_336] : memref<42240xf32, #tpu.memory_space<vmem>>[vector<16xi32>], vector<16xf32>,
        %swap3A_338 = arith.constant 0 : i32
        %swap3A_339 = arith.constant 0 : i32
        %swap3A_340 = tpu.memref_slice %arg7[%scan3A_261, %swap3A_338, %swap3A_339] : memref<2x110x128xf32, #tpu.memory_space<vmem>> -> memref<1x110x128xf32, #tpu.memory_space<vmem>>
        %swap3A_341 = tpu.memref_squeeze %swap3A_340 : memref<1x110x128xf32, #tpu.memory_space<vmem>> -> memref<110x128xf32, #tpu.memory_space<vmem>>
        %swap3A_342 = arith.constant 0 : i32
        %swap3A_343 = tpu.memref_slice %swap3A_341[%add3A_323, %swap3A_342] : memref<110x128xf32, #tpu.memory_space<vmem>> -> memref<1x128xf32, #tpu.memory_space<vmem>>
        %swap3A_344 = tpu.memref_squeeze %swap3A_343 : memref<1x128xf32, #tpu.memory_space<vmem>> -> memref<128xf32, #tpu.memory_space<vmem>>
        %swap3A_345 = arith.constant 16 : index
        %swap3A_346 = tpu.vector_load %swap3A_344[%swap3A_345] {strides = array<i32>} : memref<128xf32, #tpu.memory_space<vmem>>, vector<16xf32>,
        tpu.vector_store %swap3A_344[%swap3A_345], %gather3A_337 {strides = array<i32>} : memref<128xf32, #tpu.memory_space<vmem>>, vector<16xf32>,
        %add3A_347 = arith.addi %add3A_326, %get3A_235 : vector<16xi32>
        %gather3A_348 = tpu.vector_load_idx %arg6[%add3A_347] : memref<42240xf32, #tpu.memory_space<vmem>>[vector<16xi32>], vector<16xf32>,
        %swap3A_349 = arith.constant 0 : i32
        %swap3A_350 = arith.constant 0 : i32
        %swap3A_351 = tpu.memref_slice %arg7[%scan3A_261, %swap3A_349, %swap3A_350] : memref<2x110x128xf32, #tpu.memory_space<vmem>> -> memref<1x110x128xf32, #tpu.memory_space<vmem>>
        %swap3A_352 = tpu.memref_squeeze %swap3A_351 : memref<1x110x128xf32, #tpu.memory_space<vmem>> -> memref<110x128xf32, #tpu.memory_space<vmem>>
        %swap3A_353 = arith.constant 0 : i32
        %swap3A_354 = tpu.memref_slice %swap3A_352[%add3A_323, %swap3A_353] : memref<110x128xf32, #tpu.memory_space<vmem>> -> memref<1x128xf32, #tpu.memory_space<vmem>>
        %swap3A_355 = tpu.memref_squeeze %swap3A_354 : memref<1x128xf32, #tpu.memory_space<vmem>> -> memref<128xf32, #tpu.memory_space<vmem>>
        %swap3A_356 = arith.constant 32 : index
        %swap3A_357 = tpu.vector_load %swap3A_355[%swap3A_356] {strides = array<i32>} : memref<128xf32, #tpu.memory_space<vmem>>, vector<16xf32>,
        tpu.vector_store %swap3A_355[%swap3A_356], %gather3A_348 {strides = array<i32>} : memref<128xf32, #tpu.memory_space<vmem>>, vector<16xf32>,
        %add3A_358 = arith.addi %add3A_326, %get3A_240 : vector<16xi32>
        %gather3A_359 = tpu.vector_load_idx %arg6[%add3A_358] : memref<42240xf32, #tpu.memory_space<vmem>>[vector<16xi32>], vector<16xf32>,
        %swap3A_360 = arith.constant 0 : i32
        %swap3A_361 = arith.constant 0 : i32
        %swap3A_362 = tpu.memref_slice %arg7[%scan3A_261, %swap3A_360, %swap3A_361] : memref<2x110x128xf32, #tpu.memory_space<vmem>> -> memref<1x110x128xf32, #tpu.memory_space<vmem>>
        %swap3A_363 = tpu.memref_squeeze %swap3A_362 : memref<1x110x128xf32, #tpu.memory_space<vmem>> -> memref<110x128xf32, #tpu.memory_space<vmem>>
        %swap3A_364 = arith.constant 0 : i32
        %swap3A_365 = tpu.memref_slice %swap3A_363[%add3A_323, %swap3A_364] : memref<110x128xf32, #tpu.memory_space<vmem>> -> memref<1x128xf32, #tpu.memory_space<vmem>>
        %swap3A_366 = tpu.memref_squeeze %swap3A_365 : memref<1x128xf32, #tpu.memory_space<vmem>> -> memref<128xf32, #tpu.memory_space<vmem>>
        %swap3A_367 = arith.constant 48 : index
        %swap3A_368 = tpu.vector_load %swap3A_366[%swap3A_367] {strides = array<i32>} : memref<128xf32, #tpu.memory_space<vmem>>, vector<16xf32>,
        tpu.vector_store %swap3A_366[%swap3A_367], %gather3A_359 {strides = array<i32>} : memref<128xf32, #tpu.memory_space<vmem>>, vector<16xf32>,
        %add3A_369 = arith.addi %add3A_326, %get3A_245 : vector<16xi32>
        %gather3A_370 = tpu.vector_load_idx %arg6[%add3A_369] : memref<42240xf32, #tpu.memory_space<vmem>>[vector<16xi32>], vector<16xf32>,
        %swap3A_371 = arith.constant 0 : i32
        %swap3A_372 = arith.constant 0 : i32
        %swap3A_373 = tpu.memref_slice %arg7[%scan3A_261, %swap3A_371, %swap3A_372] : memref<2x110x128xf32, #tpu.memory_space<vmem>> -> memref<1x110x128xf32, #tpu.memory_space<vmem>>
        %swap3A_374 = tpu.memref_squeeze %swap3A_373 : memref<1x110x128xf32, #tpu.memory_space<vmem>> -> memref<110x128xf32, #tpu.memory_space<vmem>>
        %swap3A_375 = arith.constant 0 : i32
        %swap3A_376 = tpu.memref_slice %swap3A_374[%add3A_323, %swap3A_375] : memref<110x128xf32, #tpu.memory_space<vmem>> -> memref<1x128xf32, #tpu.memory_space<vmem>>
        %swap3A_377 = tpu.memref_squeeze %swap3A_376 : memref<1x128xf32, #tpu.memory_space<vmem>> -> memref<128xf32, #tpu.memory_space<vmem>>
        %swap3A_378 = arith.constant 64 : index
        %swap3A_379 = tpu.vector_load %swap3A_377[%swap3A_378] {strides = array<i32>} : memref<128xf32, #tpu.memory_space<vmem>>, vector<16xf32>,
        tpu.vector_store %swap3A_377[%swap3A_378], %gather3A_370 {strides = array<i32>} : memref<128xf32, #tpu.memory_space<vmem>>, vector<16xf32>,
        %add3A_380 = arith.addi %add3A_326, %get3A_250 : vector<16xi32>
        %gather3A_381 = tpu.vector_load_idx %arg6[%add3A_380] : memref<42240xf32, #tpu.memory_space<vmem>>[vector<16xi32>], vector<16xf32>,
        %swap3A_382 = arith.constant 0 : i32
        %swap3A_383 = arith.constant 0 : i32
        %swap3A_384 = tpu.memref_slice %arg7[%scan3A_261, %swap3A_382, %swap3A_383] : memref<2x110x128xf32, #tpu.memory_space<vmem>> -> memref<1x110x128xf32, #tpu.memory_space<vmem>>
        %swap3A_385 = tpu.memref_squeeze %swap3A_384 : memref<1x110x128xf32, #tpu.memory_space<vmem>> -> memref<110x128xf32, #tpu.memory_space<vmem>>
        %swap3A_386 = arith.constant 0 : i32
        %swap3A_387 = tpu.memref_slice %swap3A_385[%add3A_323, %swap3A_386] : memref<110x128xf32, #tpu.memory_space<vmem>> -> memref<1x128xf32, #tpu.memory_space<vmem>>
        %swap3A_388 = tpu.memref_squeeze %swap3A_387 : memref<1x128xf32, #tpu.memory_space<vmem>> -> memref<128xf32, #tpu.memory_space<vmem>>
        %swap3A_389 = arith.constant 80 : index
        %swap3A_390 = tpu.vector_load %swap3A_388[%swap3A_389] {strides = array<i32>} : memref<128xf32, #tpu.memory_space<vmem>>, vector<16xf32>,
        tpu.vector_store %swap3A_388[%swap3A_389], %gather3A_381 {strides = array<i32>} : memref<128xf32, #tpu.memory_space<vmem>>, vector<16xf32>,
        %add3A_391 = arith.addi %add3A_326, %get3A_255 : vector<16xi32>
        %gather3A_392 = tpu.vector_load_idx %arg6[%add3A_391] : memref<42240xf32, #tpu.memory_space<vmem>>[vector<16xi32>], vector<16xf32>,
        %swap3A_393 = arith.constant 0 : i32
        %swap3A_394 = arith.constant 0 : i32
        %swap3A_395 = tpu.memref_slice %arg7[%scan3A_261, %swap3A_393, %swap3A_394] : memref<2x110x128xf32, #tpu.memory_space<vmem>> -> memref<1x110x128xf32, #tpu.memory_space<vmem>>
        %swap3A_396 = tpu.memref_squeeze %swap3A_395 : memref<1x110x128xf32, #tpu.memory_space<vmem>> -> memref<110x128xf32, #tpu.memory_space<vmem>>
        %swap3A_397 = arith.constant 0 : i32
        %swap3A_398 = tpu.memref_slice %swap3A_396[%add3A_323, %swap3A_397] : memref<110x128xf32, #tpu.memory_space<vmem>> -> memref<1x128xf32, #tpu.memory_space<vmem>>
        %swap3A_399 = tpu.memref_squeeze %swap3A_398 : memref<1x128xf32, #tpu.memory_space<vmem>> -> memref<128xf32, #tpu.memory_space<vmem>>
        %swap3A_400 = arith.constant 96 : index
        %swap3A_401 = tpu.vector_load %swap3A_399[%swap3A_400] {strides = array<i32>} : memref<128xf32, #tpu.memory_space<vmem>>, vector<16xf32>,
        tpu.vector_store %swap3A_399[%swap3A_400], %gather3A_392 {strides = array<i32>} : memref<128xf32, #tpu.memory_space<vmem>>, vector<16xf32>,
        %add3A_402 = arith.addi %add3A_326, %get3A_260 : vector<16xi32>
        %gather3A_403 = tpu.vector_load_idx %arg6[%add3A_402] : memref<42240xf32, #tpu.memory_space<vmem>>[vector<16xi32>], vector<16xf32>,
        %swap3A_404 = arith.constant 0 : i32
        %swap3A_405 = arith.constant 0 : i32
        %swap3A_406 = tpu.memref_slice %arg7[%scan3A_261, %swap3A_404, %swap3A_405] : memref<2x110x128xf32, #tpu.memory_space<vmem>> -> memref<1x110x128xf32, #tpu.memory_space<vmem>>
        %swap3A_407 = tpu.memref_squeeze %swap3A_406 : memref<1x110x128xf32, #tpu.memory_space<vmem>> -> memref<110x128xf32, #tpu.memory_space<vmem>>
        %swap3A_408 = arith.constant 0 : i32
        %swap3A_409 = tpu.memref_slice %swap3A_407[%add3A_323, %swap3A_408] : memref<110x128xf32, #tpu.memory_space<vmem>> -> memref<1x128xf32, #tpu.memory_space<vmem>>
        %swap3A_410 = tpu.memref_squeeze %swap3A_409 : memref<1x128xf32, #tpu.memory_space<vmem>> -> memref<128xf32, #tpu.memory_space<vmem>>
        %swap3A_411 = arith.constant 112 : index
        %swap3A_412 = tpu.vector_load %swap3A_410[%swap3A_411] {strides = array<i32>} : memref<128xf32, #tpu.memory_space<vmem>>, vector<16xf32>,
        tpu.vector_store %swap3A_410[%swap3A_411], %gather3A_403 {strides = array<i32>} : memref<128xf32, #tpu.memory_space<vmem>>, vector<16xf32>,
        %add3A_413 = arith.constant 1 : i32
        %add3A_414 = arith.addi %mul3A_321, %add3A_413 : i32
        %add3A_415 = arith.constant 384 : i32
        %add3A_416 = vector.broadcast %add3A_415 : i32 to vector<16xi32>
        %add3A_417 = arith.addi %scan3A_319, %add3A_416 : vector<16xi32>
        %add3A_418 = arith.addi %add3A_417, %get3A_225 : vector<16xi32>
        %gather3A_419 = tpu.vector_load_idx %arg6[%add3A_418] : memref<42240xf32, #tpu.memory_space<vmem>>[vector<16xi32>], vector<16xf32>,
        %swap3A_420 = arith.constant 0 : i32
        %swap3A_421 = arith.constant 0 : i32
        %swap3A_422 = tpu.memref_slice %arg7[%scan3A_261, %swap3A_420, %swap3A_421] : memref<2x110x128xf32, #tpu.memory_space<vmem>> -> memref<1x110x128xf32, #tpu.memory_space<vmem>>
        %swap3A_423 = tpu.memref_squeeze %swap3A_422 : memref<1x110x128xf32, #tpu.memory_space<vmem>> -> memref<110x128xf32, #tpu.memory_space<vmem>>
        %swap3A_424 = arith.constant 0 : i32
        %swap3A_425 = tpu.memref_slice %swap3A_423[%add3A_414, %swap3A_424] : memref<110x128xf32, #tpu.memory_space<vmem>> -> memref<1x128xf32, #tpu.memory_space<vmem>>
        %swap3A_426 = tpu.memref_squeeze %swap3A_425 : memref<1x128xf32, #tpu.memory_space<vmem>> -> memref<128xf32, #tpu.memory_space<vmem>>
        %swap3A_427 = arith.constant 0 : index
        %swap3A_428 = tpu.vector_load %swap3A_426[%swap3A_427] {strides = array<i32>} : memref<128xf32, #tpu.memory_space<vmem>>, vector<16xf32>,
        tpu.vector_store %swap3A_426[%swap3A_427], %gather3A_419 {strides = array<i32>} : memref<128xf32, #tpu.memory_space<vmem>>, vector<16xf32>,
        %add3A_429 = arith.addi %add3A_417, %get3A_230 : vector<16xi32>
        %gather3A_430 = tpu.vector_load_idx %arg6[%add3A_429] : memref<42240xf32, #tpu.memory_space<vmem>>[vector<16xi32>], vector<16xf32>,
        %swap3A_431 = arith.constant 0 : i32
        %swap3A_432 = arith.constant 0 : i32
        %swap3A_433 = tpu.memref_slice %arg7[%scan3A_261, %swap3A_431, %swap3A_432] : memref<2x110x128xf32, #tpu.memory_space<vmem>> -> memref<1x110x128xf32, #tpu.memory_space<vmem>>
        %swap3A_434 = tpu.memref_squeeze %swap3A_433 : memref<1x110x128xf32, #tpu.memory_space<vmem>> -> memref<110x128xf32, #tpu.memory_space<vmem>>
        %swap3A_435 = arith.constant 0 : i32
        %swap3A_436 = tpu.memref_slice %swap3A_434[%add3A_414, %swap3A_435] : memref<110x128xf32, #tpu.memory_space<vmem>> -> memref<1x128xf32, #tpu.memory_space<vmem>>
        %swap3A_437 = tpu.memref_squeeze %swap3A_436 : memref<1x128xf32, #tpu.memory_space<vmem>> -> memref<128xf32, #tpu.memory_space<vmem>>
        %swap3A_438 = arith.constant 16 : index
        %swap3A_439 = tpu.vector_load %swap3A_437[%swap3A_438] {strides = array<i32>} : memref<128xf32, #tpu.memory_space<vmem>>, vector<16xf32>,
        tpu.vector_store %swap3A_437[%swap3A_438], %gather3A_430 {strides = array<i32>} : memref<128xf32, #tpu.memory_space<vmem>>, vector<16xf32>,
        %add3A_440 = arith.addi %add3A_417, %get3A_235 : vector<16xi32>
        %gather3A_441 = tpu.vector_load_idx %arg6[%add3A_440] : memref<42240xf32, #tpu.memory_space<vmem>>[vector<16xi32>], vector<16xf32>,
        %swap3A_442 = arith.constant 0 : i32
        %swap3A_443 = arith.constant 0 : i32
        %swap3A_444 = tpu.memref_slice %arg7[%scan3A_261, %swap3A_442, %swap3A_443] : memref<2x110x128xf32, #tpu.memory_space<vmem>> -> memref<1x110x128xf32, #tpu.memory_space<vmem>>
        %swap3A_445 = tpu.memref_squeeze %swap3A_444 : memref<1x110x128xf32, #tpu.memory_space<vmem>> -> memref<110x128xf32, #tpu.memory_space<vmem>>
        %swap3A_446 = arith.constant 0 : i32
        %swap3A_447 = tpu.memref_slice %swap3A_445[%add3A_414, %swap3A_446] : memref<110x128xf32, #tpu.memory_space<vmem>> -> memref<1x128xf32, #tpu.memory_space<vmem>>
        %swap3A_448 = tpu.memref_squeeze %swap3A_447 : memref<1x128xf32, #tpu.memory_space<vmem>> -> memref<128xf32, #tpu.memory_space<vmem>>
        %swap3A_449 = arith.constant 32 : index
        %swap3A_450 = tpu.vector_load %swap3A_448[%swap3A_449] {strides = array<i32>} : memref<128xf32, #tpu.memory_space<vmem>>, vector<16xf32>,
        tpu.vector_store %swap3A_448[%swap3A_449], %gather3A_441 {strides = array<i32>} : memref<128xf32, #tpu.memory_space<vmem>>, vector<16xf32>,
        %add3A_451 = arith.addi %add3A_417, %get3A_240 : vector<16xi32>
        %gather3A_452 = tpu.vector_load_idx %arg6[%add3A_451] : memref<42240xf32, #tpu.memory_space<vmem>>[vector<16xi32>], vector<16xf32>,
        %swap3A_453 = arith.constant 0 : i32
        %swap3A_454 = arith.constant 0 : i32
        %swap3A_455 = tpu.memref_slice %arg7[%scan3A_261, %swap3A_453, %swap3A_454] : memref<2x110x128xf32, #tpu.memory_space<vmem>> -> memref<1x110x128xf32, #tpu.memory_space<vmem>>
        %swap3A_456 = tpu.memref_squeeze %swap3A_455 : memref<1x110x128xf32, #tpu.memory_space<vmem>> -> memref<110x128xf32, #tpu.memory_space<vmem>>
        %swap3A_457 = arith.constant 0 : i32
        %swap3A_458 = tpu.memref_slice %swap3A_456[%add3A_414, %swap3A_457] : memref<110x128xf32, #tpu.memory_space<vmem>> -> memref<1x128xf32, #tpu.memory_space<vmem>>
        %swap3A_459 = tpu.memref_squeeze %swap3A_458 : memref<1x128xf32, #tpu.memory_space<vmem>> -> memref<128xf32, #tpu.memory_space<vmem>>
        %swap3A_460 = arith.constant 48 : index
        %swap3A_461 = tpu.vector_load %swap3A_459[%swap3A_460] {strides = array<i32>} : memref<128xf32, #tpu.memory_space<vmem>>, vector<16xf32>,
        tpu.vector_store %swap3A_459[%swap3A_460], %gather3A_452 {strides = array<i32>} : memref<128xf32, #tpu.memory_space<vmem>>, vector<16xf32>,
        %add3A_462 = arith.addi %add3A_417, %get3A_245 : vector<16xi32>
        %gather3A_463 = tpu.vector_load_idx %arg6[%add3A_462] : memref<42240xf32, #tpu.memory_space<vmem>>[vector<16xi32>], vector<16xf32>,
        %swap3A_464 = arith.constant 0 : i32
        %swap3A_465 = arith.constant 0 : i32
        %swap3A_466 = tpu.memref_slice %arg7[%scan3A_261, %swap3A_464, %swap3A_465] : memref<2x110x128xf32, #tpu.memory_space<vmem>> -> memref<1x110x128xf32, #tpu.memory_space<vmem>>
        %swap3A_467 = tpu.memref_squeeze %swap3A_466 : memref<1x110x128xf32, #tpu.memory_space<vmem>> -> memref<110x128xf32, #tpu.memory_space<vmem>>
        %swap3A_468 = arith.constant 0 : i32
        %swap3A_469 = tpu.memref_slice %swap3A_467[%add3A_414, %swap3A_468] : memref<110x128xf32, #tpu.memory_space<vmem>> -> memref<1x128xf32, #tpu.memory_space<vmem>>
        %swap3A_470 = tpu.memref_squeeze %swap3A_469 : memref<1x128xf32, #tpu.memory_space<vmem>> -> memref<128xf32, #tpu.memory_space<vmem>>
        %swap3A_471 = arith.constant 64 : index
        %swap3A_472 = tpu.vector_load %swap3A_470[%swap3A_471] {strides = array<i32>} : memref<128xf32, #tpu.memory_space<vmem>>, vector<16xf32>,
        tpu.vector_store %swap3A_470[%swap3A_471], %gather3A_463 {strides = array<i32>} : memref<128xf32, #tpu.memory_space<vmem>>, vector<16xf32>,
        %add3A_473 = arith.addi %add3A_417, %get3A_250 : vector<16xi32>
        %gather3A_474 = tpu.vector_load_idx %arg6[%add3A_473] : memref<42240xf32, #tpu.memory_space<vmem>>[vector<16xi32>], vector<16xf32>,
        %swap3A_475 = arith.constant 0 : i32
        %swap3A_476 = arith.constant 0 : i32
        %swap3A_477 = tpu.memref_slice %arg7[%scan3A_261, %swap3A_475, %swap3A_476] : memref<2x110x128xf32, #tpu.memory_space<vmem>> -> memref<1x110x128xf32, #tpu.memory_space<vmem>>
        %swap3A_478 = tpu.memref_squeeze %swap3A_477 : memref<1x110x128xf32, #tpu.memory_space<vmem>> -> memref<110x128xf32, #tpu.memory_space<vmem>>
        %swap3A_479 = arith.constant 0 : i32
        %swap3A_480 = tpu.memref_slice %swap3A_478[%add3A_414, %swap3A_479] : memref<110x128xf32, #tpu.memory_space<vmem>> -> memref<1x128xf32, #tpu.memory_space<vmem>>
        %swap3A_481 = tpu.memref_squeeze %swap3A_480 : memref<1x128xf32, #tpu.memory_space<vmem>> -> memref<128xf32, #tpu.memory_space<vmem>>
        %swap3A_482 = arith.constant 80 : index
        %swap3A_483 = tpu.vector_load %swap3A_481[%swap3A_482] {strides = array<i32>} : memref<128xf32, #tpu.memory_space<vmem>>, vector<16xf32>,
        tpu.vector_store %swap3A_481[%swap3A_482], %gather3A_474 {strides = array<i32>} : memref<128xf32, #tpu.memory_space<vmem>>, vector<16xf32>,
        %add3A_484 = arith.addi %add3A_417, %get3A_255 : vector<16xi32>
        %gather3A_485 = tpu.vector_load_idx %arg6[%add3A_484] : memref<42240xf32, #tpu.memory_space<vmem>>[vector<16xi32>], vector<16xf32>,
        %swap3A_486 = arith.constant 0 : i32
        %swap3A_487 = arith.constant 0 : i32
        %swap3A_488 = tpu.memref_slice %arg7[%scan3A_261, %swap3A_486, %swap3A_487] : memref<2x110x128xf32, #tpu.memory_space<vmem>> -> memref<1x110x128xf32, #tpu.memory_space<vmem>>
        %swap3A_489 = tpu.memref_squeeze %swap3A_488 : memref<1x110x128xf32, #tpu.memory_space<vmem>> -> memref<110x128xf32, #tpu.memory_space<vmem>>
        %swap3A_490 = arith.constant 0 : i32
        %swap3A_491 = tpu.memref_slice %swap3A_489[%add3A_414, %swap3A_490] : memref<110x128xf32, #tpu.memory_space<vmem>> -> memref<1x128xf32, #tpu.memory_space<vmem>>
        %swap3A_492 = tpu.memref_squeeze %swap3A_491 : memref<1x128xf32, #tpu.memory_space<vmem>> -> memref<128xf32, #tpu.memory_space<vmem>>
        %swap3A_493 = arith.constant 96 : index
        %swap3A_494 = tpu.vector_load %swap3A_492[%swap3A_493] {strides = array<i32>} : memref<128xf32, #tpu.memory_space<vmem>>, vector<16xf32>,
        tpu.vector_store %swap3A_492[%swap3A_493], %gather3A_485 {strides = array<i32>} : memref<128xf32, #tpu.memory_space<vmem>>, vector<16xf32>,
        %add3A_495 = arith.addi %add3A_417, %get3A_260 : vector<16xi32>
        %gather3A_496 = tpu.vector_load_idx %arg6[%add3A_495] : memref<42240xf32, #tpu.memory_space<vmem>>[vector<16xi32>], vector<16xf32>,
        %swap3A_497 = arith.constant 0 : i32
        %swap3A_498 = arith.constant 0 : i32
        %swap3A_499 = tpu.memref_slice %arg7[%scan3A_261, %swap3A_497, %swap3A_498] : memref<2x110x128xf32, #tpu.memory_space<vmem>> -> memref<1x110x128xf32, #tpu.memory_space<vmem>>
        %swap3A_500 = tpu.memref_squeeze %swap3A_499 : memref<1x110x128xf32, #tpu.memory_space<vmem>> -> memref<110x128xf32, #tpu.memory_space<vmem>>
        %swap3A_501 = arith.constant 0 : i32
        %swap3A_502 = tpu.memref_slice %swap3A_500[%add3A_414, %swap3A_501] : memref<110x128xf32, #tpu.memory_space<vmem>> -> memref<1x128xf32, #tpu.memory_space<vmem>>
        %swap3A_503 = tpu.memref_squeeze %swap3A_502 : memref<1x128xf32, #tpu.memory_space<vmem>> -> memref<128xf32, #tpu.memory_space<vmem>>
        %swap3A_504 = arith.constant 112 : index
        %swap3A_505 = tpu.vector_load %swap3A_503[%swap3A_504] {strides = array<i32>} : memref<128xf32, #tpu.memory_space<vmem>>, vector<16xf32>,
        tpu.vector_store %swap3A_503[%swap3A_504], %gather3A_496 {strides = array<i32>} : memref<128xf32, #tpu.memory_space<vmem>>, vector<16xf32>,
        %add3A_506 = arith.constant 2 : i32
        %add3A_507 = arith.addi %mul3A_321, %add3A_506 : i32
        %add3A_508 = arith.constant 768 : i32
        %add3A_509 = vector.broadcast %add3A_508 : i32 to vector<16xi32>
        %add3A_510 = arith.addi %scan3A_319, %add3A_509 : vector<16xi32>
        %add3A_511 = arith.addi %add3A_510, %get3A_225 : vector<16xi32>
        %gather3A_512 = tpu.vector_load_idx %arg6[%add3A_511] : memref<42240xf32, #tpu.memory_space<vmem>>[vector<16xi32>], vector<16xf32>,
        %swap3A_513 = arith.constant 0 : i32
        %swap3A_514 = arith.constant 0 : i32
        %swap3A_515 = tpu.memref_slice %arg7[%scan3A_261, %swap3A_513, %swap3A_514] : memref<2x110x128xf32, #tpu.memory_space<vmem>> -> memref<1x110x128xf32, #tpu.memory_space<vmem>>
        %swap3A_516 = tpu.memref_squeeze %swap3A_515 : memref<1x110x128xf32, #tpu.memory_space<vmem>> -> memref<110x128xf32, #tpu.memory_space<vmem>>
        %swap3A_517 = arith.constant 0 : i32
        %swap3A_518 = tpu.memref_slice %swap3A_516[%add3A_507, %swap3A_517] : memref<110x128xf32, #tpu.memory_space<vmem>> -> memref<1x128xf32, #tpu.memory_space<vmem>>
        %swap3A_519 = tpu.memref_squeeze %swap3A_518 : memref<1x128xf32, #tpu.memory_space<vmem>> -> memref<128xf32, #tpu.memory_space<vmem>>
        %swap3A_520 = arith.constant 0 : index
        %swap3A_521 = tpu.vector_load %swap3A_519[%swap3A_520] {strides = array<i32>} : memref<128xf32, #tpu.memory_space<vmem>>, vector<16xf32>,
        tpu.vector_store %swap3A_519[%swap3A_520], %gather3A_512 {strides = array<i32>} : memref<128xf32, #tpu.memory_space<vmem>>, vector<16xf32>,
        %add3A_522 = arith.addi %add3A_510, %get3A_230 : vector<16xi32>
        %gather3A_523 = tpu.vector_load_idx %arg6[%add3A_522] : memref<42240xf32, #tpu.memory_space<vmem>>[vector<16xi32>], vector<16xf32>,
        %swap3A_524 = arith.constant 0 : i32
        %swap3A_525 = arith.constant 0 : i32
        %swap3A_526 = tpu.memref_slice %arg7[%scan3A_261, %swap3A_524, %swap3A_525] : memref<2x110x128xf32, #tpu.memory_space<vmem>> -> memref<1x110x128xf32, #tpu.memory_space<vmem>>
        %swap3A_527 = tpu.memref_squeeze %swap3A_526 : memref<1x110x128xf32, #tpu.memory_space<vmem>> -> memref<110x128xf32, #tpu.memory_space<vmem>>
        %swap3A_528 = arith.constant 0 : i32
        %swap3A_529 = tpu.memref_slice %swap3A_527[%add3A_507, %swap3A_528] : memref<110x128xf32, #tpu.memory_space<vmem>> -> memref<1x128xf32, #tpu.memory_space<vmem>>
        %swap3A_530 = tpu.memref_squeeze %swap3A_529 : memref<1x128xf32, #tpu.memory_space<vmem>> -> memref<128xf32, #tpu.memory_space<vmem>>
        %swap3A_531 = arith.constant 16 : index
        %swap3A_532 = tpu.vector_load %swap3A_530[%swap3A_531] {strides = array<i32>} : memref<128xf32, #tpu.memory_space<vmem>>, vector<16xf32>,
        tpu.vector_store %swap3A_530[%swap3A_531], %gather3A_523 {strides = array<i32>} : memref<128xf32, #tpu.memory_space<vmem>>, vector<16xf32>,
        %add3A_533 = arith.addi %add3A_510, %get3A_235 : vector<16xi32>
        %gather3A_534 = tpu.vector_load_idx %arg6[%add3A_533] : memref<42240xf32, #tpu.memory_space<vmem>>[vector<16xi32>], vector<16xf32>,
        %swap3A_535 = arith.constant 0 : i32
        %swap3A_536 = arith.constant 0 : i32
        %swap3A_537 = tpu.memref_slice %arg7[%scan3A_261, %swap3A_535, %swap3A_536] : memref<2x110x128xf32, #tpu.memory_space<vmem>> -> memref<1x110x128xf32, #tpu.memory_space<vmem>>
        %swap3A_538 = tpu.memref_squeeze %swap3A_537 : memref<1x110x128xf32, #tpu.memory_space<vmem>> -> memref<110x128xf32, #tpu.memory_space<vmem>>
        %swap3A_539 = arith.constant 0 : i32
        %swap3A_540 = tpu.memref_slice %swap3A_538[%add3A_507, %swap3A_539] : memref<110x128xf32, #tpu.memory_space<vmem>> -> memref<1x128xf32, #tpu.memory_space<vmem>>
        %swap3A_541 = tpu.memref_squeeze %swap3A_540 : memref<1x128xf32, #tpu.memory_space<vmem>> -> memref<128xf32, #tpu.memory_space<vmem>>
        %swap3A_542 = arith.constant 32 : index
        %swap3A_543 = tpu.vector_load %swap3A_541[%swap3A_542] {strides = array<i32>} : memref<128xf32, #tpu.memory_space<vmem>>, vector<16xf32>,
        tpu.vector_store %swap3A_541[%swap3A_542], %gather3A_534 {strides = array<i32>} : memref<128xf32, #tpu.memory_space<vmem>>, vector<16xf32>,
        %add3A_544 = arith.addi %add3A_510, %get3A_240 : vector<16xi32>
        %gather3A_545 = tpu.vector_load_idx %arg6[%add3A_544] : memref<42240xf32, #tpu.memory_space<vmem>>[vector<16xi32>], vector<16xf32>,
        %swap3A_546 = arith.constant 0 : i32
        %swap3A_547 = arith.constant 0 : i32
        %swap3A_548 = tpu.memref_slice %arg7[%scan3A_261, %swap3A_546, %swap3A_547] : memref<2x110x128xf32, #tpu.memory_space<vmem>> -> memref<1x110x128xf32, #tpu.memory_space<vmem>>
        %swap3A_549 = tpu.memref_squeeze %swap3A_548 : memref<1x110x128xf32, #tpu.memory_space<vmem>> -> memref<110x128xf32, #tpu.memory_space<vmem>>
        %swap3A_550 = arith.constant 0 : i32
        %swap3A_551 = tpu.memref_slice %swap3A_549[%add3A_507, %swap3A_550] : memref<110x128xf32, #tpu.memory_space<vmem>> -> memref<1x128xf32, #tpu.memory_space<vmem>>
        %swap3A_552 = tpu.memref_squeeze %swap3A_551 : memref<1x128xf32, #tpu.memory_space<vmem>> -> memref<128xf32, #tpu.memory_space<vmem>>
        %swap3A_553 = arith.constant 48 : index
        %swap3A_554 = tpu.vector_load %swap3A_552[%swap3A_553] {strides = array<i32>} : memref<128xf32, #tpu.memory_space<vmem>>, vector<16xf32>,
        tpu.vector_store %swap3A_552[%swap3A_553], %gather3A_545 {strides = array<i32>} : memref<128xf32, #tpu.memory_space<vmem>>, vector<16xf32>,
        %add3A_555 = arith.addi %add3A_510, %get3A_245 : vector<16xi32>
        %gather3A_556 = tpu.vector_load_idx %arg6[%add3A_555] : memref<42240xf32, #tpu.memory_space<vmem>>[vector<16xi32>], vector<16xf32>,
        %swap3A_557 = arith.constant 0 : i32
        %swap3A_558 = arith.constant 0 : i32
        %swap3A_559 = tpu.memref_slice %arg7[%scan3A_261, %swap3A_557, %swap3A_558] : memref<2x110x128xf32, #tpu.memory_space<vmem>> -> memref<1x110x128xf32, #tpu.memory_space<vmem>>
        %swap3A_560 = tpu.memref_squeeze %swap3A_559 : memref<1x110x128xf32, #tpu.memory_space<vmem>> -> memref<110x128xf32, #tpu.memory_space<vmem>>
        %swap3A_561 = arith.constant 0 : i32
        %swap3A_562 = tpu.memref_slice %swap3A_560[%add3A_507, %swap3A_561] : memref<110x128xf32, #tpu.memory_space<vmem>> -> memref<1x128xf32, #tpu.memory_space<vmem>>
        %swap3A_563 = tpu.memref_squeeze %swap3A_562 : memref<1x128xf32, #tpu.memory_space<vmem>> -> memref<128xf32, #tpu.memory_space<vmem>>
        %swap3A_564 = arith.constant 64 : index
        %swap3A_565 = tpu.vector_load %swap3A_563[%swap3A_564] {strides = array<i32>} : memref<128xf32, #tpu.memory_space<vmem>>, vector<16xf32>,
        tpu.vector_store %swap3A_563[%swap3A_564], %gather3A_556 {strides = array<i32>} : memref<128xf32, #tpu.memory_space<vmem>>, vector<16xf32>,
        %add3A_566 = arith.addi %add3A_510, %get3A_250 : vector<16xi32>
        %gather3A_567 = tpu.vector_load_idx %arg6[%add3A_566] : memref<42240xf32, #tpu.memory_space<vmem>>[vector<16xi32>], vector<16xf32>,
        %swap3A_568 = arith.constant 0 : i32
        %swap3A_569 = arith.constant 0 : i32
        %swap3A_570 = tpu.memref_slice %arg7[%scan3A_261, %swap3A_568, %swap3A_569] : memref<2x110x128xf32, #tpu.memory_space<vmem>> -> memref<1x110x128xf32, #tpu.memory_space<vmem>>
        %swap3A_571 = tpu.memref_squeeze %swap3A_570 : memref<1x110x128xf32, #tpu.memory_space<vmem>> -> memref<110x128xf32, #tpu.memory_space<vmem>>
        %swap3A_572 = arith.constant 0 : i32
        %swap3A_573 = tpu.memref_slice %swap3A_571[%add3A_507, %swap3A_572] : memref<110x128xf32, #tpu.memory_space<vmem>> -> memref<1x128xf32, #tpu.memory_space<vmem>>
        %swap3A_574 = tpu.memref_squeeze %swap3A_573 : memref<1x128xf32, #tpu.memory_space<vmem>> -> memref<128xf32, #tpu.memory_space<vmem>>
        %swap3A_575 = arith.constant 80 : index
        %swap3A_576 = tpu.vector_load %swap3A_574[%swap3A_575] {strides = array<i32>} : memref<128xf32, #tpu.memory_space<vmem>>, vector<16xf32>,
        tpu.vector_store %swap3A_574[%swap3A_575], %gather3A_567 {strides = array<i32>} : memref<128xf32, #tpu.memory_space<vmem>>, vector<16xf32>,
        %add3A_577 = arith.addi %add3A_510, %get3A_255 : vector<16xi32>
        %gather3A_578 = tpu.vector_load_idx %arg6[%add3A_577] : memref<42240xf32, #tpu.memory_space<vmem>>[vector<16xi32>], vector<16xf32>,
        %swap3A_579 = arith.constant 0 : i32
        %swap3A_580 = arith.constant 0 : i32
        %swap3A_581 = tpu.memref_slice %arg7[%scan3A_261, %swap3A_579, %swap3A_580] : memref<2x110x128xf32, #tpu.memory_space<vmem>> -> memref<1x110x128xf32, #tpu.memory_space<vmem>>
        %swap3A_582 = tpu.memref_squeeze %swap3A_581 : memref<1x110x128xf32, #tpu.memory_space<vmem>> -> memref<110x128xf32, #tpu.memory_space<vmem>>
        %swap3A_583 = arith.constant 0 : i32
        %swap3A_584 = tpu.memref_slice %swap3A_582[%add3A_507, %swap3A_583] : memref<110x128xf32, #tpu.memory_space<vmem>> -> memref<1x128xf32, #tpu.memory_space<vmem>>
        %swap3A_585 = tpu.memref_squeeze %swap3A_584 : memref<1x128xf32, #tpu.memory_space<vmem>> -> memref<128xf32, #tpu.memory_space<vmem>>
        %swap3A_586 = arith.constant 96 : index
        %swap3A_587 = tpu.vector_load %swap3A_585[%swap3A_586] {strides = array<i32>} : memref<128xf32, #tpu.memory_space<vmem>>, vector<16xf32>,
        tpu.vector_store %swap3A_585[%swap3A_586], %gather3A_578 {strides = array<i32>} : memref<128xf32, #tpu.memory_space<vmem>>, vector<16xf32>,
        %add3A_588 = arith.addi %add3A_510, %get3A_260 : vector<16xi32>
        %gather3A_589 = tpu.vector_load_idx %arg6[%add3A_588] : memref<42240xf32, #tpu.memory_space<vmem>>[vector<16xi32>], vector<16xf32>,
        %swap3A_590 = arith.constant 0 : i32
        %swap3A_591 = arith.constant 0 : i32
        %swap3A_592 = tpu.memref_slice %arg7[%scan3A_261, %swap3A_590, %swap3A_591] : memref<2x110x128xf32, #tpu.memory_space<vmem>> -> memref<1x110x128xf32, #tpu.memory_space<vmem>>
        %swap3A_593 = tpu.memref_squeeze %swap3A_592 : memref<1x110x128xf32, #tpu.memory_space<vmem>> -> memref<110x128xf32, #tpu.memory_space<vmem>>
        %swap3A_594 = arith.constant 0 : i32
        %swap3A_595 = tpu.memref_slice %swap3A_593[%add3A_507, %swap3A_594] : memref<110x128xf32, #tpu.memory_space<vmem>> -> memref<1x128xf32, #tpu.memory_space<vmem>>
        %swap3A_596 = tpu.memref_squeeze %swap3A_595 : memref<1x128xf32, #tpu.memory_space<vmem>> -> memref<128xf32, #tpu.memory_space<vmem>>
        %swap3A_597 = arith.constant 112 : index
        %swap3A_598 = tpu.vector_load %swap3A_596[%swap3A_597] {strides = array<i32>} : memref<128xf32, #tpu.memory_space<vmem>>, vector<16xf32>,
        tpu.vector_store %swap3A_596[%swap3A_597], %gather3A_589 {strides = array<i32>} : memref<128xf32, #tpu.memory_space<vmem>>, vector<16xf32>,
        %add3A_599 = arith.constant 3 : i32
        %add3A_600 = arith.addi %mul3A_321, %add3A_599 : i32
        %add3A_601 = arith.constant 1152 : i32
        %add3A_602 = vector.broadcast %add3A_601 : i32 to vector<16xi32>
        %add3A_603 = arith.addi %scan3A_319, %add3A_602 : vector<16xi32>
        %add3A_604 = arith.addi %add3A_603, %get3A_225 : vector<16xi32>
        %gather3A_605 = tpu.vector_load_idx %arg6[%add3A_604] : memref<42240xf32, #tpu.memory_space<vmem>>[vector<16xi32>], vector<16xf32>,
        %swap3A_606 = arith.constant 0 : i32
        %swap3A_607 = arith.constant 0 : i32
        %swap3A_608 = tpu.memref_slice %arg7[%scan3A_261, %swap3A_606, %swap3A_607] : memref<2x110x128xf32, #tpu.memory_space<vmem>> -> memref<1x110x128xf32, #tpu.memory_space<vmem>>
        %swap3A_609 = tpu.memref_squeeze %swap3A_608 : memref<1x110x128xf32, #tpu.memory_space<vmem>> -> memref<110x128xf32, #tpu.memory_space<vmem>>
        %swap3A_610 = arith.constant 0 : i32
        %swap3A_611 = tpu.memref_slice %swap3A_609[%add3A_600, %swap3A_610] : memref<110x128xf32, #tpu.memory_space<vmem>> -> memref<1x128xf32, #tpu.memory_space<vmem>>
        %swap3A_612 = tpu.memref_squeeze %swap3A_611 : memref<1x128xf32, #tpu.memory_space<vmem>> -> memref<128xf32, #tpu.memory_space<vmem>>
        %swap3A_613 = arith.constant 0 : index
        %swap3A_614 = tpu.vector_load %swap3A_612[%swap3A_613] {strides = array<i32>} : memref<128xf32, #tpu.memory_space<vmem>>, vector<16xf32>,
        tpu.vector_store %swap3A_612[%swap3A_613], %gather3A_605 {strides = array<i32>} : memref<128xf32, #tpu.memory_space<vmem>>, vector<16xf32>,
        %add3A_615 = arith.addi %add3A_603, %get3A_230 : vector<16xi32>
        %gather3A_616 = tpu.vector_load_idx %arg6[%add3A_615] : memref<42240xf32, #tpu.memory_space<vmem>>[vector<16xi32>], vector<16xf32>,
        %swap3A_617 = arith.constant 0 : i32
        %swap3A_618 = arith.constant 0 : i32
        %swap3A_619 = tpu.memref_slice %arg7[%scan3A_261, %swap3A_617, %swap3A_618] : memref<2x110x128xf32, #tpu.memory_space<vmem>> -> memref<1x110x128xf32, #tpu.memory_space<vmem>>
        %swap3A_620 = tpu.memref_squeeze %swap3A_619 : memref<1x110x128xf32, #tpu.memory_space<vmem>> -> memref<110x128xf32, #tpu.memory_space<vmem>>
        %swap3A_621 = arith.constant 0 : i32
        %swap3A_622 = tpu.memref_slice %swap3A_620[%add3A_600, %swap3A_621] : memref<110x128xf32, #tpu.memory_space<vmem>> -> memref<1x128xf32, #tpu.memory_space<vmem>>
        %swap3A_623 = tpu.memref_squeeze %swap3A_622 : memref<1x128xf32, #tpu.memory_space<vmem>> -> memref<128xf32, #tpu.memory_space<vmem>>
        %swap3A_624 = arith.constant 16 : index
        %swap3A_625 = tpu.vector_load %swap3A_623[%swap3A_624] {strides = array<i32>} : memref<128xf32, #tpu.memory_space<vmem>>, vector<16xf32>,
        tpu.vector_store %swap3A_623[%swap3A_624], %gather3A_616 {strides = array<i32>} : memref<128xf32, #tpu.memory_space<vmem>>, vector<16xf32>,
        %add3A_626 = arith.addi %add3A_603, %get3A_235 : vector<16xi32>
        %gather3A_627 = tpu.vector_load_idx %arg6[%add3A_626] : memref<42240xf32, #tpu.memory_space<vmem>>[vector<16xi32>], vector<16xf32>,
        %swap3A_628 = arith.constant 0 : i32
        %swap3A_629 = arith.constant 0 : i32
        %swap3A_630 = tpu.memref_slice %arg7[%scan3A_261, %swap3A_628, %swap3A_629] : memref<2x110x128xf32, #tpu.memory_space<vmem>> -> memref<1x110x128xf32, #tpu.memory_space<vmem>>
        %swap3A_631 = tpu.memref_squeeze %swap3A_630 : memref<1x110x128xf32, #tpu.memory_space<vmem>> -> memref<110x128xf32, #tpu.memory_space<vmem>>
        %swap3A_632 = arith.constant 0 : i32
        %swap3A_633 = tpu.memref_slice %swap3A_631[%add3A_600, %swap3A_632] : memref<110x128xf32, #tpu.memory_space<vmem>> -> memref<1x128xf32, #tpu.memory_space<vmem>>
        %swap3A_634 = tpu.memref_squeeze %swap3A_633 : memref<1x128xf32, #tpu.memory_space<vmem>> -> memref<128xf32, #tpu.memory_space<vmem>>
        %swap3A_635 = arith.constant 32 : index
        %swap3A_636 = tpu.vector_load %swap3A_634[%swap3A_635] {strides = array<i32>} : memref<128xf32, #tpu.memory_space<vmem>>, vector<16xf32>,
        tpu.vector_store %swap3A_634[%swap3A_635], %gather3A_627 {strides = array<i32>} : memref<128xf32, #tpu.memory_space<vmem>>, vector<16xf32>,
        %add3A_637 = arith.addi %add3A_603, %get3A_240 : vector<16xi32>
        %gather3A_638 = tpu.vector_load_idx %arg6[%add3A_637] : memref<42240xf32, #tpu.memory_space<vmem>>[vector<16xi32>], vector<16xf32>,
        %swap3A_639 = arith.constant 0 : i32
        %swap3A_640 = arith.constant 0 : i32
        %swap3A_641 = tpu.memref_slice %arg7[%scan3A_261, %swap3A_639, %swap3A_640] : memref<2x110x128xf32, #tpu.memory_space<vmem>> -> memref<1x110x128xf32, #tpu.memory_space<vmem>>
        %swap3A_642 = tpu.memref_squeeze %swap3A_641 : memref<1x110x128xf32, #tpu.memory_space<vmem>> -> memref<110x128xf32, #tpu.memory_space<vmem>>
        %swap3A_643 = arith.constant 0 : i32
        %swap3A_644 = tpu.memref_slice %swap3A_642[%add3A_600, %swap3A_643] : memref<110x128xf32, #tpu.memory_space<vmem>> -> memref<1x128xf32, #tpu.memory_space<vmem>>
        %swap3A_645 = tpu.memref_squeeze %swap3A_644 : memref<1x128xf32, #tpu.memory_space<vmem>> -> memref<128xf32, #tpu.memory_space<vmem>>
        %swap3A_646 = arith.constant 48 : index
        %swap3A_647 = tpu.vector_load %swap3A_645[%swap3A_646] {strides = array<i32>} : memref<128xf32, #tpu.memory_space<vmem>>, vector<16xf32>,
        tpu.vector_store %swap3A_645[%swap3A_646], %gather3A_638 {strides = array<i32>} : memref<128xf32, #tpu.memory_space<vmem>>, vector<16xf32>,
        %add3A_648 = arith.addi %add3A_603, %get3A_245 : vector<16xi32>
        %gather3A_649 = tpu.vector_load_idx %arg6[%add3A_648] : memref<42240xf32, #tpu.memory_space<vmem>>[vector<16xi32>], vector<16xf32>,
        %swap3A_650 = arith.constant 0 : i32
        %swap3A_651 = arith.constant 0 : i32
        %swap3A_652 = tpu.memref_slice %arg7[%scan3A_261, %swap3A_650, %swap3A_651] : memref<2x110x128xf32, #tpu.memory_space<vmem>> -> memref<1x110x128xf32, #tpu.memory_space<vmem>>
        %swap3A_653 = tpu.memref_squeeze %swap3A_652 : memref<1x110x128xf32, #tpu.memory_space<vmem>> -> memref<110x128xf32, #tpu.memory_space<vmem>>
        %swap3A_654 = arith.constant 0 : i32
        %swap3A_655 = tpu.memref_slice %swap3A_653[%add3A_600, %swap3A_654] : memref<110x128xf32, #tpu.memory_space<vmem>> -> memref<1x128xf32, #tpu.memory_space<vmem>>
        %swap3A_656 = tpu.memref_squeeze %swap3A_655 : memref<1x128xf32, #tpu.memory_space<vmem>> -> memref<128xf32, #tpu.memory_space<vmem>>
        %swap3A_657 = arith.constant 64 : index
        %swap3A_658 = tpu.vector_load %swap3A_656[%swap3A_657] {strides = array<i32>} : memref<128xf32, #tpu.memory_space<vmem>>, vector<16xf32>,
        tpu.vector_store %swap3A_656[%swap3A_657], %gather3A_649 {strides = array<i32>} : memref<128xf32, #tpu.memory_space<vmem>>, vector<16xf32>,
        %add3A_659 = arith.addi %add3A_603, %get3A_250 : vector<16xi32>
        %gather3A_660 = tpu.vector_load_idx %arg6[%add3A_659] : memref<42240xf32, #tpu.memory_space<vmem>>[vector<16xi32>], vector<16xf32>,
        %swap3A_661 = arith.constant 0 : i32
        %swap3A_662 = arith.constant 0 : i32
        %swap3A_663 = tpu.memref_slice %arg7[%scan3A_261, %swap3A_661, %swap3A_662] : memref<2x110x128xf32, #tpu.memory_space<vmem>> -> memref<1x110x128xf32, #tpu.memory_space<vmem>>
        %swap3A_664 = tpu.memref_squeeze %swap3A_663 : memref<1x110x128xf32, #tpu.memory_space<vmem>> -> memref<110x128xf32, #tpu.memory_space<vmem>>
        %swap3A_665 = arith.constant 0 : i32
        %swap3A_666 = tpu.memref_slice %swap3A_664[%add3A_600, %swap3A_665] : memref<110x128xf32, #tpu.memory_space<vmem>> -> memref<1x128xf32, #tpu.memory_space<vmem>>
        %swap3A_667 = tpu.memref_squeeze %swap3A_666 : memref<1x128xf32, #tpu.memory_space<vmem>> -> memref<128xf32, #tpu.memory_space<vmem>>
        %swap3A_668 = arith.constant 80 : index
        %swap3A_669 = tpu.vector_load %swap3A_667[%swap3A_668] {strides = array<i32>} : memref<128xf32, #tpu.memory_space<vmem>>, vector<16xf32>,
        tpu.vector_store %swap3A_667[%swap3A_668], %gather3A_660 {strides = array<i32>} : memref<128xf32, #tpu.memory_space<vmem>>, vector<16xf32>,
        %add3A_670 = arith.addi %add3A_603, %get3A_255 : vector<16xi32>
        %gather3A_671 = tpu.vector_load_idx %arg6[%add3A_670] : memref<42240xf32, #tpu.memory_space<vmem>>[vector<16xi32>], vector<16xf32>,
        %swap3A_672 = arith.constant 0 : i32
        %swap3A_673 = arith.constant 0 : i32
        %swap3A_674 = tpu.memref_slice %arg7[%scan3A_261, %swap3A_672, %swap3A_673] : memref<2x110x128xf32, #tpu.memory_space<vmem>> -> memref<1x110x128xf32, #tpu.memory_space<vmem>>
        %swap3A_675 = tpu.memref_squeeze %swap3A_674 : memref<1x110x128xf32, #tpu.memory_space<vmem>> -> memref<110x128xf32, #tpu.memory_space<vmem>>
        %swap3A_676 = arith.constant 0 : i32
        %swap3A_677 = tpu.memref_slice %swap3A_675[%add3A_600, %swap3A_676] : memref<110x128xf32, #tpu.memory_space<vmem>> -> memref<1x128xf32, #tpu.memory_space<vmem>>
        %swap3A_678 = tpu.memref_squeeze %swap3A_677 : memref<1x128xf32, #tpu.memory_space<vmem>> -> memref<128xf32, #tpu.memory_space<vmem>>
        %swap3A_679 = arith.constant 96 : index
        %swap3A_680 = tpu.vector_load %swap3A_678[%swap3A_679] {strides = array<i32>} : memref<128xf32, #tpu.memory_space<vmem>>, vector<16xf32>,
        tpu.vector_store %swap3A_678[%swap3A_679], %gather3A_671 {strides = array<i32>} : memref<128xf32, #tpu.memory_space<vmem>>, vector<16xf32>,
        %add3A_681 = arith.addi %add3A_603, %get3A_260 : vector<16xi32>
        %gather3A_682 = tpu.vector_load_idx %arg6[%add3A_681] : memref<42240xf32, #tpu.memory_space<vmem>>[vector<16xi32>], vector<16xf32>,
        %swap3A_683 = arith.constant 0 : i32
        %swap3A_684 = arith.constant 0 : i32
        %swap3A_685 = tpu.memref_slice %arg7[%scan3A_261, %swap3A_683, %swap3A_684] : memref<2x110x128xf32, #tpu.memory_space<vmem>> -> memref<1x110x128xf32, #tpu.memory_space<vmem>>
        %swap3A_686 = tpu.memref_squeeze %swap3A_685 : memref<1x110x128xf32, #tpu.memory_space<vmem>> -> memref<110x128xf32, #tpu.memory_space<vmem>>
        %swap3A_687 = arith.constant 0 : i32
        %swap3A_688 = tpu.memref_slice %swap3A_686[%add3A_600, %swap3A_687] : memref<110x128xf32, #tpu.memory_space<vmem>> -> memref<1x128xf32, #tpu.memory_space<vmem>>
        %swap3A_689 = tpu.memref_squeeze %swap3A_688 : memref<1x128xf32, #tpu.memory_space<vmem>> -> memref<128xf32, #tpu.memory_space<vmem>>
        %swap3A_690 = arith.constant 112 : index
        %swap3A_691 = tpu.vector_load %swap3A_689[%swap3A_690] {strides = array<i32>} : memref<128xf32, #tpu.memory_space<vmem>>, vector<16xf32>,
        tpu.vector_store %swap3A_689[%swap3A_690], %gather3A_682 {strides = array<i32>} : memref<128xf32, #tpu.memory_space<vmem>>, vector<16xf32>,
        %add3A_692 = arith.constant 4 : i32
        %add3A_693 = arith.addi %mul3A_321, %add3A_692 : i32
        %add3A_694 = arith.constant 1536 : i32
        %add3A_695 = vector.broadcast %add3A_694 : i32 to vector<16xi32>
        %add3A_696 = arith.addi %scan3A_319, %add3A_695 : vector<16xi32>
        %add3A_697 = arith.addi %add3A_696, %get3A_225 : vector<16xi32>
        %gather3A_698 = tpu.vector_load_idx %arg6[%add3A_697] : memref<42240xf32, #tpu.memory_space<vmem>>[vector<16xi32>], vector<16xf32>,
        %swap3A_699 = arith.constant 0 : i32
        %swap3A_700 = arith.constant 0 : i32
        %swap3A_701 = tpu.memref_slice %arg7[%scan3A_261, %swap3A_699, %swap3A_700] : memref<2x110x128xf32, #tpu.memory_space<vmem>> -> memref<1x110x128xf32, #tpu.memory_space<vmem>>
        %swap3A_702 = tpu.memref_squeeze %swap3A_701 : memref<1x110x128xf32, #tpu.memory_space<vmem>> -> memref<110x128xf32, #tpu.memory_space<vmem>>
        %swap3A_703 = arith.constant 0 : i32
        %swap3A_704 = tpu.memref_slice %swap3A_702[%add3A_693, %swap3A_703] : memref<110x128xf32, #tpu.memory_space<vmem>> -> memref<1x128xf32, #tpu.memory_space<vmem>>
        %swap3A_705 = tpu.memref_squeeze %swap3A_704 : memref<1x128xf32, #tpu.memory_space<vmem>> -> memref<128xf32, #tpu.memory_space<vmem>>
        %swap3A_706 = arith.constant 0 : index
        %swap3A_707 = tpu.vector_load %swap3A_705[%swap3A_706] {strides = array<i32>} : memref<128xf32, #tpu.memory_space<vmem>>, vector<16xf32>,
        tpu.vector_store %swap3A_705[%swap3A_706], %gather3A_698 {strides = array<i32>} : memref<128xf32, #tpu.memory_space<vmem>>, vector<16xf32>,
        %add3A_708 = arith.addi %add3A_696, %get3A_230 : vector<16xi32>
        %gather3A_709 = tpu.vector_load_idx %arg6[%add3A_708] : memref<42240xf32, #tpu.memory_space<vmem>>[vector<16xi32>], vector<16xf32>,
        %swap3A_710 = arith.constant 0 : i32
        %swap3A_711 = arith.constant 0 : i32
        %swap3A_712 = tpu.memref_slice %arg7[%scan3A_261, %swap3A_710, %swap3A_711] : memref<2x110x128xf32, #tpu.memory_space<vmem>> -> memref<1x110x128xf32, #tpu.memory_space<vmem>>
        %swap3A_713 = tpu.memref_squeeze %swap3A_712 : memref<1x110x128xf32, #tpu.memory_space<vmem>> -> memref<110x128xf32, #tpu.memory_space<vmem>>
        %swap3A_714 = arith.constant 0 : i32
        %swap3A_715 = tpu.memref_slice %swap3A_713[%add3A_693, %swap3A_714] : memref<110x128xf32, #tpu.memory_space<vmem>> -> memref<1x128xf32, #tpu.memory_space<vmem>>
        %swap3A_716 = tpu.memref_squeeze %swap3A_715 : memref<1x128xf32, #tpu.memory_space<vmem>> -> memref<128xf32, #tpu.memory_space<vmem>>
        %swap3A_717 = arith.constant 16 : index
        %swap3A_718 = tpu.vector_load %swap3A_716[%swap3A_717] {strides = array<i32>} : memref<128xf32, #tpu.memory_space<vmem>>, vector<16xf32>,
        tpu.vector_store %swap3A_716[%swap3A_717], %gather3A_709 {strides = array<i32>} : memref<128xf32, #tpu.memory_space<vmem>>, vector<16xf32>,
        %add3A_719 = arith.addi %add3A_696, %get3A_235 : vector<16xi32>
        %gather3A_720 = tpu.vector_load_idx %arg6[%add3A_719] : memref<42240xf32, #tpu.memory_space<vmem>>[vector<16xi32>], vector<16xf32>,
        %swap3A_721 = arith.constant 0 : i32
        %swap3A_722 = arith.constant 0 : i32
        %swap3A_723 = tpu.memref_slice %arg7[%scan3A_261, %swap3A_721, %swap3A_722] : memref<2x110x128xf32, #tpu.memory_space<vmem>> -> memref<1x110x128xf32, #tpu.memory_space<vmem>>
        %swap3A_724 = tpu.memref_squeeze %swap3A_723 : memref<1x110x128xf32, #tpu.memory_space<vmem>> -> memref<110x128xf32, #tpu.memory_space<vmem>>
        %swap3A_725 = arith.constant 0 : i32
        %swap3A_726 = tpu.memref_slice %swap3A_724[%add3A_693, %swap3A_725] : memref<110x128xf32, #tpu.memory_space<vmem>> -> memref<1x128xf32, #tpu.memory_space<vmem>>
        %swap3A_727 = tpu.memref_squeeze %swap3A_726 : memref<1x128xf32, #tpu.memory_space<vmem>> -> memref<128xf32, #tpu.memory_space<vmem>>
        %swap3A_728 = arith.constant 32 : index
        %swap3A_729 = tpu.vector_load %swap3A_727[%swap3A_728] {strides = array<i32>} : memref<128xf32, #tpu.memory_space<vmem>>, vector<16xf32>,
        tpu.vector_store %swap3A_727[%swap3A_728], %gather3A_720 {strides = array<i32>} : memref<128xf32, #tpu.memory_space<vmem>>, vector<16xf32>,
        %add3A_730 = arith.addi %add3A_696, %get3A_240 : vector<16xi32>
        %gather3A_731 = tpu.vector_load_idx %arg6[%add3A_730] : memref<42240xf32, #tpu.memory_space<vmem>>[vector<16xi32>], vector<16xf32>,
        %swap3A_732 = arith.constant 0 : i32
        %swap3A_733 = arith.constant 0 : i32
        %swap3A_734 = tpu.memref_slice %arg7[%scan3A_261, %swap3A_732, %swap3A_733] : memref<2x110x128xf32, #tpu.memory_space<vmem>> -> memref<1x110x128xf32, #tpu.memory_space<vmem>>
        %swap3A_735 = tpu.memref_squeeze %swap3A_734 : memref<1x110x128xf32, #tpu.memory_space<vmem>> -> memref<110x128xf32, #tpu.memory_space<vmem>>
        %swap3A_736 = arith.constant 0 : i32
        %swap3A_737 = tpu.memref_slice %swap3A_735[%add3A_693, %swap3A_736] : memref<110x128xf32, #tpu.memory_space<vmem>> -> memref<1x128xf32, #tpu.memory_space<vmem>>
        %swap3A_738 = tpu.memref_squeeze %swap3A_737 : memref<1x128xf32, #tpu.memory_space<vmem>> -> memref<128xf32, #tpu.memory_space<vmem>>
        %swap3A_739 = arith.constant 48 : index
        %swap3A_740 = tpu.vector_load %swap3A_738[%swap3A_739] {strides = array<i32>} : memref<128xf32, #tpu.memory_space<vmem>>, vector<16xf32>,
        tpu.vector_store %swap3A_738[%swap3A_739], %gather3A_731 {strides = array<i32>} : memref<128xf32, #tpu.memory_space<vmem>>, vector<16xf32>,
        %add3A_741 = arith.addi %add3A_696, %get3A_245 : vector<16xi32>
        %gather3A_742 = tpu.vector_load_idx %arg6[%add3A_741] : memref<42240xf32, #tpu.memory_space<vmem>>[vector<16xi32>], vector<16xf32>,
        %swap3A_743 = arith.constant 0 : i32
        %swap3A_744 = arith.constant 0 : i32
        %swap3A_745 = tpu.memref_slice %arg7[%scan3A_261, %swap3A_743, %swap3A_744] : memref<2x110x128xf32, #tpu.memory_space<vmem>> -> memref<1x110x128xf32, #tpu.memory_space<vmem>>
        %swap3A_746 = tpu.memref_squeeze %swap3A_745 : memref<1x110x128xf32, #tpu.memory_space<vmem>> -> memref<110x128xf32, #tpu.memory_space<vmem>>
        %swap3A_747 = arith.constant 0 : i32
        %swap3A_748 = tpu.memref_slice %swap3A_746[%add3A_693, %swap3A_747] : memref<110x128xf32, #tpu.memory_space<vmem>> -> memref<1x128xf32, #tpu.memory_space<vmem>>
        %swap3A_749 = tpu.memref_squeeze %swap3A_748 : memref<1x128xf32, #tpu.memory_space<vmem>> -> memref<128xf32, #tpu.memory_space<vmem>>
        %swap3A_750 = arith.constant 64 : index
        %swap3A_751 = tpu.vector_load %swap3A_749[%swap3A_750] {strides = array<i32>} : memref<128xf32, #tpu.memory_space<vmem>>, vector<16xf32>,
        tpu.vector_store %swap3A_749[%swap3A_750], %gather3A_742 {strides = array<i32>} : memref<128xf32, #tpu.memory_space<vmem>>, vector<16xf32>,
        %add3A_752 = arith.addi %add3A_696, %get3A_250 : vector<16xi32>
        %gather3A_753 = tpu.vector_load_idx %arg6[%add3A_752] : memref<42240xf32, #tpu.memory_space<vmem>>[vector<16xi32>], vector<16xf32>,
        %swap3A_754 = arith.constant 0 : i32
        %swap3A_755 = arith.constant 0 : i32
        %swap3A_756 = tpu.memref_slice %arg7[%scan3A_261, %swap3A_754, %swap3A_755] : memref<2x110x128xf32, #tpu.memory_space<vmem>> -> memref<1x110x128xf32, #tpu.memory_space<vmem>>
        %swap3A_757 = tpu.memref_squeeze %swap3A_756 : memref<1x110x128xf32, #tpu.memory_space<vmem>> -> memref<110x128xf32, #tpu.memory_space<vmem>>
        %swap3A_758 = arith.constant 0 : i32
        %swap3A_759 = tpu.memref_slice %swap3A_757[%add3A_693, %swap3A_758] : memref<110x128xf32, #tpu.memory_space<vmem>> -> memref<1x128xf32, #tpu.memory_space<vmem>>
        %swap3A_760 = tpu.memref_squeeze %swap3A_759 : memref<1x128xf32, #tpu.memory_space<vmem>> -> memref<128xf32, #tpu.memory_space<vmem>>
        %swap3A_761 = arith.constant 80 : index
        %swap3A_762 = tpu.vector_load %swap3A_760[%swap3A_761] {strides = array<i32>} : memref<128xf32, #tpu.memory_space<vmem>>, vector<16xf32>,
        tpu.vector_store %swap3A_760[%swap3A_761], %gather3A_753 {strides = array<i32>} : memref<128xf32, #tpu.memory_space<vmem>>, vector<16xf32>,
        %add3A_763 = arith.addi %add3A_696, %get3A_255 : vector<16xi32>
        %gather3A_764 = tpu.vector_load_idx %arg6[%add3A_763] : memref<42240xf32, #tpu.memory_space<vmem>>[vector<16xi32>], vector<16xf32>,
        %swap3A_765 = arith.constant 0 : i32
        %swap3A_766 = arith.constant 0 : i32
        %swap3A_767 = tpu.memref_slice %arg7[%scan3A_261, %swap3A_765, %swap3A_766] : memref<2x110x128xf32, #tpu.memory_space<vmem>> -> memref<1x110x128xf32, #tpu.memory_space<vmem>>
        %swap3A_768 = tpu.memref_squeeze %swap3A_767 : memref<1x110x128xf32, #tpu.memory_space<vmem>> -> memref<110x128xf32, #tpu.memory_space<vmem>>
        %swap3A_769 = arith.constant 0 : i32
        %swap3A_770 = tpu.memref_slice %swap3A_768[%add3A_693, %swap3A_769] : memref<110x128xf32, #tpu.memory_space<vmem>> -> memref<1x128xf32, #tpu.memory_space<vmem>>
        %swap3A_771 = tpu.memref_squeeze %swap3A_770 : memref<1x128xf32, #tpu.memory_space<vmem>> -> memref<128xf32, #tpu.memory_space<vmem>>
        %swap3A_772 = arith.constant 96 : index
        %swap3A_773 = tpu.vector_load %swap3A_771[%swap3A_772] {strides = array<i32>} : memref<128xf32, #tpu.memory_space<vmem>>, vector<16xf32>,
        tpu.vector_store %swap3A_771[%swap3A_772], %gather3A_764 {strides = array<i32>} : memref<128xf32, #tpu.memory_space<vmem>>, vector<16xf32>,
        %add3A_774 = arith.addi %add3A_696, %get3A_260 : vector<16xi32>
        %gather3A_775 = tpu.vector_load_idx %arg6[%add3A_774] : memref<42240xf32, #tpu.memory_space<vmem>>[vector<16xi32>], vector<16xf32>,
        %swap3A_776 = arith.constant 0 : i32
        %swap3A_777 = arith.constant 0 : i32
        %swap3A_778 = tpu.memref_slice %arg7[%scan3A_261, %swap3A_776, %swap3A_777] : memref<2x110x128xf32, #tpu.memory_space<vmem>> -> memref<1x110x128xf32, #tpu.memory_space<vmem>>
        %swap3A_779 = tpu.memref_squeeze %swap3A_778 : memref<1x110x128xf32, #tpu.memory_space<vmem>> -> memref<110x128xf32, #tpu.memory_space<vmem>>
        %swap3A_780 = arith.constant 0 : i32
        %swap3A_781 = tpu.memref_slice %swap3A_779[%add3A_693, %swap3A_780] : memref<110x128xf32, #tpu.memory_space<vmem>> -> memref<1x128xf32, #tpu.memory_space<vmem>>
        %swap3A_782 = tpu.memref_squeeze %swap3A_781 : memref<1x128xf32, #tpu.memory_space<vmem>> -> memref<128xf32, #tpu.memory_space<vmem>>
        %swap3A_783 = arith.constant 112 : index
        %swap3A_784 = tpu.vector_load %swap3A_782[%swap3A_783] {strides = array<i32>} : memref<128xf32, #tpu.memory_space<vmem>>, vector<16xf32>,
        tpu.vector_store %swap3A_782[%swap3A_783], %gather3A_775 {strides = array<i32>} : memref<128xf32, #tpu.memory_space<vmem>>, vector<16xf32>,
        %add3A_785 = arith.constant 1920 : i32
        %add3A_786 = vector.broadcast %add3A_785 : i32 to vector<16xi32>
        %add3A_787 = arith.addi %scan3A_319, %add3A_786 : vector<16xi32>
        scf.yield %add3A_787 : vector<16xi32>
      }
      %scan3A_267 = arith.constant 22 : i32
      %jit3A_268 = arith.constant 4 : i32
      %div3A_269 = arith.divsi %add3A_189, %jit3A_268 : i32
      %sign3A_270 = arith.constant 0 : i32
      %sign3A_271 = arith.cmpi sgt, %add3A_189, %sign3A_270 : i32
      %sign3A_272 = arith.extui %sign3A_271 : i1 to i32
      %sign3A_273 = arith.constant 0 : i32
      %sign3A_274 = arith.cmpi slt, %add3A_189, %sign3A_273 : i32
      %sign3A_275 = arith.extui %sign3A_274 : i1 to i32
      %sign3A_276 = arith.subi %sign3A_272, %sign3A_275 : i32
      %sign3A_277 = arith.constant 0 : i32
      %sign3A_278 = arith.cmpi sgt, %jit3A_268, %sign3A_277 : i32
      %sign3A_279 = arith.extui %sign3A_278 : i1 to i32
      %sign3A_280 = arith.constant 0 : i32
      %sign3A_281 = arith.cmpi slt, %jit3A_268, %sign3A_280 : i32
      %sign3A_282 = arith.extui %sign3A_281 : i1 to i32
      %sign3A_283 = arith.subi %sign3A_279, %sign3A_282 : i32
      %ne3A_284 = arith.cmpi ne, %sign3A_276, %sign3A_283 : i32
      %rem3A_285 = arith.remsi %add3A_189, %jit3A_268 : i32
      %ne3A_286 = arith.constant 0 : i32
      %ne3A_287 = arith.cmpi ne, %rem3A_285, %ne3A_286 : i32
      %and3A_288 = arith.andi %ne3A_284, %ne3A_287 : i1
      %sub3A_289 = arith.constant 1 : i32
      %sub3A_290 = arith.subi %div3A_269, %sub3A_289 : i32
      %select_n3A_291 = arith.select %and3A_288, %sub3A_290, %div3A_269 : i32
      %rem3A_292 = arith.constant 4 : i32
      %rem3A_293 = arith.remsi %add3A_189, %rem3A_292 : i32
      %add3A_294 = arith.addi %mul3A_2, %rem3A_293 : i32
      %mul3A_295 = arith.constant 128 : i32
      %mul3A_296 = arith.muli %add3A_294, %mul3A_295 : i32
      %dma_start3A_297 = arith.constant 1 : i32
      %dma_start3A_298 = arith.constant 0 : i32
      %dma_start3A_299 = arith.constant 0 : i32
      %dma_start3A_300 = tpu.memref_slice %arg7[%dma_start3A_297, %dma_start3A_298, %dma_start3A_299] : memref<2x110x128xf32, #tpu.memory_space<vmem>> -> memref<1x110x128xf32, #tpu.memory_space<vmem>>
      %dma_start3A_301 = tpu.memref_squeeze %dma_start3A_300 : memref<1x110x128xf32, #tpu.memory_space<vmem>> -> memref<110x128xf32, #tpu.memory_space<vmem>>
      %dma_start3A_302 = arith.constant 0 : i32
      %dma_start3A_303 = arith.constant 0 : i32
      %dma_start3A_304 = tpu.memref_slice %arg4[%select_n3A_291, %dma_start3A_302, %dma_start3A_303] : memref<20x110x16384xf32, #tpu.memory_space<hbm>> -> memref<1x110x16384xf32, #tpu.memory_space<hbm>>
      %dma_start3A_305 = tpu.memref_squeeze %dma_start3A_304 : memref<1x110x16384xf32, #tpu.memory_space<hbm>> -> memref<110x16384xf32, #tpu.memory_space<hbm>>
      %dma_start3A_306 = arith.constant 0 : i32
      %dma_start3A_307 = tpu.memref_slice %dma_start3A_305[%dma_start3A_306, %mul3A_296] : memref<110x16384xf32, #tpu.memory_space<hbm>> -> memref<110x128xf32, #tpu.memory_space<hbm>>
      %dma_start3A_308 = arith.constant 0 : i32
      %dma_start3A_309 = arith.constant 0 : i32
      %dma_start3A_310 = tpu.memref_slice %arg4[%select_n3A_291, %dma_start3A_308, %dma_start3A_309] : memref<20x110x16384xf32, #tpu.memory_space<hbm>> -> memref<1x110x16384xf32, #tpu.memory_space<hbm>>
      %dma_start3A_311 = tpu.memref_squeeze %dma_start3A_310 : memref<1x110x16384xf32, #tpu.memory_space<hbm>> -> memref<110x16384xf32, #tpu.memory_space<hbm>>
      %dma_start3A_312 = arith.constant 0 : i32
      %dma_start3A_313 = tpu.memref_slice %dma_start3A_311[%dma_start3A_312, %mul3A_296] : memref<110x16384xf32, #tpu.memory_space<hbm>> -> memref<110x128xf32, #tpu.memory_space<hbm>>
      %dma_start3A_314 = arith.constant 0 : i32
      %dma_start3A_315 = arith.constant 0 : i32
      %dma_start3A_316 = tpu.memref_slice %arg7[%dma_start3A_297, %dma_start3A_314, %dma_start3A_315] : memref<2x110x128xf32, #tpu.memory_space<vmem>> -> memref<1x110x128xf32, #tpu.memory_space<vmem>>
      %dma_start3A_317 = tpu.memref_squeeze %dma_start3A_316 : memref<1x110x128xf32, #tpu.memory_space<vmem>> -> memref<110x128xf32, #tpu.memory_space<vmem>>
      tpu.enqueue_dma source(%dma_start3A_317 : memref<110x128xf32, #tpu.memory_space<vmem>>) target(%dma_start3A_313 : memref<110x128xf32, #tpu.memory_space<hbm>>) target_semaphore(%arg9 : memref<!tpu.dma_semaphore, #tpu.memory_space<semaphore_mem>>)
    }
    %scan3A_10 = arith.constant 40 : i32
    %rem3A = arith.constant 78 : i32
    %rem3A_11 = arith.constant 4 : i32
    %rem3A_12 = arith.remsi %rem3A, %rem3A_11 : i32
    %add3A_13 = arith.addi %mul3A_2, %rem3A_12 : i32
    %mul3A_14 = arith.constant 128 : i32
    %mul3A_15 = arith.muli %add3A_13, %mul3A_14 : i32
    %dma_wait3A = arith.constant 0 : i32
    %dma_wait3A_16 = arith.constant 19 : i32
    %dma_wait3A_17 = arith.constant 0 : i32
    %dma_wait3A_18 = arith.constant 0 : i32
    %dma_wait3A_19 = tpu.memref_slice %arg7[%dma_wait3A, %dma_wait3A_17, %dma_wait3A_18] : memref<2x110x128xf32, #tpu.memory_space<vmem>> -> memref<1x110x128xf32, #tpu.memory_space<vmem>>
    %dma_wait3A_20 = tpu.memref_squeeze %dma_wait3A_19 : memref<1x110x128xf32, #tpu.memory_space<vmem>> -> memref<110x128xf32, #tpu.memory_space<vmem>>
    %dma_wait3A_21 = arith.constant 0 : i32
    %dma_wait3A_22 = arith.constant 0 : i32
    %dma_wait3A_23 = tpu.memref_slice %arg4[%dma_wait3A_16, %dma_wait3A_21, %dma_wait3A_22] : memref<20x110x16384xf32, #tpu.memory_space<hbm>> -> memref<1x110x16384xf32, #tpu.memory_space<hbm>>
    %dma_wait3A_24 = tpu.memref_squeeze %dma_wait3A_23 : memref<1x110x16384xf32, #tpu.memory_space<hbm>> -> memref<110x16384xf32, #tpu.memory_space<hbm>>
    %dma_wait3A_25 = arith.constant 0 : i32
    %dma_wait3A_26 = tpu.memref_slice %dma_wait3A_24[%dma_wait3A_25, %mul3A_15] : memref<110x16384xf32, #tpu.memory_space<hbm>> -> memref<110x128xf32, #tpu.memory_space<hbm>>
    %dma_wait3A_27 = arith.constant 0 : i32
    %dma_wait3A_28 = arith.constant 0 : i32
    %dma_wait3A_29 = tpu.memref_slice %arg4[%dma_wait3A_16, %dma_wait3A_27, %dma_wait3A_28] : memref<20x110x16384xf32, #tpu.memory_space<hbm>> -> memref<1x110x16384xf32, #tpu.memory_space<hbm>>
    %dma_wait3A_30 = tpu.memref_squeeze %dma_wait3A_29 : memref<1x110x16384xf32, #tpu.memory_space<hbm>> -> memref<110x16384xf32, #tpu.memory_space<hbm>>
    %dma_wait3A_31 = arith.constant 0 : i32
    %dma_wait3A_32 = tpu.memref_slice %dma_wait3A_30[%dma_wait3A_31, %mul3A_15] : memref<110x16384xf32, #tpu.memory_space<hbm>> -> memref<110x128xf32, #tpu.memory_space<hbm>>
    %dma_wait3A_33 = arith.constant 0 : i32
    %dma_wait3A_34 = arith.constant 0 : i32
    %dma_wait3A_35 = tpu.memref_slice %arg7[%dma_wait3A, %dma_wait3A_33, %dma_wait3A_34] : memref<2x110x128xf32, #tpu.memory_space<vmem>> -> memref<1x110x128xf32, #tpu.memory_space<vmem>>
    %dma_wait3A_36 = tpu.memref_squeeze %dma_wait3A_35 : memref<1x110x128xf32, #tpu.memory_space<vmem>> -> memref<110x128xf32, #tpu.memory_space<vmem>>
    tpu.wait_dma2 semaphore(%arg8 : memref<!tpu.dma_semaphore, #tpu.memory_space<semaphore_mem>>) src(%dma_wait3A_36 : memref<110x128xf32, #tpu.memory_space<vmem>>) dst(%dma_wait3A_32 : memref<110x128xf32, #tpu.memory_space<hbm>>)
    %rem3A_37 = arith.constant 79 : i32
    %rem3A_38 = arith.constant 4 : i32
    %rem3A_39 = arith.remsi %rem3A_37, %rem3A_38 : i32
    %add3A_40 = arith.addi %mul3A_2, %rem3A_39 : i32
    %mul3A_41 = arith.constant 128 : i32
    %mul3A_42 = arith.muli %add3A_40, %mul3A_41 : i32
    %dma_wait3A_43 = arith.constant 1 : i32
    %dma_wait3A_44 = arith.constant 19 : i32
    %dma_wait3A_45 = arith.constant 0 : i32
    %dma_wait3A_46 = arith.constant 0 : i32
    %dma_wait3A_47 = tpu.memref_slice %arg7[%dma_wait3A_43, %dma_wait3A_45, %dma_wait3A_46] : memref<2x110x128xf32, #tpu.memory_space<vmem>> -> memref<1x110x128xf32, #tpu.memory_space<vmem>>
    %dma_wait3A_48 = tpu.memref_squeeze %dma_wait3A_47 : memref<1x110x128xf32, #tpu.memory_space<vmem>> -> memref<110x128xf32, #tpu.memory_space<vmem>>
    %dma_wait3A_49 = arith.constant 0 : i32
    %dma_wait3A_50 = arith.constant 0 : i32
    %dma_wait3A_51 = tpu.memref_slice %arg4[%dma_wait3A_44, %dma_wait3A_49, %dma_wait3A_50] : memref<20x110x16384xf32, #tpu.memory_space<hbm>> -> memref<1x110x16384xf32, #tpu.memory_space<hbm>>
    %dma_wait3A_52 = tpu.memref_squeeze %dma_wait3A_51 : memref<1x110x16384xf32, #tpu.memory_space<hbm>> -> memref<110x16384xf32, #tpu.memory_space<hbm>>
    %dma_wait3A_53 = arith.constant 0 : i32
    %dma_wait3A_54 = tpu.memref_slice %dma_wait3A_52[%dma_wait3A_53, %mul3A_42] : memref<110x16384xf32, #tpu.memory_space<hbm>> -> memref<110x128xf32, #tpu.memory_space<hbm>>
    %dma_wait3A_55 = arith.constant 0 : i32
    %dma_wait3A_56 = arith.constant 0 : i32
    %dma_wait3A_57 = tpu.memref_slice %arg4[%dma_wait3A_44, %dma_wait3A_55, %dma_wait3A_56] : memref<20x110x16384xf32, #tpu.memory_space<hbm>> -> memref<1x110x16384xf32, #tpu.memory_space<hbm>>
    %dma_wait3A_58 = tpu.memref_squeeze %dma_wait3A_57 : memref<1x110x16384xf32, #tpu.memory_space<hbm>> -> memref<110x16384xf32, #tpu.memory_space<hbm>>
    %dma_wait3A_59 = arith.constant 0 : i32
    %dma_wait3A_60 = tpu.memref_slice %dma_wait3A_58[%dma_wait3A_59, %mul3A_42] : memref<110x16384xf32, #tpu.memory_space<hbm>> -> memref<110x128xf32, #tpu.memory_space<hbm>>
    %dma_wait3A_61 = arith.constant 0 : i32
    %dma_wait3A_62 = arith.constant 0 : i32
    %dma_wait3A_63 = tpu.memref_slice %arg7[%dma_wait3A_43, %dma_wait3A_61, %dma_wait3A_62] : memref<2x110x128xf32, #tpu.memory_space<vmem>> -> memref<1x110x128xf32, #tpu.memory_space<vmem>>
    %dma_wait3A_64 = tpu.memref_squeeze %dma_wait3A_63 : memref<1x110x128xf32, #tpu.memory_space<vmem>> -> memref<110x128xf32, #tpu.memory_space<vmem>>
    tpu.wait_dma2 semaphore(%arg9 : memref<!tpu.dma_semaphore, #tpu.memory_space<semaphore_mem>>) src(%dma_wait3A_64 : memref<110x128xf32, #tpu.memory_space<vmem>>) dst(%dma_wait3A_60 : memref<110x128xf32, #tpu.memory_space<hbm>>)
    return
  }
}

</mosaic_0001>

<sc_bundles>
// kernel: kernel.3.cloned.1.call-start
scs
__scs_entry_jumppad:
0x0: {  	(pc) =	sbr.rel $0x88, $3  }
0x1: {  	(tag) =	ssettag $0x0;
	lr =	simm.s32 $0x1  }
0x2: {  	[smem:$0x3F9F] =	sst lr;
	_ =	strace $0xD0000000  }
0x3: {  	_ = 	snop  }
0x4: {  	_ = 	snop  }
0x5: {  	_ = 	snop  }
0x6: {  	_ = 	snop  }
0x7: {  	_ = 	snop  }
__scs_overlays_trampoline_lowered:
0x8: {  	[smem:$0x3FAE] =	sst s0  }
0x9: {  	[smem:$0x3FAF] =	sst s1  }
0xa: {  	[smem:$0x3FB0] =	sst s2  }
0xb: {  	[smem:$0x3FB1] =	sst s3  }
0xc: {  	[smem:$0x3FB2] =	sst s4  }
0xd: {  	[smem:$0x3FB3] =	sst s5  }
0xe: {  	[smem:$0x3FB4] =	sst s6  }
0xf: {  	[smem:$0x3FB5] =	sst s7  }
0x10: {  	[smem:$0x3FB6] =	sst s8  }
0x11: {  	[smem:$0x3FB7] =	sst s9;
	s0 =	simm.s32 @!p0 $0x0  }
0x12: {  	s1 =	sld [smem:$0x3F9D];
	s0 =	simm.s32 @p0 $0x1  }
0x13: {  	[smem:$0x3FB8] =	sst s0;
	s0 =	simm.s32 @!p1 $0x0  }
0x14: {  	s2 =	sld [smem:$0x3F9C];
	s0 =	simm.s32 @p1 $0x1  }
0x15: {  	[smem:$0x3FB9] =	sst s0;
	s0 =	simm.s32 @!p2 $0x0  }
0x16: {  	s3 =	sld [smem:$0x3FDB];
	s0 =	simm.s32 @p2 $0x1  }
0x17: {  	s4 =	simm.s32 $0x1BF5;
	[smem:$0x3FBB] =	sst s0  }
0x18: {  	s0 =	sld [smem:$0x3F9E];
	_ =	swait.ge [sflag:s4], $0x0  }
0x19: {  	s7 =	sld [smem:$0x3F9F]  }
0x1a: {  	s8 =	sadd.s32 $0xFFFFE003, lr  }
0x1b: {  	s9 =	sadd.s32 $0xFFFFFEF7, lr;
	s5 =	simm.s32 $0xFFFFFFFF;
	p2 =	slt.u32 s8, $0xFFFFF086  }
0x1c: {  	p1 =	slt.u32 s9, $0xF7A;
	s5 =	simm.s32 @!p2 $0x0  }
0x1d: {  	s5 =	simm.s32 @p1 $0x1;
	p0 =	seq.s32 s7, s2  }
0x1e: {  	s7 =	smul.u32 @!p0 $0xF7A, s2;
	p2 =	seq.s32 @!p0 s5, $0x0  }
0x1f: {  	s9 =	smul.u32 $0xF7A, s1;
	s8 =	simm.s32 @!p0 $0x1BF5;
	p2 =	por !p2, p0  }
0x20: {  	[sflag:s8] =	ssyncset.s32 @!p0 $0xFFFFF086;
	s6 =	sadd.s32 @!p0 s3, s7;
	s7 =	simm.s32 @!p0 $0x108  }
0x21: {  	s3 =	sadd.s32 s3, s9;
	s6 =	sadd.s32 @!p0 $0x88, s6;
	s7 =	simm.s32 @p2 $0x1082  }
0x22: {  	[simem:s7], [sflag:s8] =	dma.local @!p0 [hbm:s6], $0xF7A  }
0x23: {  	s9 =	sor.u32 $0xD0000000, s2;
	s6 =	simm.s32 $0x108;
	_ =	swait.ge @!p0 [sflag:s8], $0x0  }
0x24: {  	s3 =	sadd.s32 $0x88, s3;
	s6 =	simm.s32 @!p1 $0x1082;
	[sflag:s4] =	ssyncset.s32 $0xFFFFF086  }
0x25: {  	[simem:s6], [sflag:s4] =	dma.local [hbm:s3], $0xF7A  }
0x26: {  	[smem:$0x3F9F] =	sst s1;
	(tag) =	ssettag s2;
	_ =	strace s9  }
0x27: {  	s1 =	sld [smem:$0x3FAF]  }
0x28: {  	s2 =	sld [smem:$0x3FB0]  }
0x29: {  	s4 =	sld [smem:$0x3FB2]  }
0x2a: {  	p0 =	seq.s32 s5, $0x0;
	s5 =	sld [smem:$0x3FB3]  }
0x2b: {  	s6 =	sld [smem:$0x3FB4]  }
0x2c: {  	s7 =	sld [smem:$0x3FB5]  }
0x2d: {  	s3 =	simm.s32 $0x108;
	s8 =	sld [smem:$0x3FB6]  }
0x2e: {  	s3 =	simm.s32 @!p0 $0x1082;
	s9 =	sld [smem:$0x3FB7]  }
0x2f: {  	lr =	sadd.s32 s0, s3;
	s0 =	sld [smem:$0x3FAE]  }
0x30: {  	s3 =	sld [smem:$0x3FB1]  }
0x31: {  	[smem:$0x3FBA] =	sst s10  }
0x32: {  	s10 =	sld [smem:$0x3FB8];
	_ =	sdelay $0x3  }
0x33: {  	p0 =	seq.s32 s10, $0x1;
	s10 =	sld [smem:$0x3FBA];
	_ =	sdelay $0x3  }
0x34: {  	[smem:$0x3FBA] =	sst s10  }
0x35: {  	s10 =	sld [smem:$0x3FB9];
	_ =	sdelay $0x3  }
0x36: {  	p1 =	seq.s32 s10, $0x1;
	s10 =	sld [smem:$0x3FBA];
	_ =	sdelay $0x3  }
0x37: {  	[smem:$0x3FBA] =	sst s10  }
0x38: {  	s10 =	sld [smem:$0x3FBB]  }
0x39: {  	_ = 	snop;
	(pc) =	sbr.ind lr, $3  }
0x3a: {  	_ = 	snop  }
0x3b: {  	_ = 	snop  }
0x3c: {  	p2 =	seq.s32 s10, $0x1;
	s10 =	sld [smem:$0x3FBA]  }
0x3d: {  	_ =	shalt  }
0x3e: {  	_ =	shalt  }
0x3f: {  	_ =	shalt  }
0x40: {  	_ =	shalt  }
0x41: {  	_ =	shalt  }
0x42: {  	_ =	shalt  }
0x43: {  	_ =	shalt  }
0x44: {  	_ =	shalt  }
0x45: {  	_ =	shalt  }
0x46: {  	_ =	shalt  }
0x47: {  	_ =	shalt  }
0x48: {  	_ =	shalt  }
0x49: {  	_ =	shalt  }
0x4a: {  	_ =	shalt  }
0x4b: {  	_ =	shalt  }
0x4c: {  	_ =	shalt  }
0x4d: {  	_ =	shalt  }
0x4e: {  	_ =	shalt  }
0x4f: {  	_ =	shalt  }
0x50: {  	_ =	shalt  }
0x51: {  	_ =	shalt  }
0x52: {  	_ =	shalt  }
0x53: {  	_ =	shalt  }
0x54: {  	_ =	shalt  }
0x55: {  	_ =	shalt  }
0x56: {  	_ =	shalt  }
0x57: {  	_ =	shalt  }
0x58: {  	_ =	shalt  }
0x59: {  	_ =	shalt  }
0x5a: {  	_ =	shalt  }
0x5b: {  	_ =	shalt  }
0x5c: {  	_ =	shalt  }
0x5d: {  	_ =	shalt  }
0x5e: {  	_ =	shalt  }
0x5f: {  	_ =	shalt  }
0x60: {  	_ =	shalt  }
0x61: {  	_ =	shalt  }
0x62: {  	_ =	shalt  }
0x63: {  	_ =	shalt  }
0x64: {  	_ =	shalt  }
0x65: {  	_ =	shalt  }
0x66: {  	_ =	shalt  }
0x67: {  	_ =	shalt  }
0x68: {  	_ =	shalt  }
0x69: {  	_ =	shalt  }
0x6a: {  	_ =	shalt  }
0x6b: {  	_ =	shalt  }
0x6c: {  	_ =	shalt  }
0x6d: {  	_ =	shalt  }
0x6e: {  	_ =	shalt  }
0x6f: {  	_ =	shalt  }
0x70: {  	_ =	shalt  }
0x71: {  	_ =	shalt  }
0x72: {  	_ =	shalt  }
0x73: {  	_ =	shalt  }
0x74: {  	_ =	shalt  }
0x75: {  	_ =	shalt  }
0x76: {  	_ =	shalt  }
0x77: {  	_ =	shalt  }
0x78: {  	_ =	shalt  }
0x79: {  	_ =	shalt  }
0x7a: {  	_ =	shalt  }
0x7b: {  	_ =	shalt  }
0x7c: {  	_ =	shalt  }
0x7d: {  	_ =	shalt  }
0x7e: {  	_ =	shalt  }
0x7f: {  	_ =	shalt  }
0x80: {  	_ =	shalt  }
0x81: {  	_ =	shalt  }
0x82: {  	_ =	shalt  }
0x83: {  	_ =	shalt  }
0x84: {  	_ =	shalt  }
0x85: {  	_ =	shalt  }
0x86: {  	_ =	shalt  }
0x87: {  	_ =	shalt  }
.Lfunc_end0:
.L_simem_size_0:
called_computation_lowered:
.L_overlay_start_0:
0x88: {  	s2 =	sld [smem:$0x3FD9]  }
0x89: {  	s3 =	sld [smem:$0x3FFE];
	_ =	sdelay $0x1  }
0x8a: {  	s1 =	srdreg.scid  }
0x8b: {  	s0 =	sand.u32 $0x1, s1  }
0x8c: {  	s17 =	sshll.u32 s0, $0xA;
	s2 =	sadd.s32 s3, s2  }
0x8d: {  	s2 =	sadd.s32 s2, s17  }
0x8e: {  	[smem:$0x3FC6] =	sst s2  }
0x8f: {  	_ = 	snop  }
0x90: {  	s2 =	sld [smem:$0x3FD0];
	(tm) =	ssettm $0x1  }
0x91: {  	s18 =	sld [smem:$0x3FFB];
	_ =	sdelay $0x3  }
0x92: {  	_ =	strace s18  }
0x93: {  	s3 =	sld [smem:$0x3FFC];
	_ =	sdelay $0x3  }
0x94: {  	_ =	strace s3  }
0x95: {  	s3 =	sld [smem:$0x3FFD];
	_ =	sdelay $0x3  }
0x96: {  	_ =	strace s3  }
0x97: {  	_ =	strace $0x8FFFFFFF  }
0x98: {  	s19 =	sld [smem:$0x3FDB];
	_ =	sdelay $0x1  }
0x99: {  	s4 =	simm.s32 $_scs_section_size  }
0x9a: {  	s5 =	simm.s32 $_size__tile_overlayer_lowered;
	s6 =	simm.s32 $_tile_overlayer_lowered  }
0x9b: {  	s22 =	simm.s32 $0x1BFF;
	s21 =	sshll.u32 s6, $0x1;
	s3 =	sadd.s32 s4, s19  }
0x9c: {  	s7 =	simm.s32 $0x0;
	s20 =	sshll.u32 s5, $0x1;
	s5 =	sadd.s32 s21, s3  }
0x9d: {  	[timem:s7], [sflag:s22] =	dma.local [hbm:s5], s20  }
0x9e: {  	_ =	swait.ge [sflag:s22], s20  }
0x9f: {  	s4 =	ssub.s32 $0x0, s20;
	[sflag:s22] =	ssyncset.done $0x0  }
0xa0: {  	[sflag:s22] =	ssyncadd.s32 s4;
	_ =	sdelay $0x1  }
0xa1: {  	s23 =	simm.s32 $0x1B8B  }
0xa2: {  	_ =	swait.ge [sflag:s23], $0x1  }
0xa3: {  	[sflag:s23] =	ssyncset.done $0x0  }
0xa4: {  	s25 =	simm.s32 $0x1B8E;
	s24 =	sld [smem:$0x3FFE];
	[sflag:s23] =	ssyncadd.s32 $0xFFFFFFFF  }
0xa5: {  	s26 =	simm.s32 $execute0_lowered;
	[smem:$0x3FD2] =	sst s25  }
0xa6: {  	s5 =	sshll.u32 s26, $0x1;
	_ =	strace $0x80000046;
	[dreg:$0x1] =	wrdreg $0xFFFFFFFF  }
0xa7: {  	s28 =	simm.s32 $_size_execute0_lowered;
	s3 =	sadd.s32 s3, s5;
	[dreg:$0x0] =	wrdreg $0x0  }
0xa8: {  	s5 =	sshll.u32 s28, $0x1;
	[dreg:$0x2] =	wrdreg s3  }
0xa9: {  	[dreg:$0x3] =	wrdreg s5  }
0xaa: {  	[dreg:$0x4] =	wrdreg $0xC0  }
0xab: {  	_ =	task [dreg:s7], $0x5FFFF  }
0xac: {  	[dreg:$0x1] =	wrdreg $0xFFFFFFFF  }
0xad: {  	[dreg:$0x0] =	wrdreg $0x60  }
0xae: {  	[dreg:$0x2] =	wrdreg s24  }
0xaf: {  	[dreg:$0x3] =	wrdreg s2  }
0xb0: {  	[dreg:$0x4] =	wrdreg $0x9  }
0xb1: {  	_ =	task.clear_ibuf [dreg:s7], $0x5FFFF;
	_ =	strace $0x90000046  }
0xb2: {  	s29 =	simm.s32 $0x9;
	_ =	strace $0x80000048  }
0xb3: {  	_ =	swait.ge [sflag:s29], $0x1  }
0xb4: {  	[sflag:s29] =	ssyncadd.s32 $0xFFFFFFFF  }
0xb5: {  	_ =	strace $0x90000048  }
0xb6: {  	_ =	sfence  }
0xb7: {  	s30 =	sld [smem:$0x0];
	_ =	sdelay $0x2  }
0xb8: {  	s31 =	sshll.u32 s1, $0xD;
	s1 =	sshrl.u32 s1, $0x2  }
0xb9: {  	s3 =	sand.u32 $0x4000, s31;
	s1 =	sadd.s32 s1, s30  }
0xba: {  	s0 =	sor.u32 s3, s0;
	s1 =	sshll.u32 s1, $0x11  }
0xbb: {  	s0 =	sor.u32 s1, s0  }
0xbc: {  	s0 =	sadd.s32 $0x8F2B, s0  }
0xbd: {  	[sflag:s0] =	ssyncadd.remote.s32 $0x1  }
0xbe: {  	_ =	sfence.sel $0xFFFF  }
0xbf: {  	[dreg:$0x0] =	wrdreg $0xFFFFFFFF;
	(pc) =	sbr.abs _section_cstart, $3  }
0xc0: {  	[dreg:$0x1] =	wrdreg $0xFFFFFFFF  }
0xc1: {  	_ =	task.clear_ibuf [dreg:s7], $0x2FFFF;
	_ =	strace $0x9FFFFFFF  }
0xc2: {  	(tm) =	ssettm $0x7FFFFFFF  }
0xc3: {  	_ =	shalt  }
tec
execute0_lowered:
.L_overlay_start_1:
0x0: {  	(tag) =	ssettag $0x1  }
0x1: {  	s1 =	srdreg.scid  }
0x2: {  	s0 =	stileid.u32;
	s5 =	rddreg [dreg:$0x0]  }
0x3: {  	s2 =	rddreg [dreg:$0x1];
	s8 =	simm.s32 $0x3000;
	s9 =	simm.s32 $0x3  }
0x4: {  	s11 =	simm.s32 $0xC00;
	s13 =	simm.s32 $0x1800;
	s15 =	simm.s32 $0x2400  }
0x5: {  	s16 =	simm.s32 $0x400;
	s17 =	simm.s32 $0x20000;
	s18 =	simm.s32 $0xD500  }
0x6: {  	s19 =	simm.s32 $0x10900;
	s20 =	simm.s32 $0x10D00;
	s1 =	sand.u32 $0x1, s1  }
0x7: {  	s21 =	simm.s32 $0x14100;
	s3 =	sshll.u32 s0, $0x3;
	s4 =	sshll.u32 s1, $0x2  }
0x8: {  	s22 =	simm.s32 $0x1;
	s23 =	simm.s32 $0x2;
	s3 =	sor.u32 s4, s3  }
0x9: {  	s1 =	ssub.s32 $0x2, s1;
	s4 =	simm.s32 $0x0;
	s6 =	smul.u32 $0x180, s3  }
0xa: {  	s24 =	simm.s32 $0x0;
	s7 =	sshrl.u32 s1, $0x1;
	[smem:$0x7FF] =	sst s4  }
0xb: {  	s1 =	ssub.s32 s1, s7;
	_ =	strace $0x80000047;
	s6 =	sadd.s32 s6, s5  }
0xc: {  	s7 =	smax.u32 s1, $0x1;
	s5 =	sadd.s32 $0x400, s5;
	s6 =	sadd.s32 $0x1A00, s6  }
0xd: {  	s10 =	sadd.s32 $0x180, s6;
	s12 =	sadd.s32 $0x300, s6;
	s14 =	sadd.s32 $0x480, s6  }
.LBB2_1:
0xe: {  	[tilespmem:s8], [sflag:$0x3] =	stream.linear.gather [hbm4b:s5+s4], $0xA500, $0x38;
	[tilespmem:$0x14500] =	vst v63  }
0xf: {  	_ =	swait.ge [sflag:s9], $0xA500  }
0x10: {  	[sflag:s9] =	ssyncset.done $0x0  }
0x11: {  	[sflag:s9] =	ssyncadd.s32 $0xFFFF5B00  }
0x12: {  	[tilespmem:s4], [sflag:$0x3] =	stream.linear.gather [hbm4b:s6+s4], $0xA00, $0x38;
	[tilespmem:$0x14500] =	vst v63  }
0x13: {  	_ = 	snop  }
0x14: {  	[tilespmem:s11], [sflag:$0x3] =	stream.linear.gather [hbm4b:s10+s4], $0xA00, $0x38;
	[tilespmem:$0x14500] =	vst v63  }
0x15: {  	_ = 	snop  }
0x16: {  	[tilespmem:s13], [sflag:$0x3] =	stream.linear.gather [hbm4b:s12+s4], $0xA00, $0x38;
	[tilespmem:$0x14500] =	vst v63  }
0x17: {  	_ = 	snop  }
0x18: {  	[tilespmem:s15], [sflag:$0x3] =	stream.linear.gather [hbm4b:s14+s4], $0xA00, $0x38;
	[tilespmem:$0x14500] =	vst v63  }
0x19: {  	_ =	swait.ge [sflag:s9], $0x2800  }
0x1a: {  	[sflag:s9] =	ssyncset.done $0x0  }
0x1b: {  	s25 =	simm.s32 $0x0;
	[sflag:s9] =	ssyncadd.s32 $0xFFFFD800  }
.LBB2_2:
0x1c: {  	s1 =	sshll.u32 s25, $0x1  }
0x1d: {  	p0 =	seq.s32 s25, $0x0;
	s26 =	sand.u32 $0x2, s1  }
0x1e: {  	s29 =	sshrl.u32 s25, $0x1;
	s1 =	simm.s32 @!p0 $0x1;
	s28 =	smul.u32 $0x3000, s26  }
0x1f: {  	s30 =	sshll.u32 s29, $0x9;
	_ =	swait.ge @!p0 [sflag:s1], $0x3700  }
0x20: {  	[sflag:s1] =	ssyncset.done @!p0 $0x0;
	s31 =	sshrl.u32 s28, $0x2;
	s28 =	sshrl.u32 s30, $0x2  }
0x21: {  	[sflag:s1] =	ssyncadd.s32 @!p0 $0xFFFFC900;
	s1 =	sadd.s32 s28, s31  }
0x22: {  	v6 =	vld [tilespmem:s1+$0x0];
	_ =	sdelay $0x3  }
0x23: {  	v8 =	vimm.s32 $0x0  }
0x24: {  	v0 =	vadd.s32 v6, v8  }
0x25: {  	v7 =	vld [tilespmem:s1+$0x10];
	_ =	sdelay $0x2  }
0x26: {  	v5 =	vld [tilespmem:s1+$0x20]  }
0x27: {  	v9 =	vld.idx.msk [tilespmem:v0+s8+$0x0], $0xffff  }
0x28: {  	v4 =	vld [tilespmem:s1+$0x30];
	v10 =	vadd.s32 v7, v8  }
0x29: {  	v3 =	vld [tilespmem:s1+$0x40]  }
0x2a: {  	v2 =	vld [tilespmem:s1+$0x50]  }
0x2b: {  	s30 =	simm.s32 $0x270;
	v1 =	vld [tilespmem:s1+$0x60]  }
0x2c: {  	v0 =	vld [tilespmem:s1+$0x70];
	[tilespmem:s30+$0xD290] =	vst v9  }
0x2d: {  	v9 =	vld.idx.msk [tilespmem:v10+s8+$0x0], $0xffff  }
0x2e: {  	v10 =	vadd.s32 v5, v8;
	_ =	sdelay $0x3  }
0x2f: {  	[tilespmem:s30+$0xD2A0] =	vst v9  }
0x30: {  	v9 =	vld.idx.msk [tilespmem:v10+s8+$0x0], $0xffff  }
0x31: {  	v10 =	vadd.s32 v4, v8;
	_ =	sdelay $0x3  }
0x32: {  	[tilespmem:s30+$0xD2B0] =	vst v9  }
0x33: {  	v9 =	vld.idx.msk [tilespmem:v10+s8+$0x0], $0xffff  }
0x34: {  	v10 =	vadd.s32 v3, v8;
	_ =	sdelay $0x3  }
0x35: {  	[tilespmem:s30+$0xD2C0] =	vst v9  }
0x36: {  	v9 =	vld.idx.msk [tilespmem:v10+s8+$0x0], $0xffff  }
0x37: {  	v10 =	vadd.s32 v2, v8;
	_ =	sdelay $0x3  }
0x38: {  	[tilespmem:s30+$0xD2D0] =	vst v9  }
0x39: {  	v9 =	vld.idx.msk [tilespmem:v10+s8+$0x0], $0xffff  }
0x3a: {  	v10 =	vadd.s32 v1, v8;
	_ =	sdelay $0x3  }
0x3b: {  	[tilespmem:s30+$0xD2E0] =	vst v9  }
0x3c: {  	v9 =	vld.idx.msk [tilespmem:v10+s8+$0x0], $0xffff  }
0x3d: {  	v10 =	vadd.s32 v0, v8;
	_ =	sdelay $0x3  }
0x3e: {  	[tilespmem:s30+$0xD2F0] =	vst v9  }
0x3f: {  	v9 =	vld.idx.msk [tilespmem:v10+s8+$0x0], $0xffff;
	v10 =	vadd.s32 $0x180, v8  }
0x40: {  	v11 =	vadd.s32 v6, v10;
	_ =	sdelay $0x3  }
0x41: {  	[tilespmem:s30+$0xD300] =	vst v9  }
0x42: {  	v9 =	vld.idx.msk [tilespmem:v11+s8+$0x0], $0xffff  }
0x43: {  	v11 =	vadd.s32 v7, v10;
	_ =	sdelay $0x3  }
0x44: {  	[tilespmem:s30+$0xD310] =	vst v9  }
0x45: {  	v9 =	vld.idx.msk [tilespmem:v11+s8+$0x0], $0xffff  }
0x46: {  	v11 =	vadd.s32 v5, v10;
	_ =	sdelay $0x3  }
0x47: {  	[tilespmem:s30+$0xD320] =	vst v9  }
0x48: {  	v9 =	vld.idx.msk [tilespmem:v11+s8+$0x0], $0xffff  }
0x49: {  	v11 =	vadd.s32 v4, v10;
	_ =	sdelay $0x3  }
0x4a: {  	[tilespmem:s30+$0xD330] =	vst v9  }
0x4b: {  	v9 =	vld.idx.msk [tilespmem:v11+s8+$0x0], $0xffff  }
0x4c: {  	v11 =	vadd.s32 v3, v10;
	_ =	sdelay $0x3  }
0x4d: {  	[tilespmem:s30+$0xD340] =	vst v9  }
0x4e: {  	v9 =	vld.idx.msk [tilespmem:v11+s8+$0x0], $0xffff  }
0x4f: {  	v11 =	vadd.s32 v2, v10;
	_ =	sdelay $0x3  }
0x50: {  	[tilespmem:s30+$0xD350] =	vst v9  }
0x51: {  	v9 =	vld.idx.msk [tilespmem:v11+s8+$0x0], $0xffff  }
0x52: {  	v11 =	vadd.s32 v1, v10;
	_ =	sdelay $0x3  }
0x53: {  	[tilespmem:s30+$0xD360] =	vst v9  }
0x54: {  	v9 =	vld.idx.msk [tilespmem:v11+s8+$0x0], $0xffff  }
0x55: {  	v10 =	vadd.s32 v0, v10;
	_ =	sdelay $0x3  }
0x56: {  	[tilespmem:s30+$0xD370] =	vst v9  }
0x57: {  	v9 =	vld.idx.msk [tilespmem:v10+s8+$0x0], $0xffff;
	v10 =	vadd.s32 $0x300, v8  }
0x58: {  	v11 =	vadd.s32 v6, v10;
	_ =	sdelay $0x3  }
0x59: {  	[tilespmem:s30+$0xD380] =	vst v9  }
0x5a: {  	v9 =	vld.idx.msk [tilespmem:v11+s8+$0x0], $0xffff  }
0x5b: {  	v11 =	vadd.s32 v7, v10;
	_ =	sdelay $0x3  }
0x5c: {  	[tilespmem:s30+$0xD390] =	vst v9  }
0x5d: {  	v9 =	vld.idx.msk [tilespmem:v11+s8+$0x0], $0xffff  }
0x5e: {  	v11 =	vadd.s32 v5, v10;
	_ =	sdelay $0x3  }
0x5f: {  	[tilespmem:s30+$0xD3A0] =	vst v9  }
0x60: {  	v9 =	vld.idx.msk [tilespmem:v11+s8+$0x0], $0xffff  }
0x61: {  	v11 =	vadd.s32 v4, v10;
	_ =	sdelay $0x3  }
0x62: {  	[tilespmem:s30+$0xD3B0] =	vst v9  }
0x63: {  	v9 =	vld.idx.msk [tilespmem:v11+s8+$0x0], $0xffff  }
0x64: {  	v11 =	vadd.s32 v3, v10;
	_ =	sdelay $0x3  }
0x65: {  	[tilespmem:s30+$0xD3C0] =	vst v9  }
0x66: {  	v9 =	vld.idx.msk [tilespmem:v11+s8+$0x0], $0xffff  }
0x67: {  	v11 =	vadd.s32 v2, v10;
	_ =	sdelay $0x3  }
0x68: {  	[tilespmem:s30+$0xD3D0] =	vst v9  }
0x69: {  	v9 =	vld.idx.msk [tilespmem:v11+s8+$0x0], $0xffff  }
0x6a: {  	v11 =	vadd.s32 v1, v10;
	_ =	sdelay $0x3  }
0x6b: {  	[tilespmem:s30+$0xD3E0] =	vst v9  }
0x6c: {  	v9 =	vld.idx.msk [tilespmem:v11+s8+$0x0], $0xffff  }
0x6d: {  	v10 =	vadd.s32 v0, v10;
	_ =	sdelay $0x3  }
0x6e: {  	[tilespmem:s30+$0xD3F0] =	vst v9  }
0x6f: {  	v9 =	vld.idx.msk [tilespmem:v10+s8+$0x0], $0xffff;
	v10 =	vadd.s32 $0x480, v8  }
0x70: {  	v11 =	vadd.s32 v6, v10;
	_ =	sdelay $0x3  }
0x71: {  	[tilespmem:s30+$0xD400] =	vst v9  }
0x72: {  	v9 =	vld.idx.msk [tilespmem:v11+s8+$0x0], $0xffff  }
0x73: {  	v11 =	vadd.s32 v7, v10;
	_ =	sdelay $0x3  }
0x74: {  	[tilespmem:s30+$0xD410] =	vst v9  }
0x75: {  	v9 =	vld.idx.msk [tilespmem:v11+s8+$0x0], $0xffff  }
0x76: {  	v11 =	vadd.s32 v5, v10;
	_ =	sdelay $0x3  }
0x77: {  	[tilespmem:s30+$0xD420] =	vst v9  }
0x78: {  	v9 =	vld.idx.msk [tilespmem:v11+s8+$0x0], $0xffff  }
0x79: {  	v11 =	vadd.s32 v4, v10;
	_ =	sdelay $0x3  }
0x7a: {  	[tilespmem:s30+$0xD430] =	vst v9  }
0x7b: {  	v9 =	vld.idx.msk [tilespmem:v11+s8+$0x0], $0xffff  }
0x7c: {  	v11 =	vadd.s32 v3, v10;
	_ =	sdelay $0x3  }
0x7d: {  	[tilespmem:s30+$0xD440] =	vst v9  }
0x7e: {  	v9 =	vld.idx.msk [tilespmem:v11+s8+$0x0], $0xffff  }
0x7f: {  	v11 =	vadd.s32 v2, v10;
	_ =	sdelay $0x3  }
0x80: {  	[tilespmem:s30+$0xD450] =	vst v9  }
0x81: {  	v9 =	vld.idx.msk [tilespmem:v11+s8+$0x0], $0xffff  }
0x82: {  	v11 =	vadd.s32 v1, v10;
	_ =	sdelay $0x3  }
0x83: {  	[tilespmem:s30+$0xD460] =	vst v9  }
0x84: {  	v9 =	vld.idx.msk [tilespmem:v11+s8+$0x0], $0xffff  }
0x85: {  	v10 =	vadd.s32 v0, v10;
	_ =	sdelay $0x3  }
0x86: {  	[tilespmem:s30+$0xD470] =	vst v9  }
0x87: {  	v9 =	vld.idx.msk [tilespmem:v10+s8+$0x0], $0xffff;
	v10 =	vadd.s32 $0x600, v8  }
0x88: {  	v11 =	vadd.s32 v6, v10;
	_ =	sdelay $0x3  }
0x89: {  	[tilespmem:s30+$0xD480] =	vst v9  }
0x8a: {  	v9 =	vld.idx.msk [tilespmem:v11+s8+$0x0], $0xffff  }
0x8b: {  	v11 =	vadd.s32 v7, v10;
	_ =	sdelay $0x3  }
0x8c: {  	[tilespmem:s30+$0xD490] =	vst v9  }
0x8d: {  	v9 =	vld.idx.msk [tilespmem:v11+s8+$0x0], $0xffff  }
0x8e: {  	v11 =	vadd.s32 v5, v10;
	_ =	sdelay $0x3  }
0x8f: {  	[tilespmem:s30+$0xD4A0] =	vst v9  }
0x90: {  	v9 =	vld.idx.msk [tilespmem:v11+s8+$0x0], $0xffff  }
0x91: {  	v11 =	vadd.s32 v4, v10;
	_ =	sdelay $0x3  }
0x92: {  	[tilespmem:s30+$0xD4B0] =	vst v9  }
0x93: {  	v9 =	vld.idx.msk [tilespmem:v11+s8+$0x0], $0xffff  }
0x94: {  	v11 =	vadd.s32 v3, v10;
	_ =	sdelay $0x3  }
0x95: {  	[tilespmem:s30+$0xD4C0] =	vst v9  }
0x96: {  	v9 =	vld.idx.msk [tilespmem:v11+s8+$0x0], $0xffff  }
0x97: {  	v11 =	vadd.s32 v2, v10;
	_ =	sdelay $0x3  }
0x98: {  	[tilespmem:s30+$0xD4D0] =	vst v9  }
0x99: {  	v9 =	vld.idx.msk [tilespmem:v11+s8+$0x0], $0xffff  }
0x9a: {  	v11 =	vadd.s32 v1, v10;
	_ =	sdelay $0x3  }
0x9b: {  	[tilespmem:s30+$0xD4E0] =	vst v9  }
0x9c: {  	v9 =	vld.idx.msk [tilespmem:v11+s8+$0x0], $0xffff  }
0x9d: {  	v10 =	vadd.s32 v0, v10;
	_ =	sdelay $0x3  }
0x9e: {  	[tilespmem:s30+$0xD4F0] =	vst v9  }
0x9f: {  	v8 =	vadd.s32 $0x780, v8;
	v9 =	vld.idx.msk [tilespmem:v10+s8+$0x0], $0xffff  }
0xa0: {  	s31 =	simm.s32 $0x13C0;
	s1 =	simm.s32 $0x1DC0;
	v10 =	vadd.s32 v6, v8  }
.LBB2_3:
0xa1: {  	p1 =	sne.s32 s1, $0xDBC0;
	_ =	sdelay $0x2  }
0xa2: {  	[tilespmem:s30+$0xD500] =	vst v9  }
0xa3: {  	v9 =	vld.idx.msk [tilespmem:v10+s8+$0x0], $0xffff;
	_ =	sdelay $0x1  }
0xa4: {  	v10 =	vadd.s32 v7, v8;
	_ =	sdelay $0x2  }
0xa5: {  	s30 =	sshra.s32 s31, $0x2;
	s31 =	smov.u32 s1  }
0xa6: {  	[tilespmem:s30+$0xD290] =	vst v9  }
0xa7: {  	v9 =	vld.idx.msk [tilespmem:v10+s8+$0x0], $0xffff;
	_ =	sdelay $0x1  }
0xa8: {  	v10 =	vadd.s32 v5, v8;
	_ =	sdelay $0x3  }
0xa9: {  	[tilespmem:s30+$0xD2A0] =	vst v9  }
0xaa: {  	v9 =	vld.idx.msk [tilespmem:v10+s8+$0x0], $0xffff;
	_ =	sdelay $0x1  }
0xab: {  	v10 =	vadd.s32 v4, v8;
	_ =	sdelay $0x3  }
0xac: {  	[tilespmem:s30+$0xD2B0] =	vst v9  }
0xad: {  	v9 =	vld.idx.msk [tilespmem:v10+s8+$0x0], $0xffff;
	_ =	sdelay $0x1  }
0xae: {  	v10 =	vadd.s32 v3, v8;
	_ =	sdelay $0x3  }
0xaf: {  	[tilespmem:s30+$0xD2C0] =	vst v9  }
0xb0: {  	v9 =	vld.idx.msk [tilespmem:v10+s8+$0x0], $0xffff;
	_ =	sdelay $0x1  }
0xb1: {  	v10 =	vadd.s32 v2, v8;
	_ =	sdelay $0x3  }
0xb2: {  	[tilespmem:s30+$0xD2D0] =	vst v9  }
0xb3: {  	v9 =	vld.idx.msk [tilespmem:v10+s8+$0x0], $0xffff;
	_ =	sdelay $0x1  }
0xb4: {  	v10 =	vadd.s32 v1, v8;
	_ =	sdelay $0x3  }
0xb5: {  	[tilespmem:s30+$0xD2E0] =	vst v9  }
0xb6: {  	v9 =	vld.idx.msk [tilespmem:v10+s8+$0x0], $0xffff;
	_ =	sdelay $0x1  }
0xb7: {  	v10 =	vadd.s32 v0, v8;
	_ =	sdelay $0x3  }
0xb8: {  	[tilespmem:s30+$0xD2F0] =	vst v9  }
0xb9: {  	v9 =	vld.idx.msk [tilespmem:v10+s8+$0x0], $0xffff  }
0xba: {  	v10 =	vadd.s32 $0x180, v8  }
0xbb: {  	v11 =	vadd.s32 v6, v10;
	_ =	sdelay $0x3  }
0xbc: {  	[tilespmem:s30+$0xD300] =	vst v9  }
0xbd: {  	v9 =	vld.idx.msk [tilespmem:v11+s8+$0x0], $0xffff;
	_ =	sdelay $0x1  }
0xbe: {  	v11 =	vadd.s32 v7, v10;
	_ =	sdelay $0x3  }
0xbf: {  	[tilespmem:s30+$0xD310] =	vst v9  }
0xc0: {  	v9 =	vld.idx.msk [tilespmem:v11+s8+$0x0], $0xffff;
	_ =	sdelay $0x1  }
0xc1: {  	v11 =	vadd.s32 v5, v10;
	_ =	sdelay $0x3  }
0xc2: {  	[tilespmem:s30+$0xD320] =	vst v9  }
0xc3: {  	v9 =	vld.idx.msk [tilespmem:v11+s8+$0x0], $0xffff;
	_ =	sdelay $0x1  }
0xc4: {  	v11 =	vadd.s32 v4, v10;
	_ =	sdelay $0x3  }
0xc5: {  	[tilespmem:s30+$0xD330] =	vst v9  }
0xc6: {  	v9 =	vld.idx.msk [tilespmem:v11+s8+$0x0], $0xffff;
	_ =	sdelay $0x1  }
0xc7: {  	v11 =	vadd.s32 v3, v10;
	_ =	sdelay $0x3  }
0xc8: {  	[tilespmem:s30+$0xD340] =	vst v9  }
0xc9: {  	v9 =	vld.idx.msk [tilespmem:v11+s8+$0x0], $0xffff;
	_ =	sdelay $0x1  }
0xca: {  	v11 =	vadd.s32 v2, v10;
	_ =	sdelay $0x3  }
0xcb: {  	[tilespmem:s30+$0xD350] =	vst v9  }
0xcc: {  	v9 =	vld.idx.msk [tilespmem:v11+s8+$0x0], $0xffff;
	_ =	sdelay $0x1  }
0xcd: {  	v11 =	vadd.s32 v1, v10;
	_ =	sdelay $0x3  }
0xce: {  	[tilespmem:s30+$0xD360] =	vst v9  }
0xcf: {  	v9 =	vld.idx.msk [tilespmem:v11+s8+$0x0], $0xffff;
	_ =	sdelay $0x1  }
0xd0: {  	v10 =	vadd.s32 v0, v10;
	_ =	sdelay $0x3  }
0xd1: {  	[tilespmem:s30+$0xD370] =	vst v9  }
0xd2: {  	v9 =	vld.idx.msk [tilespmem:v10+s8+$0x0], $0xffff  }
0xd3: {  	v10 =	vadd.s32 $0x300, v8  }
0xd4: {  	v11 =	vadd.s32 v6, v10;
	_ =	sdelay $0x3  }
0xd5: {  	[tilespmem:s30+$0xD380] =	vst v9  }
0xd6: {  	v9 =	vld.idx.msk [tilespmem:v11+s8+$0x0], $0xffff;
	_ =	sdelay $0x1  }
0xd7: {  	v11 =	vadd.s32 v7, v10;
	_ =	sdelay $0x3  }
0xd8: {  	[tilespmem:s30+$0xD390] =	vst v9  }
0xd9: {  	v9 =	vld.idx.msk [tilespmem:v11+s8+$0x0], $0xffff;
	_ =	sdelay $0x1  }
0xda: {  	v11 =	vadd.s32 v5, v10;
	_ =	sdelay $0x3  }
0xdb: {  	[tilespmem:s30+$0xD3A0] =	vst v9  }
0xdc: {  	v9 =	vld.idx.msk [tilespmem:v11+s8+$0x0], $0xffff;
	_ =	sdelay $0x1  }
0xdd: {  	v11 =	vadd.s32 v4, v10;
	_ =	sdelay $0x3  }
0xde: {  	[tilespmem:s30+$0xD3B0] =	vst v9  }
0xdf: {  	v9 =	vld.idx.msk [tilespmem:v11+s8+$0x0], $0xffff;
	_ =	sdelay $0x1  }
0xe0: {  	v11 =	vadd.s32 v3, v10;
	_ =	sdelay $0x3  }
0xe1: {  	[tilespmem:s30+$0xD3C0] =	vst v9  }
0xe2: {  	v9 =	vld.idx.msk [tilespmem:v11+s8+$0x0], $0xffff;
	_ =	sdelay $0x1  }
0xe3: {  	v11 =	vadd.s32 v2, v10;
	_ =	sdelay $0x3  }
0xe4: {  	[tilespmem:s30+$0xD3D0] =	vst v9  }
0xe5: {  	v9 =	vld.idx.msk [tilespmem:v11+s8+$0x0], $0xffff;
	_ =	sdelay $0x1  }
0xe6: {  	v11 =	vadd.s32 v1, v10;
	_ =	sdelay $0x3  }
0xe7: {  	[tilespmem:s30+$0xD3E0] =	vst v9  }
0xe8: {  	v9 =	vld.idx.msk [tilespmem:v11+s8+$0x0], $0xffff;
	_ =	sdelay $0x1  }
0xe9: {  	v10 =	vadd.s32 v0, v10;
	_ =	sdelay $0x3  }
0xea: {  	[tilespmem:s30+$0xD3F0] =	vst v9  }
0xeb: {  	v9 =	vld.idx.msk [tilespmem:v10+s8+$0x0], $0xffff  }
0xec: {  	v10 =	vadd.s32 $0x480, v8  }
0xed: {  	v11 =	vadd.s32 v6, v10;
	_ =	sdelay $0x3  }
0xee: {  	[tilespmem:s30+$0xD400] =	vst v9  }
0xef: {  	v9 =	vld.idx.msk [tilespmem:v11+s8+$0x0], $0xffff;
	_ =	sdelay $0x1  }
0xf0: {  	v11 =	vadd.s32 v7, v10;
	_ =	sdelay $0x3  }
0xf1: {  	[tilespmem:s30+$0xD410] =	vst v9  }
0xf2: {  	v9 =	vld.idx.msk [tilespmem:v11+s8+$0x0], $0xffff;
	_ =	sdelay $0x1  }
0xf3: {  	v11 =	vadd.s32 v5, v10;
	_ =	sdelay $0x3  }
0xf4: {  	[tilespmem:s30+$0xD420] =	vst v9  }
0xf5: {  	v9 =	vld.idx.msk [tilespmem:v11+s8+$0x0], $0xffff;
	_ =	sdelay $0x1  }
0xf6: {  	v11 =	vadd.s32 v4, v10;
	_ =	sdelay $0x3  }
0xf7: {  	[tilespmem:s30+$0xD430] =	vst v9  }
0xf8: {  	v9 =	vld.idx.msk [tilespmem:v11+s8+$0x0], $0xffff;
	_ =	sdelay $0x1  }
0xf9: {  	v11 =	vadd.s32 v3, v10;
	_ =	sdelay $0x3  }
0xfa: {  	[tilespmem:s30+$0xD440] =	vst v9  }
0xfb: {  	v9 =	vld.idx.msk [tilespmem:v11+s8+$0x0], $0xffff;
	_ =	sdelay $0x1  }
0xfc: {  	v11 =	vadd.s32 v2, v10;
	_ =	sdelay $0x3  }
0xfd: {  	[tilespmem:s30+$0xD450] =	vst v9  }
0xfe: {  	v9 =	vld.idx.msk [tilespmem:v11+s8+$0x0], $0xffff;
	_ =	sdelay $0x1  }
0xff: {  	v11 =	vadd.s32 v1, v10;
	_ =	sdelay $0x3  }
0x100: {  	[tilespmem:s30+$0xD460] =	vst v9  }
0x101: {  	v9 =	vld.idx.msk [tilespmem:v11+s8+$0x0], $0xffff;
	_ =	sdelay $0x1  }
0x102: {  	v10 =	vadd.s32 v0, v10;
	_ =	sdelay $0x3  }
0x103: {  	[tilespmem:s30+$0xD470] =	vst v9  }
0x104: {  	v9 =	vld.idx.msk [tilespmem:v10+s8+$0x0], $0xffff  }
0x105: {  	v10 =	vadd.s32 $0x600, v8  }
0x106: {  	v11 =	vadd.s32 v6, v10;
	_ =	sdelay $0x3  }
0x107: {  	[tilespmem:s30+$0xD480] =	vst v9  }
0x108: {  	v9 =	vld.idx.msk [tilespmem:v11+s8+$0x0], $0xffff;
	_ =	sdelay $0x1  }
0x109: {  	v11 =	vadd.s32 v7, v10;
	_ =	sdelay $0x3  }
0x10a: {  	[tilespmem:s30+$0xD490] =	vst v9  }
0x10b: {  	v9 =	vld.idx.msk [tilespmem:v11+s8+$0x0], $0xffff;
	_ =	sdelay $0x1  }
0x10c: {  	v11 =	vadd.s32 v5, v10;
	_ =	sdelay $0x3  }
0x10d: {  	[tilespmem:s30+$0xD4A0] =	vst v9  }
0x10e: {  	v9 =	vld.idx.msk [tilespmem:v11+s8+$0x0], $0xffff;
	_ =	sdelay $0x1  }
0x10f: {  	v11 =	vadd.s32 v4, v10;
	_ =	sdelay $0x3  }
0x110: {  	[tilespmem:s30+$0xD4B0] =	vst v9  }
0x111: {  	v9 =	vld.idx.msk [tilespmem:v11+s8+$0x0], $0xffff;
	_ =	sdelay $0x1  }
0x112: {  	v11 =	vadd.s32 v3, v10;
	_ =	sdelay $0x3  }
0x113: {  	[tilespmem:s30+$0xD4C0] =	vst v9  }
0x114: {  	v9 =	vld.idx.msk [tilespmem:v11+s8+$0x0], $0xffff;
	_ =	sdelay $0x1  }
0x115: {  	v11 =	vadd.s32 v2, v10;
	_ =	sdelay $0x3  }
0x116: {  	[tilespmem:s30+$0xD4D0] =	vst v9  }
0x117: {  	v9 =	vld.idx.msk [tilespmem:v11+s8+$0x0], $0xffff;
	_ =	sdelay $0x1  }
0x118: {  	v11 =	vadd.s32 v1, v10;
	_ =	sdelay $0x3  }
0x119: {  	[tilespmem:s30+$0xD4E0] =	vst v9  }
0x11a: {  	v9 =	vld.idx.msk [tilespmem:v11+s8+$0x0], $0xffff;
	_ =	sdelay $0x1  }
0x11b: {  	v10 =	vadd.s32 v0, v10;
	_ =	sdelay $0x2  }
.Ltmp0:
0x11c: {  	(pc) =	sbr.rel @p1 .LBB2_3-.Ltmp0, $4  }
0x11d: {  	[tilespmem:s30+$0xD4F0] =	vst v9  }
0x11e: {  	v9 =	vld.idx.msk [tilespmem:v10+s8+$0x0], $0xffff  }
0x11f: {  	v8 =	vadd.s32 $0x780, v8  }
0x120: {  	s1 =	sadd.s32 $0xA00, s1;
	v10 =	vadd.s32 v6, v8  }
0x121: {  	_ =	sdelay $0x2  }
0x122: {  	[tilespmem:s30+$0xD500] =	vst v9  }
0x123: {  	v9 =	vld.idx.msk [tilespmem:v10+s8+$0x0], $0xffff  }
0x124: {  	v10 =	vadd.s32 v7, v8;
	_ =	sdelay $0x2  }
0x125: {  	s1 =	sshra.s32 s31, $0x2  }
0x126: {  	[tilespmem:s1+$0xD290] =	vst v9  }
0x127: {  	v9 =	vld.idx.msk [tilespmem:v10+s8+$0x0], $0xffff  }
0x128: {  	v10 =	vadd.s32 v5, v8;
	_ =	sdelay $0x3  }
0x129: {  	[tilespmem:s1+$0xD2A0] =	vst v9  }
0x12a: {  	v9 =	vld.idx.msk [tilespmem:v10+s8+$0x0], $0xffff  }
0x12b: {  	v10 =	vadd.s32 v4, v8;
	_ =	sdelay $0x3  }
0x12c: {  	[tilespmem:s1+$0xD2B0] =	vst v9  }
0x12d: {  	v9 =	vld.idx.msk [tilespmem:v10+s8+$0x0], $0xffff  }
0x12e: {  	v10 =	vadd.s32 v3, v8;
	_ =	sdelay $0x3  }
0x12f: {  	[tilespmem:s1+$0xD2C0] =	vst v9  }
0x130: {  	v9 =	vld.idx.msk [tilespmem:v10+s8+$0x0], $0xffff  }
0x131: {  	v10 =	vadd.s32 v2, v8;
	_ =	sdelay $0x3  }
0x132: {  	[tilespmem:s1+$0xD2D0] =	vst v9  }
0x133: {  	v9 =	vld.idx.msk [tilespmem:v10+s8+$0x0], $0xffff  }
0x134: {  	v10 =	vadd.s32 v1, v8;
	_ =	sdelay $0x3  }
0x135: {  	[tilespmem:s1+$0xD2E0] =	vst v9  }
0x136: {  	v9 =	vld.idx.msk [tilespmem:v10+s8+$0x0], $0xffff  }
0x137: {  	v10 =	vadd.s32 v0, v8;
	_ =	sdelay $0x3  }
0x138: {  	[tilespmem:s1+$0xD2F0] =	vst v9  }
0x139: {  	v9 =	vld.idx.msk [tilespmem:v10+s8+$0x0], $0xffff;
	v10 =	vadd.s32 $0x180, v8  }
0x13a: {  	v11 =	vadd.s32 v6, v10;
	_ =	sdelay $0x3  }
0x13b: {  	[tilespmem:s1+$0xD300] =	vst v9  }
0x13c: {  	v9 =	vld.idx.msk [tilespmem:v11+s8+$0x0], $0xffff  }
0x13d: {  	v11 =	vadd.s32 v7, v10;
	_ =	sdelay $0x3  }
0x13e: {  	[tilespmem:s1+$0xD310] =	vst v9  }
0x13f: {  	v9 =	vld.idx.msk [tilespmem:v11+s8+$0x0], $0xffff  }
0x140: {  	v11 =	vadd.s32 v5, v10;
	_ =	sdelay $0x3  }
0x141: {  	[tilespmem:s1+$0xD320] =	vst v9  }
0x142: {  	v9 =	vld.idx.msk [tilespmem:v11+s8+$0x0], $0xffff  }
0x143: {  	v11 =	vadd.s32 v4, v10;
	_ =	sdelay $0x3  }
0x144: {  	[tilespmem:s1+$0xD330] =	vst v9  }
0x145: {  	v9 =	vld.idx.msk [tilespmem:v11+s8+$0x0], $0xffff  }
0x146: {  	v11 =	vadd.s32 v3, v10;
	_ =	sdelay $0x3  }
0x147: {  	[tilespmem:s1+$0xD340] =	vst v9  }
0x148: {  	v9 =	vld.idx.msk [tilespmem:v11+s8+$0x0], $0xffff  }
0x149: {  	v11 =	vadd.s32 v2, v10;
	_ =	sdelay $0x3  }
0x14a: {  	[tilespmem:s1+$0xD350] =	vst v9  }
0x14b: {  	v9 =	vld.idx.msk [tilespmem:v11+s8+$0x0], $0xffff  }
0x14c: {  	v11 =	vadd.s32 v1, v10;
	_ =	sdelay $0x3  }
0x14d: {  	[tilespmem:s1+$0xD360] =	vst v9  }
0x14e: {  	v9 =	vld.idx.msk [tilespmem:v11+s8+$0x0], $0xffff  }
0x14f: {  	v10 =	vadd.s32 v0, v10;
	_ =	sdelay $0x3  }
0x150: {  	[tilespmem:s1+$0xD370] =	vst v9  }
0x151: {  	v9 =	vld.idx.msk [tilespmem:v10+s8+$0x0], $0xffff;
	v10 =	vadd.s32 $0x300, v8  }
0x152: {  	v11 =	vadd.s32 v6, v10;
	_ =	sdelay $0x3  }
0x153: {  	[tilespmem:s1+$0xD380] =	vst v9  }
0x154: {  	v9 =	vld.idx.msk [tilespmem:v11+s8+$0x0], $0xffff  }
0x155: {  	v11 =	vadd.s32 v7, v10;
	_ =	sdelay $0x3  }
0x156: {  	[tilespmem:s1+$0xD390] =	vst v9  }
0x157: {  	v9 =	vld.idx.msk [tilespmem:v11+s8+$0x0], $0xffff  }
0x158: {  	v11 =	vadd.s32 v5, v10;
	_ =	sdelay $0x3  }
0x159: {  	[tilespmem:s1+$0xD3A0] =	vst v9  }
0x15a: {  	v9 =	vld.idx.msk [tilespmem:v11+s8+$0x0], $0xffff  }
0x15b: {  	v11 =	vadd.s32 v4, v10;
	_ =	sdelay $0x3  }
0x15c: {  	[tilespmem:s1+$0xD3B0] =	vst v9  }
0x15d: {  	v9 =	vld.idx.msk [tilespmem:v11+s8+$0x0], $0xffff  }
0x15e: {  	v11 =	vadd.s32 v3, v10;
	_ =	sdelay $0x3  }
0x15f: {  	[tilespmem:s1+$0xD3C0] =	vst v9  }
0x160: {  	v9 =	vld.idx.msk [tilespmem:v11+s8+$0x0], $0xffff  }
0x161: {  	v11 =	vadd.s32 v2, v10;
	_ =	sdelay $0x3  }
0x162: {  	[tilespmem:s1+$0xD3D0] =	vst v9  }
0x163: {  	v9 =	vld.idx.msk [tilespmem:v11+s8+$0x0], $0xffff  }
0x164: {  	v11 =	vadd.s32 v1, v10;
	_ =	sdelay $0x3  }
0x165: {  	[tilespmem:s1+$0xD3E0] =	vst v9  }
0x166: {  	v9 =	vld.idx.msk [tilespmem:v11+s8+$0x0], $0xffff  }
0x167: {  	v10 =	vadd.s32 v0, v10;
	_ =	sdelay $0x3  }
0x168: {  	[tilespmem:s1+$0xD3F0] =	vst v9  }
0x169: {  	v9 =	vld.idx.msk [tilespmem:v10+s8+$0x0], $0xffff;
	v10 =	vadd.s32 $0x480, v8  }
0x16a: {  	v11 =	vadd.s32 v6, v10;
	_ =	sdelay $0x3  }
0x16b: {  	[tilespmem:s1+$0xD400] =	vst v9  }
0x16c: {  	v9 =	vld.idx.msk [tilespmem:v11+s8+$0x0], $0xffff  }
0x16d: {  	v11 =	vadd.s32 v7, v10;
	_ =	sdelay $0x3  }
0x16e: {  	[tilespmem:s1+$0xD410] =	vst v9  }
0x16f: {  	v9 =	vld.idx.msk [tilespmem:v11+s8+$0x0], $0xffff  }
0x170: {  	v11 =	vadd.s32 v5, v10;
	_ =	sdelay $0x3  }
0x171: {  	[tilespmem:s1+$0xD420] =	vst v9  }
0x172: {  	v9 =	vld.idx.msk [tilespmem:v11+s8+$0x0], $0xffff  }
0x173: {  	v11 =	vadd.s32 v4, v10;
	_ =	sdelay $0x3  }
0x174: {  	[tilespmem:s1+$0xD430] =	vst v9  }
0x175: {  	v9 =	vld.idx.msk [tilespmem:v11+s8+$0x0], $0xffff  }
0x176: {  	v11 =	vadd.s32 v3, v10;
	_ =	sdelay $0x3  }
0x177: {  	[tilespmem:s1+$0xD440] =	vst v9  }
0x178: {  	v9 =	vld.idx.msk [tilespmem:v11+s8+$0x0], $0xffff  }
0x179: {  	v11 =	vadd.s32 v2, v10;
	_ =	sdelay $0x3  }
0x17a: {  	[tilespmem:s1+$0xD450] =	vst v9  }
0x17b: {  	v9 =	vld.idx.msk [tilespmem:v11+s8+$0x0], $0xffff  }
0x17c: {  	v11 =	vadd.s32 v1, v10;
	_ =	sdelay $0x3  }
0x17d: {  	[tilespmem:s1+$0xD460] =	vst v9  }
0x17e: {  	v9 =	vld.idx.msk [tilespmem:v11+s8+$0x0], $0xffff  }
0x17f: {  	v10 =	vadd.s32 v0, v10;
	_ =	sdelay $0x3  }
0x180: {  	[tilespmem:s1+$0xD470] =	vst v9  }
0x181: {  	v8 =	vadd.s32 $0x600, v8;
	v9 =	vld.idx.msk [tilespmem:v10+s8+$0x0], $0xffff  }
0x182: {  	v6 =	vadd.s32 v6, v8;
	_ =	sdelay $0x3  }
0x183: {  	[tilespmem:s1+$0xD480] =	vst v9  }
0x184: {  	v6 =	vld.idx.msk [tilespmem:v6+s8+$0x0], $0xffff  }
0x185: {  	v7 =	vadd.s32 v7, v8;
	_ =	sdelay $0x3  }
0x186: {  	[tilespmem:s1+$0xD490] =	vst v6  }
0x187: {  	v6 =	vld.idx.msk [tilespmem:v7+s8+$0x0], $0xffff  }
0x188: {  	v5 =	vadd.s32 v5, v8;
	_ =	sdelay $0x3  }
0x189: {  	[tilespmem:s1+$0xD4A0] =	vst v6  }
0x18a: {  	v5 =	vld.idx.msk [tilespmem:v5+s8+$0x0], $0xffff  }
0x18b: {  	v4 =	vadd.s32 v4, v8;
	_ =	sdelay $0x3  }
0x18c: {  	[tilespmem:s1+$0xD4B0] =	vst v5  }
0x18d: {  	v4 =	vld.idx.msk [tilespmem:v4+s8+$0x0], $0xffff  }
0x18e: {  	v3 =	vadd.s32 v3, v8;
	_ =	sdelay $0x3  }
0x18f: {  	[tilespmem:s1+$0xD4C0] =	vst v4  }
0x190: {  	v3 =	vld.idx.msk [tilespmem:v3+s8+$0x0], $0xffff  }
0x191: {  	v2 =	vadd.s32 v2, v8;
	_ =	sdelay $0x3  }
0x192: {  	[tilespmem:s1+$0xD4D0] =	vst v3  }
0x193: {  	v2 =	vld.idx.msk [tilespmem:v2+s8+$0x0], $0xffff  }
0x194: {  	v1 =	vadd.s32 v1, v8;
	_ =	sdelay $0x3  }
0x195: {  	[tilespmem:s1+$0xD4E0] =	vst v2  }
0x196: {  	v1 =	vld.idx.msk [tilespmem:v1+s8+$0x0], $0xffff  }
0x197: {  	v0 =	vadd.s32 v0, v8;
	_ =	sdelay $0x3  }
0x198: {  	[tilespmem:s1+$0xD4F0] =	vst v1  }
0x199: {  	v0 =	vld.idx.msk [tilespmem:v0+s8+$0x0], $0xffff;
	_ =	sdelay $0x1  }
0x19a: {  	s29 =	smul.u32 $0x38000, s29  }
0x19b: {  	s30 =	sor.u32 s3, s26  }
0x19c: {  	s29 =	sadd.s32 s2, s29;
	s30 =	sshll.u32 s30, $0x7  }
0x19d: {  	s31 =	sadd.s32 s30, s29;
	[tilespmem:s1+$0xD500] =	vst v0  }
0x19e: {  	[hbm4b:s31+s16] =	stream.strided.scatter [tilespmem:s18], [sflag:$0x1], $0x3400, s17, s16, $0x38;
	[tilespmem:$0x14500] =	vst v63  }
0x19f: {  	s26 =	sor.u32 $0x1, s26;
	s1 =	sadd.s32 $0x34000, s31  }
0x1a0: {  	[hbm4b:s1+s4] =	stream.linear.scatter [tilespmem:s19], [sflag:$0x1], $0x300, $0x38;
	[tilespmem:$0x14500] =	vst v63  }
0x1a1: {  	s30 =	smul.u32 $0x3000, s26;
	s1 =	simm.s32 @!p0 $0x2  }
0x1a2: {  	_ =	swait.ge @!p0 [sflag:s1], $0x3700  }
0x1a3: {  	s30 =	sshrl.u32 s30, $0x2;
	[sflag:s1] =	ssyncset.done @!p0 $0x0  }
0x1a4: {  	s31 =	sadd.s32 s28, s30;
	[sflag:s1] =	ssyncadd.s32 @!p0 $0xFFFFC900  }
0x1a5: {  	v6 =	vld [tilespmem:s31+$0x0];
	_ =	sdelay $0x3  }
0x1a6: {  	v8 =	vimm.s32 $0x0  }
0x1a7: {  	v0 =	vadd.s32 v6, v8  }
0x1a8: {  	v7 =	vld [tilespmem:s31+$0x10];
	_ =	sdelay $0x2  }
0x1a9: {  	v5 =	vld [tilespmem:s31+$0x20]  }
0x1aa: {  	v9 =	vld.idx.msk [tilespmem:v0+s8+$0x0], $0xffff  }
0x1ab: {  	v4 =	vld [tilespmem:s31+$0x30];
	v10 =	vadd.s32 v7, v8  }
0x1ac: {  	v3 =	vld [tilespmem:s31+$0x40]  }
0x1ad: {  	v2 =	vld [tilespmem:s31+$0x50]  }
0x1ae: {  	s28 =	simm.s32 $0x0;
	v1 =	vld [tilespmem:s31+$0x60]  }
0x1af: {  	v0 =	vld [tilespmem:s31+$0x70];
	[tilespmem:s28+$0x10D00] =	vst v9  }
0x1b0: {  	v9 =	vld.idx.msk [tilespmem:v10+s8+$0x0], $0xffff  }
0x1b1: {  	v10 =	vadd.s32 v5, v8;
	_ =	sdelay $0x3  }
0x1b2: {  	[tilespmem:s28+$0x10D10] =	vst v9  }
0x1b3: {  	v9 =	vld.idx.msk [tilespmem:v10+s8+$0x0], $0xffff  }
0x1b4: {  	v10 =	vadd.s32 v4, v8;
	_ =	sdelay $0x3  }
0x1b5: {  	[tilespmem:s28+$0x10D20] =	vst v9  }
0x1b6: {  	v9 =	vld.idx.msk [tilespmem:v10+s8+$0x0], $0xffff  }
0x1b7: {  	v10 =	vadd.s32 v3, v8;
	_ =	sdelay $0x3  }
0x1b8: {  	[tilespmem:s28+$0x10D30] =	vst v9  }
0x1b9: {  	v9 =	vld.idx.msk [tilespmem:v10+s8+$0x0], $0xffff  }
0x1ba: {  	v10 =	vadd.s32 v2, v8;
	_ =	sdelay $0x3  }
0x1bb: {  	[tilespmem:s28+$0x10D40] =	vst v9  }
0x1bc: {  	v9 =	vld.idx.msk [tilespmem:v10+s8+$0x0], $0xffff  }
0x1bd: {  	v10 =	vadd.s32 v1, v8;
	_ =	sdelay $0x3  }
0x1be: {  	[tilespmem:s28+$0x10D50] =	vst v9  }
0x1bf: {  	v9 =	vld.idx.msk [tilespmem:v10+s8+$0x0], $0xffff  }
0x1c0: {  	v10 =	vadd.s32 v0, v8;
	_ =	sdelay $0x3  }
0x1c1: {  	[tilespmem:s28+$0x10D60] =	vst v9  }
0x1c2: {  	v9 =	vld.idx.msk [tilespmem:v10+s8+$0x0], $0xffff;
	v10 =	vadd.s32 $0x180, v8  }
0x1c3: {  	v11 =	vadd.s32 v6, v10;
	_ =	sdelay $0x3  }
0x1c4: {  	[tilespmem:s28+$0x10D70] =	vst v9  }
0x1c5: {  	v9 =	vld.idx.msk [tilespmem:v11+s8+$0x0], $0xffff  }
0x1c6: {  	v11 =	vadd.s32 v7, v10;
	_ =	sdelay $0x3  }
0x1c7: {  	[tilespmem:s28+$0x10D80] =	vst v9  }
0x1c8: {  	v9 =	vld.idx.msk [tilespmem:v11+s8+$0x0], $0xffff  }
0x1c9: {  	v11 =	vadd.s32 v5, v10;
	_ =	sdelay $0x3  }
0x1ca: {  	[tilespmem:s28+$0x10D90] =	vst v9  }
0x1cb: {  	v9 =	vld.idx.msk [tilespmem:v11+s8+$0x0], $0xffff  }
0x1cc: {  	v11 =	vadd.s32 v4, v10;
	_ =	sdelay $0x3  }
0x1cd: {  	[tilespmem:s28+$0x10DA0] =	vst v9  }
0x1ce: {  	v9 =	vld.idx.msk [tilespmem:v11+s8+$0x0], $0xffff  }
0x1cf: {  	v11 =	vadd.s32 v3, v10;
	_ =	sdelay $0x3  }
0x1d0: {  	[tilespmem:s28+$0x10DB0] =	vst v9  }
0x1d1: {  	v9 =	vld.idx.msk [tilespmem:v11+s8+$0x0], $0xffff  }
0x1d2: {  	v11 =	vadd.s32 v2, v10;
	_ =	sdelay $0x3  }
0x1d3: {  	[tilespmem:s28+$0x10DC0] =	vst v9  }
0x1d4: {  	v9 =	vld.idx.msk [tilespmem:v11+s8+$0x0], $0xffff  }
0x1d5: {  	v11 =	vadd.s32 v1, v10;
	_ =	sdelay $0x3  }
0x1d6: {  	[tilespmem:s28+$0x10DD0] =	vst v9  }
0x1d7: {  	v9 =	vld.idx.msk [tilespmem:v11+s8+$0x0], $0xffff  }
0x1d8: {  	v10 =	vadd.s32 v0, v10;
	_ =	sdelay $0x3  }
0x1d9: {  	[tilespmem:s28+$0x10DE0] =	vst v9  }
0x1da: {  	v9 =	vld.idx.msk [tilespmem:v10+s8+$0x0], $0xffff;
	v10 =	vadd.s32 $0x300, v8  }
0x1db: {  	v11 =	vadd.s32 v6, v10;
	_ =	sdelay $0x3  }
0x1dc: {  	[tilespmem:s28+$0x10DF0] =	vst v9  }
0x1dd: {  	v9 =	vld.idx.msk [tilespmem:v11+s8+$0x0], $0xffff  }
0x1de: {  	v11 =	vadd.s32 v7, v10;
	_ =	sdelay $0x3  }
0x1df: {  	[tilespmem:s28+$0x10E00] =	vst v9  }
0x1e0: {  	v9 =	vld.idx.msk [tilespmem:v11+s8+$0x0], $0xffff  }
0x1e1: {  	v11 =	vadd.s32 v5, v10;
	_ =	sdelay $0x3  }
0x1e2: {  	[tilespmem:s28+$0x10E10] =	vst v9  }
0x1e3: {  	v9 =	vld.idx.msk [tilespmem:v11+s8+$0x0], $0xffff  }
0x1e4: {  	v11 =	vadd.s32 v4, v10;
	_ =	sdelay $0x3  }
0x1e5: {  	[tilespmem:s28+$0x10E20] =	vst v9  }
0x1e6: {  	v9 =	vld.idx.msk [tilespmem:v11+s8+$0x0], $0xffff  }
0x1e7: {  	v11 =	vadd.s32 v3, v10;
	_ =	sdelay $0x3  }
0x1e8: {  	[tilespmem:s28+$0x10E30] =	vst v9  }
0x1e9: {  	v9 =	vld.idx.msk [tilespmem:v11+s8+$0x0], $0xffff  }
0x1ea: {  	v11 =	vadd.s32 v2, v10;
	_ =	sdelay $0x3  }
0x1eb: {  	[tilespmem:s28+$0x10E40] =	vst v9  }
0x1ec: {  	v9 =	vld.idx.msk [tilespmem:v11+s8+$0x0], $0xffff  }
0x1ed: {  	v11 =	vadd.s32 v1, v10;
	_ =	sdelay $0x3  }
0x1ee: {  	[tilespmem:s28+$0x10E50] =	vst v9  }
0x1ef: {  	v9 =	vld.idx.msk [tilespmem:v11+s8+$0x0], $0xffff  }
0x1f0: {  	v10 =	vadd.s32 v0, v10;
	_ =	sdelay $0x3  }
0x1f1: {  	[tilespmem:s28+$0x10E60] =	vst v9  }
0x1f2: {  	v9 =	vld.idx.msk [tilespmem:v10+s8+$0x0], $0xffff;
	v10 =	vadd.s32 $0x480, v8  }
0x1f3: {  	v11 =	vadd.s32 v6, v10;
	_ =	sdelay $0x3  }
0x1f4: {  	[tilespmem:s28+$0x10E70] =	vst v9  }
0x1f5: {  	v9 =	vld.idx.msk [tilespmem:v11+s8+$0x0], $0xffff  }
0x1f6: {  	v11 =	vadd.s32 v7, v10;
	_ =	sdelay $0x3  }
0x1f7: {  	[tilespmem:s28+$0x10E80] =	vst v9  }
0x1f8: {  	v9 =	vld.idx.msk [tilespmem:v11+s8+$0x0], $0xffff  }
0x1f9: {  	v11 =	vadd.s32 v5, v10;
	_ =	sdelay $0x3  }
0x1fa: {  	[tilespmem:s28+$0x10E90] =	vst v9  }
0x1fb: {  	v9 =	vld.idx.msk [tilespmem:v11+s8+$0x0], $0xffff  }
0x1fc: {  	v11 =	vadd.s32 v4, v10;
	_ =	sdelay $0x3  }
0x1fd: {  	[tilespmem:s28+$0x10EA0] =	vst v9  }
0x1fe: {  	v9 =	vld.idx.msk [tilespmem:v11+s8+$0x0], $0xffff  }
0x1ff: {  	v11 =	vadd.s32 v3, v10;
	_ =	sdelay $0x3  }
0x200: {  	[tilespmem:s28+$0x10EB0] =	vst v9  }
0x201: {  	v9 =	vld.idx.msk [tilespmem:v11+s8+$0x0], $0xffff  }
0x202: {  	v11 =	vadd.s32 v2, v10;
	_ =	sdelay $0x3  }
0x203: {  	[tilespmem:s28+$0x10EC0] =	vst v9  }
0x204: {  	v9 =	vld.idx.msk [tilespmem:v11+s8+$0x0], $0xffff  }
0x205: {  	v11 =	vadd.s32 v1, v10;
	_ =	sdelay $0x3  }
0x206: {  	[tilespmem:s28+$0x10ED0] =	vst v9  }
0x207: {  	v9 =	vld.idx.msk [tilespmem:v11+s8+$0x0], $0xffff  }
0x208: {  	v10 =	vadd.s32 v0, v10;
	_ =	sdelay $0x3  }
0x209: {  	[tilespmem:s28+$0x10EE0] =	vst v9  }
0x20a: {  	v9 =	vld.idx.msk [tilespmem:v10+s8+$0x0], $0xffff;
	v10 =	vadd.s32 $0x600, v8  }
0x20b: {  	v11 =	vadd.s32 v6, v10;
	_ =	sdelay $0x3  }
0x20c: {  	[tilespmem:s28+$0x10EF0] =	vst v9  }
0x20d: {  	v9 =	vld.idx.msk [tilespmem:v11+s8+$0x0], $0xffff  }
0x20e: {  	v11 =	vadd.s32 v7, v10;
	_ =	sdelay $0x3  }
0x20f: {  	[tilespmem:s28+$0x10F00] =	vst v9  }
0x210: {  	v9 =	vld.idx.msk [tilespmem:v11+s8+$0x0], $0xffff  }
0x211: {  	v11 =	vadd.s32 v5, v10;
	_ =	sdelay $0x3  }
0x212: {  	[tilespmem:s28+$0x10F10] =	vst v9  }
0x213: {  	v9 =	vld.idx.msk [tilespmem:v11+s8+$0x0], $0xffff  }
0x214: {  	v11 =	vadd.s32 v4, v10;
	_ =	sdelay $0x3  }
0x215: {  	[tilespmem:s28+$0x10F20] =	vst v9  }
0x216: {  	v9 =	vld.idx.msk [tilespmem:v11+s8+$0x0], $0xffff  }
0x217: {  	v11 =	vadd.s32 v3, v10;
	_ =	sdelay $0x3  }
0x218: {  	[tilespmem:s28+$0x10F30] =	vst v9  }
0x219: {  	v9 =	vld.idx.msk [tilespmem:v11+s8+$0x0], $0xffff  }
0x21a: {  	v11 =	vadd.s32 v2, v10;
	_ =	sdelay $0x3  }
0x21b: {  	[tilespmem:s28+$0x10F40] =	vst v9  }
0x21c: {  	v9 =	vld.idx.msk [tilespmem:v11+s8+$0x0], $0xffff  }
0x21d: {  	v11 =	vadd.s32 v1, v10;
	_ =	sdelay $0x3  }
0x21e: {  	[tilespmem:s28+$0x10F50] =	vst v9  }
0x21f: {  	v9 =	vld.idx.msk [tilespmem:v11+s8+$0x0], $0xffff  }
0x220: {  	v10 =	vadd.s32 v0, v10;
	_ =	sdelay $0x3  }
0x221: {  	[tilespmem:s28+$0x10F60] =	vst v9  }
0x222: {  	v8 =	vadd.s32 $0x780, v8;
	v9 =	vld.idx.msk [tilespmem:v10+s8+$0x0], $0xffff  }
0x223: {  	s30 =	simm.s32 $0xA00;
	s1 =	simm.s32 $0x1400;
	v10 =	vadd.s32 v6, v8  }
.LBB2_5:
0x224: {  	p0 =	sne.s32 s1, $0xD200;
	_ =	sdelay $0x2  }
0x225: {  	[tilespmem:s28+$0x10F70] =	vst v9  }
0x226: {  	v9 =	vld.idx.msk [tilespmem:v10+s8+$0x0], $0xffff;
	_ =	sdelay $0x1  }
0x227: {  	v10 =	vadd.s32 v7, v8;
	_ =	sdelay $0x2  }
0x228: {  	s28 =	sshra.s32 s30, $0x2;
	s30 =	smov.u32 s1  }
0x229: {  	[tilespmem:s28+$0x10D00] =	vst v9  }
0x22a: {  	v9 =	vld.idx.msk [tilespmem:v10+s8+$0x0], $0xffff;
	_ =	sdelay $0x1  }
0x22b: {  	v10 =	vadd.s32 v5, v8;
	_ =	sdelay $0x3  }
0x22c: {  	[tilespmem:s28+$0x10D10] =	vst v9  }
0x22d: {  	v9 =	vld.idx.msk [tilespmem:v10+s8+$0x0], $0xffff;
	_ =	sdelay $0x1  }
0x22e: {  	v10 =	vadd.s32 v4, v8;
	_ =	sdelay $0x3  }
0x22f: {  	[tilespmem:s28+$0x10D20] =	vst v9  }
0x230: {  	v9 =	vld.idx.msk [tilespmem:v10+s8+$0x0], $0xffff;
	_ =	sdelay $0x1  }
0x231: {  	v10 =	vadd.s32 v3, v8;
	_ =	sdelay $0x3  }
0x232: {  	[tilespmem:s28+$0x10D30] =	vst v9  }
0x233: {  	v9 =	vld.idx.msk [tilespmem:v10+s8+$0x0], $0xffff;
	_ =	sdelay $0x1  }
0x234: {  	v10 =	vadd.s32 v2, v8;
	_ =	sdelay $0x3  }
0x235: {  	[tilespmem:s28+$0x10D40] =	vst v9  }
0x236: {  	v9 =	vld.idx.msk [tilespmem:v10+s8+$0x0], $0xffff;
	_ =	sdelay $0x1  }
0x237: {  	v10 =	vadd.s32 v1, v8;
	_ =	sdelay $0x3  }
0x238: {  	[tilespmem:s28+$0x10D50] =	vst v9  }
0x239: {  	v9 =	vld.idx.msk [tilespmem:v10+s8+$0x0], $0xffff;
	_ =	sdelay $0x1  }
0x23a: {  	v10 =	vadd.s32 v0, v8;
	_ =	sdelay $0x3  }
0x23b: {  	[tilespmem:s28+$0x10D60] =	vst v9  }
0x23c: {  	v9 =	vld.idx.msk [tilespmem:v10+s8+$0x0], $0xffff  }
0x23d: {  	v10 =	vadd.s32 $0x180, v8  }
0x23e: {  	v11 =	vadd.s32 v6, v10;
	_ =	sdelay $0x3  }
0x23f: {  	[tilespmem:s28+$0x10D70] =	vst v9  }
0x240: {  	v9 =	vld.idx.msk [tilespmem:v11+s8+$0x0], $0xffff;
	_ =	sdelay $0x1  }
0x241: {  	v11 =	vadd.s32 v7, v10;
	_ =	sdelay $0x3  }
0x242: {  	[tilespmem:s28+$0x10D80] =	vst v9  }
0x243: {  	v9 =	vld.idx.msk [tilespmem:v11+s8+$0x0], $0xffff;
	_ =	sdelay $0x1  }
0x244: {  	v11 =	vadd.s32 v5, v10;
	_ =	sdelay $0x3  }
0x245: {  	[tilespmem:s28+$0x10D90] =	vst v9  }
0x246: {  	v9 =	vld.idx.msk [tilespmem:v11+s8+$0x0], $0xffff;
	_ =	sdelay $0x1  }
0x247: {  	v11 =	vadd.s32 v4, v10;
	_ =	sdelay $0x3  }
0x248: {  	[tilespmem:s28+$0x10DA0] =	vst v9  }
0x249: {  	v9 =	vld.idx.msk [tilespmem:v11+s8+$0x0], $0xffff;
	_ =	sdelay $0x1  }
0x24a: {  	v11 =	vadd.s32 v3, v10;
	_ =	sdelay $0x3  }
0x24b: {  	[tilespmem:s28+$0x10DB0] =	vst v9  }
0x24c: {  	v9 =	vld.idx.msk [tilespmem:v11+s8+$0x0], $0xffff;
	_ =	sdelay $0x1  }
0x24d: {  	v11 =	vadd.s32 v2, v10;
	_ =	sdelay $0x3  }
0x24e: {  	[tilespmem:s28+$0x10DC0] =	vst v9  }
0x24f: {  	v9 =	vld.idx.msk [tilespmem:v11+s8+$0x0], $0xffff;
	_ =	sdelay $0x1  }
0x250: {  	v11 =	vadd.s32 v1, v10;
	_ =	sdelay $0x3  }
0x251: {  	[tilespmem:s28+$0x10DD0] =	vst v9  }
0x252: {  	v9 =	vld.idx.msk [tilespmem:v11+s8+$0x0], $0xffff;
	_ =	sdelay $0x1  }
0x253: {  	v10 =	vadd.s32 v0, v10;
	_ =	sdelay $0x3  }
0x254: {  	[tilespmem:s28+$0x10DE0] =	vst v9  }
0x255: {  	v9 =	vld.idx.msk [tilespmem:v10+s8+$0x0], $0xffff  }
0x256: {  	v10 =	vadd.s32 $0x300, v8  }
0x257: {  	v11 =	vadd.s32 v6, v10;
	_ =	sdelay $0x3  }
0x258: {  	[tilespmem:s28+$0x10DF0] =	vst v9  }
0x259: {  	v9 =	vld.idx.msk [tilespmem:v11+s8+$0x0], $0xffff;
	_ =	sdelay $0x1  }
0x25a: {  	v11 =	vadd.s32 v7, v10;
	_ =	sdelay $0x3  }
0x25b: {  	[tilespmem:s28+$0x10E00] =	vst v9  }
0x25c: {  	v9 =	vld.idx.msk [tilespmem:v11+s8+$0x0], $0xffff;
	_ =	sdelay $0x1  }
0x25d: {  	v11 =	vadd.s32 v5, v10;
	_ =	sdelay $0x3  }
0x25e: {  	[tilespmem:s28+$0x10E10] =	vst v9  }
0x25f: {  	v9 =	vld.idx.msk [tilespmem:v11+s8+$0x0], $0xffff;
	_ =	sdelay $0x1  }
0x260: {  	v11 =	vadd.s32 v4, v10;
	_ =	sdelay $0x3  }
0x261: {  	[tilespmem:s28+$0x10E20] =	vst v9  }
0x262: {  	v9 =	vld.idx.msk [tilespmem:v11+s8+$0x0], $0xffff;
	_ =	sdelay $0x1  }
0x263: {  	v11 =	vadd.s32 v3, v10;
	_ =	sdelay $0x3  }
0x264: {  	[tilespmem:s28+$0x10E30] =	vst v9  }
0x265: {  	v9 =	vld.idx.msk [tilespmem:v11+s8+$0x0], $0xffff;
	_ =	sdelay $0x1  }
0x266: {  	v11 =	vadd.s32 v2, v10;
	_ =	sdelay $0x3  }
0x267: {  	[tilespmem:s28+$0x10E40] =	vst v9  }
0x268: {  	v9 =	vld.idx.msk [tilespmem:v11+s8+$0x0], $0xffff;
	_ =	sdelay $0x1  }
0x269: {  	v11 =	vadd.s32 v1, v10;
	_ =	sdelay $0x3  }
0x26a: {  	[tilespmem:s28+$0x10E50] =	vst v9  }
0x26b: {  	v9 =	vld.idx.msk [tilespmem:v11+s8+$0x0], $0xffff;
	_ =	sdelay $0x1  }
0x26c: {  	v10 =	vadd.s32 v0, v10;
	_ =	sdelay $0x3  }
0x26d: {  	[tilespmem:s28+$0x10E60] =	vst v9  }
0x26e: {  	v9 =	vld.idx.msk [tilespmem:v10+s8+$0x0], $0xffff  }
0x26f: {  	v10 =	vadd.s32 $0x480, v8  }
0x270: {  	v11 =	vadd.s32 v6, v10;
	_ =	sdelay $0x3  }
0x271: {  	[tilespmem:s28+$0x10E70] =	vst v9  }
0x272: {  	v9 =	vld.idx.msk [tilespmem:v11+s8+$0x0], $0xffff;
	_ =	sdelay $0x1  }
0x273: {  	v11 =	vadd.s32 v7, v10;
	_ =	sdelay $0x3  }
0x274: {  	[tilespmem:s28+$0x10E80] =	vst v9  }
0x275: {  	v9 =	vld.idx.msk [tilespmem:v11+s8+$0x0], $0xffff;
	_ =	sdelay $0x1  }
0x276: {  	v11 =	vadd.s32 v5, v10;
	_ =	sdelay $0x3  }
0x277: {  	[tilespmem:s28+$0x10E90] =	vst v9  }
0x278: {  	v9 =	vld.idx.msk [tilespmem:v11+s8+$0x0], $0xffff;
	_ =	sdelay $0x1  }
0x279: {  	v11 =	vadd.s32 v4, v10;
	_ =	sdelay $0x3  }
0x27a: {  	[tilespmem:s28+$0x10EA0] =	vst v9  }
0x27b: {  	v9 =	vld.idx.msk [tilespmem:v11+s8+$0x0], $0xffff;
	_ =	sdelay $0x1  }
0x27c: {  	v11 =	vadd.s32 v3, v10;
	_ =	sdelay $0x3  }
0x27d: {  	[tilespmem:s28+$0x10EB0] =	vst v9  }
0x27e: {  	v9 =	vld.idx.msk [tilespmem:v11+s8+$0x0], $0xffff;
	_ =	sdelay $0x1  }
0x27f: {  	v11 =	vadd.s32 v2, v10;
	_ =	sdelay $0x3  }
0x280: {  	[tilespmem:s28+$0x10EC0] =	vst v9  }
0x281: {  	v9 =	vld.idx.msk [tilespmem:v11+s8+$0x0], $0xffff;
	_ =	sdelay $0x1  }
0x282: {  	v11 =	vadd.s32 v1, v10;
	_ =	sdelay $0x3  }
0x283: {  	[tilespmem:s28+$0x10ED0] =	vst v9  }
0x284: {  	v9 =	vld.idx.msk [tilespmem:v11+s8+$0x0], $0xffff;
	_ =	sdelay $0x1  }
0x285: {  	v10 =	vadd.s32 v0, v10;
	_ =	sdelay $0x3  }
0x286: {  	[tilespmem:s28+$0x10EE0] =	vst v9  }
0x287: {  	v9 =	vld.idx.msk [tilespmem:v10+s8+$0x0], $0xffff  }
0x288: {  	v10 =	vadd.s32 $0x600, v8  }
0x289: {  	v11 =	vadd.s32 v6, v10;
	_ =	sdelay $0x3  }
0x28a: {  	[tilespmem:s28+$0x10EF0] =	vst v9  }
0x28b: {  	v9 =	vld.idx.msk [tilespmem:v11+s8+$0x0], $0xffff;
	_ =	sdelay $0x1  }
0x28c: {  	v11 =	vadd.s32 v7, v10;
	_ =	sdelay $0x3  }
0x28d: {  	[tilespmem:s28+$0x10F00] =	vst v9  }
0x28e: {  	v9 =	vld.idx.msk [tilespmem:v11+s8+$0x0], $0xffff;
	_ =	sdelay $0x1  }
0x28f: {  	v11 =	vadd.s32 v5, v10;
	_ =	sdelay $0x3  }
0x290: {  	[tilespmem:s28+$0x10F10] =	vst v9  }
0x291: {  	v9 =	vld.idx.msk [tilespmem:v11+s8+$0x0], $0xffff;
	_ =	sdelay $0x1  }
0x292: {  	v11 =	vadd.s32 v4, v10;
	_ =	sdelay $0x3  }
0x293: {  	[tilespmem:s28+$0x10F20] =	vst v9  }
0x294: {  	v9 =	vld.idx.msk [tilespmem:v11+s8+$0x0], $0xffff;
	_ =	sdelay $0x1  }
0x295: {  	v11 =	vadd.s32 v3, v10;
	_ =	sdelay $0x3  }
0x296: {  	[tilespmem:s28+$0x10F30] =	vst v9  }
0x297: {  	v9 =	vld.idx.msk [tilespmem:v11+s8+$0x0], $0xffff;
	_ =	sdelay $0x1  }
0x298: {  	v11 =	vadd.s32 v2, v10;
	_ =	sdelay $0x3  }
0x299: {  	[tilespmem:s28+$0x10F40] =	vst v9  }
0x29a: {  	v9 =	vld.idx.msk [tilespmem:v11+s8+$0x0], $0xffff;
	_ =	sdelay $0x1  }
0x29b: {  	v11 =	vadd.s32 v1, v10;
	_ =	sdelay $0x3  }
0x29c: {  	[tilespmem:s28+$0x10F50] =	vst v9  }
0x29d: {  	v9 =	vld.idx.msk [tilespmem:v11+s8+$0x0], $0xffff;
	_ =	sdelay $0x1  }
0x29e: {  	v10 =	vadd.s32 v0, v10;
	_ =	sdelay $0x2  }
.Ltmp1:
0x29f: {  	(pc) =	sbr.rel @p0 .LBB2_5-.Ltmp1, $4  }
0x2a0: {  	[tilespmem:s28+$0x10F60] =	vst v9  }
0x2a1: {  	v9 =	vld.idx.msk [tilespmem:v10+s8+$0x0], $0xffff  }
0x2a2: {  	v8 =	vadd.s32 $0x780, v8  }
0x2a3: {  	s1 =	sadd.s32 $0xA00, s1;
	v10 =	vadd.s32 v6, v8  }
0x2a4: {  	_ =	sdelay $0x2  }
0x2a5: {  	[tilespmem:s28+$0x10F70] =	vst v9  }
0x2a6: {  	v9 =	vld.idx.msk [tilespmem:v10+s8+$0x0], $0xffff  }
0x2a7: {  	v25 =	vadd.s32 v7, v8;
	_ =	sdelay $0x2  }
0x2a8: {  	s1 =	sshra.s32 s30, $0x2  }
0x2a9: {  	[tilespmem:s1+$0x10D00] =	vst v9  }
0x2aa: {  	v9 =	vld.idx.msk [tilespmem:v25+s8+$0x0], $0xffff  }
0x2ab: {  	v26 =	vadd.s32 v5, v8;
	_ =	sdelay $0x3  }
0x2ac: {  	[tilespmem:s1+$0x10D10] =	vst v9  }
0x2ad: {  	v9 =	vld.idx.msk [tilespmem:v26+s8+$0x0], $0xffff  }
0x2ae: {  	v27 =	vadd.s32 v4, v8;
	_ =	sdelay $0x3  }
0x2af: {  	[tilespmem:s1+$0x10D20] =	vst v9  }
0x2b0: {  	v9 =	vld.idx.msk [tilespmem:v27+s8+$0x0], $0xffff  }
0x2b1: {  	v28 =	vadd.s32 v3, v8;
	_ =	sdelay $0x3  }
0x2b2: {  	[tilespmem:s1+$0x10D30] =	vst v9  }
0x2b3: {  	v9 =	vld.idx.msk [tilespmem:v28+s8+$0x0], $0xffff  }
0x2b4: {  	v29 =	vadd.s32 v2, v8;
	_ =	sdelay $0x3  }
0x2b5: {  	[tilespmem:s1+$0x10D40] =	vst v9  }
0x2b6: {  	v9 =	vld.idx.msk [tilespmem:v29+s8+$0x0], $0xffff  }
0x2b7: {  	v30 =	vadd.s32 v1, v8;
	_ =	sdelay $0x3  }
0x2b8: {  	[tilespmem:s1+$0x10D50] =	vst v9  }
0x2b9: {  	v9 =	vld.idx.msk [tilespmem:v30+s8+$0x0], $0xffff  }
0x2ba: {  	v31 =	vadd.s32 v0, v8;
	_ =	sdelay $0x3  }
0x2bb: {  	[tilespmem:s1+$0x10D60] =	vst v9  }
0x2bc: {  	v32 =	vadd.s32 $0x180, v8;
	v9 =	vld.idx.msk [tilespmem:v31+s8+$0x0], $0xffff  }
0x2bd: {  	v11 =	vadd.s32 v6, v32;
	_ =	sdelay $0x3  }
0x2be: {  	[tilespmem:s1+$0x10D70] =	vst v9  }
0x2bf: {  	v9 =	vld.idx.msk [tilespmem:v11+s8+$0x0], $0xffff  }
0x2c0: {  	v33 =	vadd.s32 v7, v32;
	_ =	sdelay $0x3  }
0x2c1: {  	[tilespmem:s1+$0x10D80] =	vst v9  }
0x2c2: {  	v9 =	vld.idx.msk [tilespmem:v33+s8+$0x0], $0xffff  }
0x2c3: {  	v34 =	vadd.s32 v5, v32;
	_ =	sdelay $0x3  }
0x2c4: {  	[tilespmem:s1+$0x10D90] =	vst v9  }
0x2c5: {  	v9 =	vld.idx.msk [tilespmem:v34+s8+$0x0], $0xffff  }
0x2c6: {  	v35 =	vadd.s32 v4, v32;
	_ =	sdelay $0x3  }
0x2c7: {  	[tilespmem:s1+$0x10DA0] =	vst v9  }
0x2c8: {  	v9 =	vld.idx.msk [tilespmem:v35+s8+$0x0], $0xffff  }
0x2c9: {  	v36 =	vadd.s32 v3, v32;
	_ =	sdelay $0x3  }
0x2ca: {  	[tilespmem:s1+$0x10DB0] =	vst v9  }
0x2cb: {  	v9 =	vld.idx.msk [tilespmem:v36+s8+$0x0], $0xffff  }
0x2cc: {  	v37 =	vadd.s32 v2, v32;
	_ =	sdelay $0x3  }
0x2cd: {  	[tilespmem:s1+$0x10DC0] =	vst v9  }
0x2ce: {  	v9 =	vld.idx.msk [tilespmem:v37+s8+$0x0], $0xffff  }
0x2cf: {  	v38 =	vadd.s32 v1, v32;
	_ =	sdelay $0x3  }
0x2d0: {  	[tilespmem:s1+$0x10DD0] =	vst v9  }
0x2d1: {  	v9 =	vld.idx.msk [tilespmem:v38+s8+$0x0], $0xffff  }
0x2d2: {  	v10 =	vadd.s32 v0, v32;
	_ =	sdelay $0x3  }
0x2d3: {  	[tilespmem:s1+$0x10DE0] =	vst v9  }
0x2d4: {  	v39 =	vadd.s32 $0x300, v8;
	v9 =	vld.idx.msk [tilespmem:v10+s8+$0x0], $0xffff  }
0x2d5: {  	v40 =	vadd.s32 v6, v39;
	_ =	sdelay $0x3  }
0x2d6: {  	[tilespmem:s1+$0x10DF0] =	vst v9  }
0x2d7: {  	v9 =	vld.idx.msk [tilespmem:v40+s8+$0x0], $0xffff  }
0x2d8: {  	v41 =	vadd.s32 v7, v39;
	_ =	sdelay $0x3  }
0x2d9: {  	[tilespmem:s1+$0x10E00] =	vst v9  }
0x2da: {  	v9 =	vld.idx.msk [tilespmem:v41+s8+$0x0], $0xffff  }
0x2db: {  	v42 =	vadd.s32 v5, v39;
	_ =	sdelay $0x3  }
0x2dc: {  	[tilespmem:s1+$0x10E10] =	vst v9  }
0x2dd: {  	v9 =	vld.idx.msk [tilespmem:v42+s8+$0x0], $0xffff  }
0x2de: {  	v43 =	vadd.s32 v4, v39;
	_ =	sdelay $0x3  }
0x2df: {  	[tilespmem:s1+$0x10E20] =	vst v9  }
0x2e0: {  	v9 =	vld.idx.msk [tilespmem:v43+s8+$0x0], $0xffff  }
0x2e1: {  	v44 =	vadd.s32 v3, v39;
	_ =	sdelay $0x3  }
0x2e2: {  	[tilespmem:s1+$0x10E30] =	vst v9  }
0x2e3: {  	v9 =	vld.idx.msk [tilespmem:v44+s8+$0x0], $0xffff  }
0x2e4: {  	v45 =	vadd.s32 v2, v39;
	_ =	sdelay $0x3  }
0x2e5: {  	[tilespmem:s1+$0x10E40] =	vst v9  }
0x2e6: {  	v9 =	vld.idx.msk [tilespmem:v45+s8+$0x0], $0xffff  }
0x2e7: {  	v46 =	vadd.s32 v1, v39;
	_ =	sdelay $0x3  }
0x2e8: {  	[tilespmem:s1+$0x10E50] =	vst v9  }
0x2e9: {  	v9 =	vld.idx.msk [tilespmem:v46+s8+$0x0], $0xffff  }
0x2ea: {  	v10 =	vadd.s32 v0, v39;
	_ =	sdelay $0x3  }
0x2eb: {  	[tilespmem:s1+$0x10E60] =	vst v9  }
0x2ec: {  	v47 =	vadd.s32 $0x480, v8;
	v9 =	vld.idx.msk [tilespmem:v10+s8+$0x0], $0xffff  }
0x2ed: {  	v48 =	vadd.s32 v6, v47;
	_ =	sdelay $0x3  }
0x2ee: {  	[tilespmem:s1+$0x10E70] =	vst v9  }
0x2ef: {  	v9 =	vld.idx.msk [tilespmem:v48+s8+$0x0], $0xffff  }
0x2f0: {  	v49 =	vadd.s32 v7, v47;
	_ =	sdelay $0x3  }
0x2f1: {  	[tilespmem:s1+$0x10E80] =	vst v9  }
0x2f2: {  	v9 =	vld.idx.msk [tilespmem:v49+s8+$0x0], $0xffff  }
0x2f3: {  	v50 =	vadd.s32 v5, v47;
	_ =	sdelay $0x3  }
0x2f4: {  	[tilespmem:s1+$0x10E90] =	vst v9  }
0x2f5: {  	v9 =	vld.idx.msk [tilespmem:v50+s8+$0x0], $0xffff  }
0x2f6: {  	v51 =	vadd.s32 v4, v47;
	_ =	sdelay $0x3  }
0x2f7: {  	[tilespmem:s1+$0x10EA0] =	vst v9  }
0x2f8: {  	v9 =	vld.idx.msk [tilespmem:v51+s8+$0x0], $0xffff  }
0x2f9: {  	v52 =	vadd.s32 v3, v47;
	_ =	sdelay $0x3  }
0x2fa: {  	[tilespmem:s1+$0x10EB0] =	vst v9  }
0x2fb: {  	v9 =	vld.idx.msk [tilespmem:v52+s8+$0x0], $0xffff  }
0x2fc: {  	v53 =	vadd.s32 v2, v47;
	_ =	sdelay $0x3  }
0x2fd: {  	[tilespmem:s1+$0x10EC0] =	vst v9  }
0x2fe: {  	v9 =	vld.idx.msk [tilespmem:v53+s8+$0x0], $0xffff  }
0x2ff: {  	v54 =	vadd.s32 v1, v47;
	_ =	sdelay $0x3  }
0x300: {  	[tilespmem:s1+$0x10ED0] =	vst v9  }
0x301: {  	v9 =	vld.idx.msk [tilespmem:v54+s8+$0x0], $0xffff  }
0x302: {  	v10 =	vadd.s32 v0, v47;
	_ =	sdelay $0x3  }
0x303: {  	[tilespmem:s1+$0x10EE0] =	vst v9  }
0x304: {  	v55 =	vadd.s32 $0x600, v8;
	v9 =	vld.idx.msk [tilespmem:v10+s8+$0x0], $0xffff  }
0x305: {  	v56 =	vadd.s32 v6, v55;
	_ =	sdelay $0x3  }
0x306: {  	[tilespmem:s1+$0x10EF0] =	vst v9  }
0x307: {  	v6 =	vld.idx.msk [tilespmem:v56+s8+$0x0], $0xffff  }
0x308: {  	v57 =	vadd.s32 v7, v55;
	_ =	sdelay $0x3  }
0x309: {  	[tilespmem:s1+$0x10F00] =	vst v6  }
0x30a: {  	v6 =	vld.idx.msk [tilespmem:v57+s8+$0x0], $0xffff  }
0x30b: {  	v58 =	vadd.s32 v5, v55;
	_ =	sdelay $0x3  }
0x30c: {  	[tilespmem:s1+$0x10F10] =	vst v6  }
0x30d: {  	v5 =	vld.idx.msk [tilespmem:v58+s8+$0x0], $0xffff  }
0x30e: {  	v59 =	vadd.s32 v4, v55;
	_ =	sdelay $0x3  }
0x30f: {  	[tilespmem:s1+$0x10F20] =	vst v5  }
0x310: {  	v4 =	vld.idx.msk [tilespmem:v59+s8+$0x0], $0xffff  }
0x311: {  	v60 =	vadd.s32 v3, v55;
	_ =	sdelay $0x3  }
0x312: {  	[tilespmem:s1+$0x10F30] =	vst v4  }
0x313: {  	v3 =	vld.idx.msk [tilespmem:v60+s8+$0x0], $0xffff  }
0x314: {  	v61 =	vadd.s32 v2, v55;
	_ =	sdelay $0x3  }
0x315: {  	[tilespmem:s1+$0x10F40] =	vst v3  }
0x316: {  	v2 =	vld.idx.msk [tilespmem:v61+s8+$0x0], $0xffff  }
0x317: {  	v62 =	vadd.s32 v1, v55;
	_ =	sdelay $0x3  }
0x318: {  	[tilespmem:s1+$0x10F50] =	vst v2  }
0x319: {  	v1 =	vld.idx.msk [tilespmem:v62+s8+$0x0], $0xffff  }
0x31a: {  	v63 =	vadd.s32 v0, v55;
	_ =	sdelay $0x3  }
0x31b: {  	[tilespmem:s1+$0x10F60] =	vst v1  }
0x31c: {  	v0 =	vld.idx.msk [tilespmem:v63+s8+$0x0], $0xffff;
	_ =	sdelay $0x1  }
0x31d: {  	s25 =	sadd.s32 $0x1, s25  }
0x31e: {  	s26 =	sor.u32 s3, s26;
	p0 =	sne.s32 s25, $0x28  }
.Ltmp2:
0x31f: {  	s26 =	sshll.u32 s26, $0x7;
	(pc) =	sbr.rel @p0 .LBB2_2-.Ltmp2, $4  }
0x320: {  	s31 =	sadd.s32 s26, s29;
	[tilespmem:s1+$0x10F70] =	vst v0  }
0x321: {  	[hbm4b:s31+s16] =	stream.strided.scatter [tilespmem:s20], [sflag:$0x2], $0x3400, s17, s16, $0x38;
	[tilespmem:$0x14500] =	vst v63  }
0x322: {  	s1 =	sadd.s32 $0x34000, s31  }
0x323: {  	[hbm4b:s1+s4] =	stream.linear.scatter [tilespmem:s21], [sflag:$0x2], $0x300, $0x38;
	[tilespmem:$0x14500] =	vst v63  }
0x324: {  	s24 =	sadd.s32 $0x1, s24  }
0x325: {  	_ =	swait.ge [sflag:s22], $0x3700;
	p0 =	sne.s32 s24, s7  }
.Ltmp3:
0x326: {  	[sflag:s22] =	ssyncset.done $0x0;
	(pc) =	sbr.rel @p0 .LBB2_1-.Ltmp3, $4  }
0x327: {  	[sflag:s22] =	ssyncadd.s32 $0xFFFFC900  }
0x328: {  	_ =	swait.ge [sflag:s23], $0x3700  }
0x329: {  	[sflag:s23] =	ssyncset.done $0x0  }
0x32a: {  	[sflag:s23] =	ssyncadd.s32 $0xFFFFC900  }
0x32b: {  	_ =	sfence.sel $0x180000  }
0x32c: {  	[bflag:$0x0] =	sbarrier.arrive $0xFFFF  }
0x32d: {  	_ =	strace $0x90000047  }
0x32e: {  	[bflag:$0x2] =	sbarrier.arrive $0xFFFF  }
0x32f: {  	p0 =	sne.s32 s0, $0x0;
	s0 =	rddreg [dreg:$0x2]  }
0x330: {  	s0 =	sadd.s32 @!p0 $0x100000, s0  }
0x331: {  	[sflag:s0] =	ssyncadd.tile.s32 @!p0 $0x1;
	_ =	shalt  }
.Lfunc_end2:
_tile_overlayer_lowered:
.L_overlay_start_2:
0x332: {  	(tag) =	ssettag $0x2  }
0x333: {  	s0 =	rddreg [dreg:$0x0];
	s2 =	stileid.u32  }
0x334: {  	s1 =	rddreg [dreg:$0x1];
	p0 =	sne.s32 s2, $0x0  }
0x335: {  	s3 =	rddreg [dreg:$0x2];
	[bflag:$0x3] =	sbarrier.arrive $0xFFFF;
	s2 =	simm.s32 @!p0 $0x1C03  }
0x336: {  	[timem:s3], [sflag:s2] =	dma.local @!p0 [hbm:s0], s1  }
0x337: {  	s0 =	simm.s32 @!p0 $0x3  }
0x338: {  	_ =	swait.ge @!p0 [sflag:s0], s1  }
0x339: {  	s1 =	ssub.s32 @!p0 $0x0, s1;
	[sflag:s0] =	ssyncset.done @!p0 $0x0  }
0x33a: {  	[sflag:s0] =	ssyncadd.s32 @!p0 s1  }
0x33b: {  	[bflag:$0x3] =	sbarrier.arrive $0xFFFF  }
0x33c: {  	_ =	shalt  }

</sc_bundles>
